<compile_context>
chip_gen: v7x
topology: tpu7x:2x2x1
jax: 0.10.2.dev20260603
libtpu: 0.0.44.dev20260713+nightly
codegen_flags: <defaults>
</compile_context>

<pallas_src>
import jax
import jax.numpy as jnp
from jax import lax
from jax.experimental import pallas as pl
from jax.experimental.pallas import tpu as pltpu
from jax.experimental.pallas import tpu_sc as plsc

VOCAB = 100000
HIDDEN = 128
MAX_POS = 512
BATCH = 1024
SEQ = 512

_NC = 2
_NS = 16
_NW = _NC * _NS

_CHUNK = 128
_RING = 4
_AHEAD = 2
_TOK_PER_W = BATCH * SEQ // _NW
_NCHUNK = _TOK_PER_W // _CHUNK
_S_PER_W = SEQ // _NW
_CHUNK_PER_S = BATCH // _CHUNK
_LANE = 16
_ROW_VECS = HIDDEN // _LANE


def _body(ids_hbm, word_hbm, pos_hbm, out_hbm, idx_v, rows, pos_v, gsems,
          wsems):
    wid = lax.axis_index("s") * _NC + lax.axis_index("c")
    cbase = wid * _NCHUNK
    sbase = wid * _S_PER_W

    pltpu.sync_copy(ids_hbm.at[pl.ds(cbase, _NCHUNK)], idx_v)
    pltpu.sync_copy(pos_hbm.at[pl.ds(sbase, _S_PER_W)], pos_v)

    def start_gather(c, slot):
        pltpu.async_copy(word_hbm.at[idx_v.at[c]], rows[slot], gsems[slot])

    def wait_gather(c, slot):
        pltpu.make_async_copy(word_hbm.at[idx_v.at[c]], rows[slot],
                              gsems[slot]).wait()

    def _wb_dst(c):
        s_loc = lax.div(c, _CHUNK_PER_S)
        b0 = lax.rem(c, _CHUNK_PER_S) * _CHUNK
        return out_hbm.at[pl.ds(b0, _CHUNK), sbase + s_loc]

    def start_writeback(c, slot):
        pltpu.async_copy(rows[slot], _wb_dst(c), wsems[slot])

    def wait_writeback(c, slot):
        pltpu.make_async_copy(rows[slot], _wb_dst(c), wsems[slot]).wait()

    def add_pos(c, slot):
        s_loc = lax.div(c, _CHUNK_PER_S)
        rbuf = rows[slot]
        pv = [pos_v[s_loc, pl.ds(h * _LANE, _LANE)] for h in range(_ROW_VECS)]

        def row(r, _):
            for h in range(_ROW_VECS):
                sl = pl.ds(h * _LANE, _LANE)
                rbuf[r, sl] = rbuf[r, sl] + pv[h]
            return ()

        lax.fori_loop(0, _CHUNK, row, (), unroll=4)

    for c in range(_AHEAD):
        start_gather(c, c)

    def lane(c, j):
        wait_gather(c, j)

        @pl.when(c + _AHEAD < _NCHUNK)
        def _():
            nslot = (j + _AHEAD) % _RING

            @pl.when(c + _AHEAD >= _RING)
            def _():
                wait_writeback(c + _AHEAD - _RING, nslot)

            start_gather(c + _AHEAD, nslot)

        add_pos(c, j)
        start_writeback(c, j)

    def group(q, _):
        c0 = _RING * q
        for j in range(_RING):
            lane(c0 + j, j)
        return ()

    lax.fori_loop(0, _NCHUNK // _RING, group, ())

    for k in range(_RING):
        c = _NCHUNK - _RING + k
        wait_writeback(c, c % _RING)


def kernel(input_ids, word_embeddings, position_embeddings):
    ids = input_ids.astype(jnp.int32).T.reshape(SEQ * BATCH // _CHUNK, _CHUNK)
    mesh = plsc.VectorSubcoreMesh(core_axis_name="c", subcore_axis_name="s",
                                  num_cores=_NC, num_subcores=_NS)
    run = pl.kernel(
        lambda i, w, p, o, idx, pos, *bufs: _body(
            i, w, p, o, idx, bufs[:_RING], pos, bufs[_RING:2 * _RING],
            bufs[2 * _RING:]),
        out_type=jax.ShapeDtypeStruct((BATCH, SEQ, HIDDEN), jnp.float32),
        mesh=mesh,
        scratch_types=[
            pltpu.VMEM((_NCHUNK, _CHUNK), jnp.int32),
            pltpu.VMEM((_S_PER_W, HIDDEN), jnp.float32),
        ] + [pltpu.VMEM((_CHUNK, HIDDEN), jnp.float32)] * _RING
          + [pltpu.SemaphoreType.DMA] * (2 * _RING),
    )
    return run(ids, word_embeddings, position_embeddings)

# --- scband reference (transcript-rebuilt; emitter-appended) ---
"""Pipeline reference for scband-bert-embeddings-10660108828996 (READ-ONLY COPY).

The authoritative reference and input builder live on the scoring server;
editing this copy changes nothing except your own understanding.
"""

import jax, jax.numpy as jnp
import numpy as np

VOCAB = 100000
HIDDEN = 128
MAX_POS = 512
BATCH = 1024
SEQ = 512

def setup_inputs(seed: int = 0) -> dict:
    key = jax.random.key(seed)
    k1, k2, k3 = jax.random.split(key, 3)
    input_ids = jax.random.randint(k1, (BATCH, SEQ), 0, VOCAB, dtype=jnp.int64 if jax.config.jax_enable_x64 else jnp.int32)
    word_embeddings = jax.random.normal(k2, (VOCAB, HIDDEN), dtype=jnp.float32) * 0.02
    position_embeddings = jax.random.normal(k3, (MAX_POS, HIDDEN), dtype=jnp.float32) * 0.02
    return {"input_ids": input_ids, "word_embeddings": word_embeddings, "position_embeddings": position_embeddings}

def reference(input_ids, word_embeddings, position_embeddings):
    # Faithful translation of BertEmbeddings.forward (eval mode):
    # LayerNorm is identity (BertLayerNorm does nothing), dropout is identity in eval.
    seq_length = input_ids.shape[1]
    position_ids = jnp.arange(seq_length, dtype=input_ids.dtype)
    position_ids = jnp.broadcast_to(position_ids[None, :], input_ids.shape)
    words_embeddings = jnp.take(word_embeddings, input_ids, axis=0)
    pos_embeddings = jnp.take(position_embeddings, position_ids, axis=0)
    embeddings = words_embeddings + pos_embeddings
    return embeddings

if __name__ == "__main__":
    import jax
    _d = setup_inputs()
    print(jax.jit(kernel)(*tuple(_d.values())))

</pallas_src>

<mosaic_0001>
#map = affine_map<(d0, d1) -> (0, 0)>
#map1 = affine_map<(d0, d1) -> (0, 0, 0)>
module attributes {stable_mosaic.version = 14 : i64} {
  func.func @_lambda_(%arg0: i32, %arg1: i32, %arg2: memref<4096x128xi32, #tpu.memory_space<hbm>>, %arg3: memref<100000x128xf32, #tpu.memory_space<hbm>>, %arg4: memref<512x128xf32, #tpu.memory_space<hbm>>, %arg5: memref<1024x512x128xf32, #tpu.memory_space<hbm>>, %arg6: memref<128x128xi32, #tpu.memory_space<vmem>>, %arg7: memref<16x128xf32, #tpu.memory_space<vmem>>, %arg8: memref<128x128xf32, #tpu.memory_space<vmem>>, %arg9: memref<128x128xf32, #tpu.memory_space<vmem>>, %arg10: memref<128x128xf32, #tpu.memory_space<vmem>>, %arg11: memref<128x128xf32, #tpu.memory_space<vmem>>, %arg12: memref<!tpu.dma_semaphore, #tpu.memory_space<semaphore_mem>>, %arg13: memref<!tpu.dma_semaphore, #tpu.memory_space<semaphore_mem>>, %arg14: memref<!tpu.dma_semaphore, #tpu.memory_space<semaphore_mem>>, %arg15: memref<!tpu.dma_semaphore, #tpu.memory_space<semaphore_mem>>, %arg16: memref<!tpu.dma_semaphore, #tpu.memory_space<semaphore_mem>>, %arg17: memref<!tpu.dma_semaphore, #tpu.memory_space<semaphore_mem>>, %arg18: memref<!tpu.dma_semaphore, #tpu.memory_space<semaphore_mem>>, %arg19: memref<!tpu.dma_semaphore, #tpu.memory_space<semaphore_mem>>) attributes {dimension_semantics = [#tpu.dimension_semantics<core_parallel>, #tpu.dimension_semantics<subcore_parallel>], iteration_bounds = array<i64: 2, 16>, scalar_prefetch = 0 : i64, scratch_operands = 14 : i64, tpu.core_type = #tpu.core_type<sc_vector_subcore>, window_params = [{transform_indices = #map}, {transform_indices = #map}, {transform_indices = #map}, {transform_indices = #map1}]} {
    %mul3A = arith.constant 2 : i32
    %mul3A_0 = arith.muli %arg1, %mul3A : i32
    %add3A = arith.addi %mul3A_0, %arg0 : i32
    %mul3A_1 = arith.constant 128 : i32
    %mul3A_2 = arith.muli %add3A, %mul3A_1 : i32
    %mul3A_3 = arith.constant 16 : i32
    %mul3A_4 = arith.muli %add3A, %mul3A_3 : i32
    "tpu.region"() ({
      %run_scoped3A = tpu.sem_alloc : memref<!tpu.dma_semaphore, #tpu.memory_space<semaphore_mem>>
      %dma_start3A_79 = arith.constant 0 : i32
      %dma_start3A_80 = tpu.memref_slice %arg2[%mul3A_2, %dma_start3A_79] : memref<4096x128xi32, #tpu.memory_space<hbm>> -> memref<128x128xi32, #tpu.memory_space<hbm>>
      %dma_start3A_81 = arith.constant 0 : i32
      %dma_start3A_82 = tpu.memref_slice %arg2[%mul3A_2, %dma_start3A_81] : memref<4096x128xi32, #tpu.memory_space<hbm>> -> memref<128x128xi32, #tpu.memory_space<hbm>>
      tpu.enqueue_dma source(%dma_start3A_82 : memref<128x128xi32, #tpu.memory_space<hbm>>) target(%arg6 : memref<128x128xi32, #tpu.memory_space<vmem>>) target_semaphore(%run_scoped3A : memref<!tpu.dma_semaphore, #tpu.memory_space<semaphore_mem>>)
      %dma_wait3A_83 = arith.constant 0 : i32
      %dma_wait3A_84 = tpu.memref_slice %arg2[%mul3A_2, %dma_wait3A_83] : memref<4096x128xi32, #tpu.memory_space<hbm>> -> memref<128x128xi32, #tpu.memory_space<hbm>>
      %dma_wait3A_85 = arith.constant 0 : i32
      %dma_wait3A_86 = tpu.memref_slice %arg2[%mul3A_2, %dma_wait3A_85] : memref<4096x128xi32, #tpu.memory_space<hbm>> -> memref<128x128xi32, #tpu.memory_space<hbm>>
      tpu.wait_dma2 semaphore(%run_scoped3A : memref<!tpu.dma_semaphore, #tpu.memory_space<semaphore_mem>>) src(%dma_wait3A_86 : memref<128x128xi32, #tpu.memory_space<hbm>>) dst(%arg6 : memref<128x128xi32, #tpu.memory_space<vmem>>)
      tpu.yield
    }) : () -> ()
    "tpu.region"() ({
      %run_scoped3A = tpu.sem_alloc : memref<!tpu.dma_semaphore, #tpu.memory_space<semaphore_mem>>
      %dma_start3A_79 = arith.constant 0 : i32
      %dma_start3A_80 = tpu.memref_slice %arg4[%mul3A_4, %dma_start3A_79] : memref<512x128xf32, #tpu.memory_space<hbm>> -> memref<16x128xf32, #tpu.memory_space<hbm>>
      %dma_start3A_81 = arith.constant 0 : i32
      %dma_start3A_82 = tpu.memref_slice %arg4[%mul3A_4, %dma_start3A_81] : memref<512x128xf32, #tpu.memory_space<hbm>> -> memref<16x128xf32, #tpu.memory_space<hbm>>
      tpu.enqueue_dma source(%dma_start3A_82 : memref<16x128xf32, #tpu.memory_space<hbm>>) target(%arg7 : memref<16x128xf32, #tpu.memory_space<vmem>>) target_semaphore(%run_scoped3A : memref<!tpu.dma_semaphore, #tpu.memory_space<semaphore_mem>>)
      %dma_wait3A_83 = arith.constant 0 : i32
      %dma_wait3A_84 = tpu.memref_slice %arg4[%mul3A_4, %dma_wait3A_83] : memref<512x128xf32, #tpu.memory_space<hbm>> -> memref<16x128xf32, #tpu.memory_space<hbm>>
      %dma_wait3A_85 = arith.constant 0 : i32
      %dma_wait3A_86 = tpu.memref_slice %arg4[%mul3A_4, %dma_wait3A_85] : memref<512x128xf32, #tpu.memory_space<hbm>> -> memref<16x128xf32, #tpu.memory_space<hbm>>
      tpu.wait_dma2 semaphore(%run_scoped3A : memref<!tpu.dma_semaphore, #tpu.memory_space<semaphore_mem>>) src(%dma_wait3A_86 : memref<16x128xf32, #tpu.memory_space<hbm>>) dst(%arg7 : memref<16x128xf32, #tpu.memory_space<vmem>>)
      tpu.yield
    }) : () -> ()
    %dma_start3A = arith.constant 0 : i32
    %dma_start3A_5 = arith.constant 0 : i32
    %dma_start3A_6 = tpu.memref_slice %arg6[%dma_start3A, %dma_start3A_5] : memref<128x128xi32, #tpu.memory_space<vmem>> -> memref<1x128xi32, #tpu.memory_space<vmem>>
    %dma_start3A_7 = tpu.memref_squeeze %dma_start3A_6 : memref<1x128xi32, #tpu.memory_space<vmem>> -> memref<128xi32, #tpu.memory_space<vmem>>
    %dma_start3A_8 = arith.constant 0 : i32
    %dma_start3A_9 = arith.constant 0 : i32
    %dma_start3A_10 = tpu.memref_slice %arg3[%dma_start3A_8, %dma_start3A_9] : memref<100000x128xf32, #tpu.memory_space<hbm>> -> memref<100000x128xf32, #tpu.memory_space<hbm>>
    tpu.enqueue_indirect_dma source(%dma_start3A_10 : memref<100000x128xf32, #tpu.memory_space<hbm>>) target(%arg8 : memref<128x128xf32, #tpu.memory_space<vmem>>) offsets(%dma_start3A_7 : memref<128xi32, #tpu.memory_space<vmem>>) semaphore(%arg12 : memref<!tpu.dma_semaphore, #tpu.memory_space<semaphore_mem>>)
    %dma_start3A_11 = arith.constant 1 : i32
    %dma_start3A_12 = arith.constant 0 : i32
    %dma_start3A_13 = tpu.memref_slice %arg6[%dma_start3A_11, %dma_start3A_12] : memref<128x128xi32, #tpu.memory_space<vmem>> -> memref<1x128xi32, #tpu.memory_space<vmem>>
    %dma_start3A_14 = tpu.memref_squeeze %dma_start3A_13 : memref<1x128xi32, #tpu.memory_space<vmem>> -> memref<128xi32, #tpu.memory_space<vmem>>
    %dma_start3A_15 = arith.constant 0 : i32
    %dma_start3A_16 = arith.constant 0 : i32
    %dma_start3A_17 = tpu.memref_slice %arg3[%dma_start3A_15, %dma_start3A_16] : memref<100000x128xf32, #tpu.memory_space<hbm>> -> memref<100000x128xf32, #tpu.memory_space<hbm>>
    tpu.enqueue_indirect_dma source(%dma_start3A_17 : memref<100000x128xf32, #tpu.memory_space<hbm>>) target(%arg9 : memref<128x128xf32, #tpu.memory_space<vmem>>) offsets(%dma_start3A_14 : memref<128xi32, #tpu.memory_space<vmem>>) semaphore(%arg13 : memref<!tpu.dma_semaphore, #tpu.memory_space<semaphore_mem>>)
    %scan3A = arith.constant 0 : i32
    %scan3A_18 = arith.constant 32 : i32
    %scan3A_19 = arith.addi %scan3A, %scan3A_18 : i32
    %scan3A_20 = arith.constant 1 : i32
    scf.for %scan3A_79 = %scan3A to %scan3A_19 step %scan3A_20  : i32 {
      %mul3A_80 = arith.constant 4 : i32
      %mul3A_81 = arith.muli %mul3A_80, %scan3A_79 : i32
      %add3A_82 = arith.constant 0 : i32
      %add3A_83 = arith.addi %mul3A_81, %add3A_82 : i32
      %dma_wait3A_84 = arith.constant 0 : i32
      %dma_wait3A_85 = tpu.memref_slice %arg6[%add3A_83, %dma_wait3A_84] : memref<128x128xi32, #tpu.memory_space<vmem>> -> memref<1x128xi32, #tpu.memory_space<vmem>>
      %dma_wait3A_86 = tpu.memref_squeeze %dma_wait3A_85 : memref<1x128xi32, #tpu.memory_space<vmem>> -> memref<128xi32, #tpu.memory_space<vmem>>
      %dma_wait3A_87 = arith.constant 0 : i32
      %dma_wait3A_88 = arith.constant 0 : i32
      %dma_wait3A_89 = tpu.memref_slice %arg3[%dma_wait3A_87, %dma_wait3A_88] : memref<100000x128xf32, #tpu.memory_space<hbm>> -> memref<100000x128xf32, #tpu.memory_space<hbm>>
      tpu.wait_indirect_dma semaphore(%arg12 : memref<!tpu.dma_semaphore, #tpu.memory_space<semaphore_mem>>) src(%dma_wait3A_89 : memref<100000x128xf32, #tpu.memory_space<hbm>>) dst(%arg8 : memref<128x128xf32, #tpu.memory_space<vmem>>)
      %add3A_90 = arith.constant 2 : i32
      %add3A_91 = arith.addi %add3A_83, %add3A_90 : i32
      %lt3A = arith.constant 128 : i32
      %lt3A_92 = arith.cmpi slt, %add3A_91, %lt3A : i32
      %convert_element_type3A = arith.extui %lt3A_92 : i1 to i32
      %cond3A = arith.constant 0 : i32
      %cond3A_93 = arith.cmpi ne, %convert_element_type3A, %cond3A : i32
      scf.if %cond3A_93 {
        %add3A_346 = arith.constant 2 : i32
        %add3A_347 = arith.addi %add3A_83, %add3A_346 : i32
        %ge3A = arith.constant 4 : i32
        %ge3A_348 = arith.cmpi sge, %add3A_347, %ge3A : i32
        %convert_element_type3A_349 = arith.extui %ge3A_348 : i1 to i32
        %cond3A_350 = arith.constant 0 : i32
        %cond3A_351 = arith.cmpi ne, %convert_element_type3A_349, %cond3A_350 : i32
        scf.if %cond3A_351 {
          %add3A_360 = arith.constant 2 : i32
          %add3A_361 = arith.addi %add3A_83, %add3A_360 : i32
          %sub3A = arith.constant 4 : i32
          %sub3A_362 = arith.subi %add3A_361, %sub3A : i32
          %div3A_363 = arith.constant 8 : i32
          %div3A_364 = arith.divsi %sub3A_362, %div3A_363 : i32
          %rem3A_365 = arith.constant 8 : i32
          %rem3A_366 = arith.remsi %sub3A_362, %rem3A_365 : i32
          %mul3A_367 = arith.constant 128 : i32
          %mul3A_368 = arith.muli %rem3A_366, %mul3A_367 : i32
          %add3A_369 = arith.addi %mul3A_4, %div3A_364 : i32
          %dma_wait3A_370 = arith.constant 0 : i32
          %dma_wait3A_371 = tpu.memref_slice %arg5[%mul3A_368, %add3A_369, %dma_wait3A_370] : memref<1024x512x128xf32, #tpu.memory_space<hbm>> -> memref<128x1x128xf32, #tpu.memory_space<hbm>>
          %dma_wait3A_372 = tpu.memref_squeeze %dma_wait3A_371 : memref<128x1x128xf32, #tpu.memory_space<hbm>> -> memref<128x128xf32, #tpu.memory_space<hbm>>
          %dma_wait3A_373 = arith.constant 0 : i32
          %dma_wait3A_374 = tpu.memref_slice %arg5[%mul3A_368, %add3A_369, %dma_wait3A_373] : memref<1024x512x128xf32, #tpu.memory_space<hbm>> -> memref<128x1x128xf32, #tpu.memory_space<hbm>>
          %dma_wait3A_375 = tpu.memref_squeeze %dma_wait3A_374 : memref<128x1x128xf32, #tpu.memory_space<hbm>> -> memref<128x128xf32, #tpu.memory_space<hbm>>
          tpu.wait_dma2 semaphore(%arg18 : memref<!tpu.dma_semaphore, #tpu.memory_space<semaphore_mem>>) src(%arg10 : memref<128x128xf32, #tpu.memory_space<vmem>>) dst(%dma_wait3A_375 : memref<128x128xf32, #tpu.memory_space<hbm>>)
        } else {
        }
        %add3A_352 = arith.constant 2 : i32
        %add3A_353 = arith.addi %add3A_83, %add3A_352 : i32
        %dma_start3A_354 = arith.constant 0 : i32
        %dma_start3A_355 = tpu.memref_slice %arg6[%add3A_353, %dma_start3A_354] : memref<128x128xi32, #tpu.memory_space<vmem>> -> memref<1x128xi32, #tpu.memory_space<vmem>>
        %dma_start3A_356 = tpu.memref_squeeze %dma_start3A_355 : memref<1x128xi32, #tpu.memory_space<vmem>> -> memref<128xi32, #tpu.memory_space<vmem>>
        %dma_start3A_357 = arith.constant 0 : i32
        %dma_start3A_358 = arith.constant 0 : i32
        %dma_start3A_359 = tpu.memref_slice %arg3[%dma_start3A_357, %dma_start3A_358] : memref<100000x128xf32, #tpu.memory_space<hbm>> -> memref<100000x128xf32, #tpu.memory_space<hbm>>
        tpu.enqueue_indirect_dma source(%dma_start3A_359 : memref<100000x128xf32, #tpu.memory_space<hbm>>) target(%arg10 : memref<128x128xf32, #tpu.memory_space<vmem>>) offsets(%dma_start3A_356 : memref<128xi32, #tpu.memory_space<vmem>>) semaphore(%arg14 : memref<!tpu.dma_semaphore, #tpu.memory_space<semaphore_mem>>)
      } else {
      }
      %div3A_94 = arith.constant 8 : i32
      %div3A_95 = arith.divsi %add3A_83, %div3A_94 : i32
      %get3A = arith.index_cast %div3A_95 : i32 to index
      %get3A_96 = arith.constant 0 : index
      %get3A_97 = tpu.vector_load %arg7[%get3A, %get3A_96] {strides = array<i32>} : memref<16x128xf32, #tpu.memory_space<vmem>>, vector<1x16xf32>,
      %get3A_98 = vector.shape_cast %get3A_97 : vector<1x16xf32> to vector<16xf32>
      %get3A_99 = arith.index_cast %div3A_95 : i32 to index
      %get3A_100 = arith.constant 16 : index
      %get3A_101 = tpu.vector_load %arg7[%get3A_99, %get3A_100] {strides = array<i32>} : memref<16x128xf32, #tpu.memory_space<vmem>>, vector<1x16xf32>,
      %get3A_102 = vector.shape_cast %get3A_101 : vector<1x16xf32> to vector<16xf32>
      %get3A_103 = arith.index_cast %div3A_95 : i32 to index
      %get3A_104 = arith.constant 32 : index
      %get3A_105 = tpu.vector_load %arg7[%get3A_103, %get3A_104] {strides = array<i32>} : memref<16x128xf32, #tpu.memory_space<vmem>>, vector<1x16xf32>,
      %get3A_106 = vector.shape_cast %get3A_105 : vector<1x16xf32> to vector<16xf32>
      %get3A_107 = arith.index_cast %div3A_95 : i32 to index
      %get3A_108 = arith.constant 48 : index
      %get3A_109 = tpu.vector_load %arg7[%get3A_107, %get3A_108] {strides = array<i32>} : memref<16x128xf32, #tpu.memory_space<vmem>>, vector<1x16xf32>,
      %get3A_110 = vector.shape_cast %get3A_109 : vector<1x16xf32> to vector<16xf32>
      %get3A_111 = arith.index_cast %div3A_95 : i32 to index
      %get3A_112 = arith.constant 64 : index
      %get3A_113 = tpu.vector_load %arg7[%get3A_111, %get3A_112] {strides = array<i32>} : memref<16x128xf32, #tpu.memory_space<vmem>>, vector<1x16xf32>,
      %get3A_114 = vector.shape_cast %get3A_113 : vector<1x16xf32> to vector<16xf32>
      %get3A_115 = arith.index_cast %div3A_95 : i32 to index
      %get3A_116 = arith.constant 80 : index
      %get3A_117 = tpu.vector_load %arg7[%get3A_115, %get3A_116] {strides = array<i32>} : memref<16x128xf32, #tpu.memory_space<vmem>>, vector<1x16xf32>,
      %get3A_118 = vector.shape_cast %get3A_117 : vector<1x16xf32> to vector<16xf32>
      %get3A_119 = arith.index_cast %div3A_95 : i32 to index
      %get3A_120 = arith.constant 96 : index
      %get3A_121 = tpu.vector_load %arg7[%get3A_119, %get3A_120] {strides = array<i32>} : memref<16x128xf32, #tpu.memory_space<vmem>>, vector<1x16xf32>,
      %get3A_122 = vector.shape_cast %get3A_121 : vector<1x16xf32> to vector<16xf32>
      %get3A_123 = arith.index_cast %div3A_95 : i32 to index
      %get3A_124 = arith.constant 112 : index
      %get3A_125 = tpu.vector_load %arg7[%get3A_123, %get3A_124] {strides = array<i32>} : memref<16x128xf32, #tpu.memory_space<vmem>>, vector<1x16xf32>,
      %get3A_126 = vector.shape_cast %get3A_125 : vector<1x16xf32> to vector<16xf32>
      %scan3A_127 = arith.constant 0 : i32
      %scan3A_128 = arith.constant 128 : i32
      %scan3A_129 = arith.addi %scan3A_127, %scan3A_128 : i32
      %scan3A_130 = arith.constant 4 : i32
      scf.for %scan3A_346 = %scan3A_127 to %scan3A_129 step %scan3A_130  : i32 {
        %get3A_347 = arith.index_cast %scan3A_346 : i32 to index
        %get3A_348 = arith.constant 0 : index
        %get3A_349 = tpu.vector_load %arg8[%get3A_347, %get3A_348] {strides = array<i32>} : memref<128x128xf32, #tpu.memory_space<vmem>>, vector<1x16xf32>,
        %get3A_350 = vector.shape_cast %get3A_349 : vector<1x16xf32> to vector<16xf32>
        %add3A_351 = arith.addf %get3A_350, %get3A_98 : vector<16xf32>
        %swap3A = arith.index_cast %scan3A_346 : i32 to index
        %swap3A_352 = arith.constant 0 : index
        %swap3A_353 = tpu.vector_load %arg8[%swap3A, %swap3A_352] {strides = array<i32>} : memref<128x128xf32, #tpu.memory_space<vmem>>, vector<1x16xf32>,
        %swap3A_354 = vector.shape_cast %swap3A_353 : vector<1x16xf32> to vector<16xf32>
        %swap3A_355 = vector.shape_cast %add3A_351 : vector<16xf32> to vector<1x16xf32>
        tpu.vector_store %arg8[%swap3A, %swap3A_352], %swap3A_355 {strides = array<i32>} : memref<128x128xf32, #tpu.memory_space<vmem>>, vector<1x16xf32>,
        %get3A_356 = arith.index_cast %scan3A_346 : i32 to index
        %get3A_357 = arith.constant 16 : index
        %get3A_358 = tpu.vector_load %arg8[%get3A_356, %get3A_357] {strides = array<i32>} : memref<128x128xf32, #tpu.memory_space<vmem>>, vector<1x16xf32>,
        %get3A_359 = vector.shape_cast %get3A_358 : vector<1x16xf32> to vector<16xf32>
        %add3A_360 = arith.addf %get3A_359, %get3A_102 : vector<16xf32>
        %swap3A_361 = arith.index_cast %scan3A_346 : i32 to index
        %swap3A_362 = arith.constant 16 : index
        %swap3A_363 = tpu.vector_load %arg8[%swap3A_361, %swap3A_362] {strides = array<i32>} : memref<128x128xf32, #tpu.memory_space<vmem>>, vector<1x16xf32>,
        %swap3A_364 = vector.shape_cast %swap3A_363 : vector<1x16xf32> to vector<16xf32>
        %swap3A_365 = vector.shape_cast %add3A_360 : vector<16xf32> to vector<1x16xf32>
        tpu.vector_store %arg8[%swap3A_361, %swap3A_362], %swap3A_365 {strides = array<i32>} : memref<128x128xf32, #tpu.memory_space<vmem>>, vector<1x16xf32>,
        %get3A_366 = arith.index_cast %scan3A_346 : i32 to index
        %get3A_367 = arith.constant 32 : index
        %get3A_368 = tpu.vector_load %arg8[%get3A_366, %get3A_367] {strides = array<i32>} : memref<128x128xf32, #tpu.memory_space<vmem>>, vector<1x16xf32>,
        %get3A_369 = vector.shape_cast %get3A_368 : vector<1x16xf32> to vector<16xf32>
        %add3A_370 = arith.addf %get3A_369, %get3A_106 : vector<16xf32>
        %swap3A_371 = arith.index_cast %scan3A_346 : i32 to index
        %swap3A_372 = arith.constant 32 : index
        %swap3A_373 = tpu.vector_load %arg8[%swap3A_371, %swap3A_372] {strides = array<i32>} : memref<128x128xf32, #tpu.memory_space<vmem>>, vector<1x16xf32>,
        %swap3A_374 = vector.shape_cast %swap3A_373 : vector<1x16xf32> to vector<16xf32>
        %swap3A_375 = vector.shape_cast %add3A_370 : vector<16xf32> to vector<1x16xf32>
        tpu.vector_store %arg8[%swap3A_371, %swap3A_372], %swap3A_375 {strides = array<i32>} : memref<128x128xf32, #tpu.memory_space<vmem>>, vector<1x16xf32>,
        %get3A_376 = arith.index_cast %scan3A_346 : i32 to index
        %get3A_377 = arith.constant 48 : index
        %get3A_378 = tpu.vector_load %arg8[%get3A_376, %get3A_377] {strides = array<i32>} : memref<128x128xf32, #tpu.memory_space<vmem>>, vector<1x16xf32>,
        %get3A_379 = vector.shape_cast %get3A_378 : vector<1x16xf32> to vector<16xf32>
        %add3A_380 = arith.addf %get3A_379, %get3A_110 : vector<16xf32>
        %swap3A_381 = arith.index_cast %scan3A_346 : i32 to index
        %swap3A_382 = arith.constant 48 : index
        %swap3A_383 = tpu.vector_load %arg8[%swap3A_381, %swap3A_382] {strides = array<i32>} : memref<128x128xf32, #tpu.memory_space<vmem>>, vector<1x16xf32>,
        %swap3A_384 = vector.shape_cast %swap3A_383 : vector<1x16xf32> to vector<16xf32>
        %swap3A_385 = vector.shape_cast %add3A_380 : vector<16xf32> to vector<1x16xf32>
        tpu.vector_store %arg8[%swap3A_381, %swap3A_382], %swap3A_385 {strides = array<i32>} : memref<128x128xf32, #tpu.memory_space<vmem>>, vector<1x16xf32>,
        %get3A_386 = arith.index_cast %scan3A_346 : i32 to index
        %get3A_387 = arith.constant 64 : index
        %get3A_388 = tpu.vector_load %arg8[%get3A_386, %get3A_387] {strides = array<i32>} : memref<128x128xf32, #tpu.memory_space<vmem>>, vector<1x16xf32>,
        %get3A_389 = vector.shape_cast %get3A_388 : vector<1x16xf32> to vector<16xf32>
        %add3A_390 = arith.addf %get3A_389, %get3A_114 : vector<16xf32>
        %swap3A_391 = arith.index_cast %scan3A_346 : i32 to index
        %swap3A_392 = arith.constant 64 : index
        %swap3A_393 = tpu.vector_load %arg8[%swap3A_391, %swap3A_392] {strides = array<i32>} : memref<128x128xf32, #tpu.memory_space<vmem>>, vector<1x16xf32>,
        %swap3A_394 = vector.shape_cast %swap3A_393 : vector<1x16xf32> to vector<16xf32>
        %swap3A_395 = vector.shape_cast %add3A_390 : vector<16xf32> to vector<1x16xf32>
        tpu.vector_store %arg8[%swap3A_391, %swap3A_392], %swap3A_395 {strides = array<i32>} : memref<128x128xf32, #tpu.memory_space<vmem>>, vector<1x16xf32>,
        %get3A_396 = arith.index_cast %scan3A_346 : i32 to index
        %get3A_397 = arith.constant 80 : index
        %get3A_398 = tpu.vector_load %arg8[%get3A_396, %get3A_397] {strides = array<i32>} : memref<128x128xf32, #tpu.memory_space<vmem>>, vector<1x16xf32>,
        %get3A_399 = vector.shape_cast %get3A_398 : vector<1x16xf32> to vector<16xf32>
        %add3A_400 = arith.addf %get3A_399, %get3A_118 : vector<16xf32>
        %swap3A_401 = arith.index_cast %scan3A_346 : i32 to index
        %swap3A_402 = arith.constant 80 : index
        %swap3A_403 = tpu.vector_load %arg8[%swap3A_401, %swap3A_402] {strides = array<i32>} : memref<128x128xf32, #tpu.memory_space<vmem>>, vector<1x16xf32>,
        %swap3A_404 = vector.shape_cast %swap3A_403 : vector<1x16xf32> to vector<16xf32>
        %swap3A_405 = vector.shape_cast %add3A_400 : vector<16xf32> to vector<1x16xf32>
        tpu.vector_store %arg8[%swap3A_401, %swap3A_402], %swap3A_405 {strides = array<i32>} : memref<128x128xf32, #tpu.memory_space<vmem>>, vector<1x16xf32>,
        %get3A_406 = arith.index_cast %scan3A_346 : i32 to index
        %get3A_407 = arith.constant 96 : index
        %get3A_408 = tpu.vector_load %arg8[%get3A_406, %get3A_407] {strides = array<i32>} : memref<128x128xf32, #tpu.memory_space<vmem>>, vector<1x16xf32>,
        %get3A_409 = vector.shape_cast %get3A_408 : vector<1x16xf32> to vector<16xf32>
        %add3A_410 = arith.addf %get3A_409, %get3A_122 : vector<16xf32>
        %swap3A_411 = arith.index_cast %scan3A_346 : i32 to index
        %swap3A_412 = arith.constant 96 : index
        %swap3A_413 = tpu.vector_load %arg8[%swap3A_411, %swap3A_412] {strides = array<i32>} : memref<128x128xf32, #tpu.memory_space<vmem>>, vector<1x16xf32>,
        %swap3A_414 = vector.shape_cast %swap3A_413 : vector<1x16xf32> to vector<16xf32>
        %swap3A_415 = vector.shape_cast %add3A_410 : vector<16xf32> to vector<1x16xf32>
        tpu.vector_store %arg8[%swap3A_411, %swap3A_412], %swap3A_415 {strides = array<i32>} : memref<128x128xf32, #tpu.memory_space<vmem>>, vector<1x16xf32>,
        %get3A_416 = arith.index_cast %scan3A_346 : i32 to index
        %get3A_417 = arith.constant 112 : index
        %get3A_418 = tpu.vector_load %arg8[%get3A_416, %get3A_417] {strides = array<i32>} : memref<128x128xf32, #tpu.memory_space<vmem>>, vector<1x16xf32>,
        %get3A_419 = vector.shape_cast %get3A_418 : vector<1x16xf32> to vector<16xf32>
        %add3A_420 = arith.addf %get3A_419, %get3A_126 : vector<16xf32>
        %swap3A_421 = arith.index_cast %scan3A_346 : i32 to index
        %swap3A_422 = arith.constant 112 : index
        %swap3A_423 = tpu.vector_load %arg8[%swap3A_421, %swap3A_422] {strides = array<i32>} : memref<128x128xf32, #tpu.memory_space<vmem>>, vector<1x16xf32>,
        %swap3A_424 = vector.shape_cast %swap3A_423 : vector<1x16xf32> to vector<16xf32>
        %swap3A_425 = vector.shape_cast %add3A_420 : vector<16xf32> to vector<1x16xf32>
        tpu.vector_store %arg8[%swap3A_421, %swap3A_422], %swap3A_425 {strides = array<i32>} : memref<128x128xf32, #tpu.memory_space<vmem>>, vector<1x16xf32>,
        %scan3A_426 = arith.constant 1 : i32
        %scan3A_427 = arith.addi %scan3A_346, %scan3A_426 : i32
        %get3A_428 = arith.index_cast %scan3A_427 : i32 to index
        %get3A_429 = arith.constant 0 : index
        %get3A_430 = tpu.vector_load %arg8[%get3A_428, %get3A_429] {strides = array<i32>} : memref<128x128xf32, #tpu.memory_space<vmem>>, vector<1x16xf32>,
        %get3A_431 = vector.shape_cast %get3A_430 : vector<1x16xf32> to vector<16xf32>
        %add3A_432 = arith.addf %get3A_431, %get3A_98 : vector<16xf32>
        %swap3A_433 = arith.index_cast %scan3A_427 : i32 to index
        %swap3A_434 = arith.constant 0 : index
        %swap3A_435 = tpu.vector_load %arg8[%swap3A_433, %swap3A_434] {strides = array<i32>} : memref<128x128xf32, #tpu.memory_space<vmem>>, vector<1x16xf32>,
        %swap3A_436 = vector.shape_cast %swap3A_435 : vector<1x16xf32> to vector<16xf32>
        %swap3A_437 = vector.shape_cast %add3A_432 : vector<16xf32> to vector<1x16xf32>
        tpu.vector_store %arg8[%swap3A_433, %swap3A_434], %swap3A_437 {strides = array<i32>} : memref<128x128xf32, #tpu.memory_space<vmem>>, vector<1x16xf32>,
        %get3A_438 = arith.index_cast %scan3A_427 : i32 to index
        %get3A_439 = arith.constant 16 : index
        %get3A_440 = tpu.vector_load %arg8[%get3A_438, %get3A_439] {strides = array<i32>} : memref<128x128xf32, #tpu.memory_space<vmem>>, vector<1x16xf32>,
        %get3A_441 = vector.shape_cast %get3A_440 : vector<1x16xf32> to vector<16xf32>
        %add3A_442 = arith.addf %get3A_441, %get3A_102 : vector<16xf32>
        %swap3A_443 = arith.index_cast %scan3A_427 : i32 to index
        %swap3A_444 = arith.constant 16 : index
        %swap3A_445 = tpu.vector_load %arg8[%swap3A_443, %swap3A_444] {strides = array<i32>} : memref<128x128xf32, #tpu.memory_space<vmem>>, vector<1x16xf32>,
        %swap3A_446 = vector.shape_cast %swap3A_445 : vector<1x16xf32> to vector<16xf32>
        %swap3A_447 = vector.shape_cast %add3A_442 : vector<16xf32> to vector<1x16xf32>
        tpu.vector_store %arg8[%swap3A_443, %swap3A_444], %swap3A_447 {strides = array<i32>} : memref<128x128xf32, #tpu.memory_space<vmem>>, vector<1x16xf32>,
        %get3A_448 = arith.index_cast %scan3A_427 : i32 to index
        %get3A_449 = arith.constant 32 : index
        %get3A_450 = tpu.vector_load %arg8[%get3A_448, %get3A_449] {strides = array<i32>} : memref<128x128xf32, #tpu.memory_space<vmem>>, vector<1x16xf32>,
        %get3A_451 = vector.shape_cast %get3A_450 : vector<1x16xf32> to vector<16xf32>
        %add3A_452 = arith.addf %get3A_451, %get3A_106 : vector<16xf32>
        %swap3A_453 = arith.index_cast %scan3A_427 : i32 to index
        %swap3A_454 = arith.constant 32 : index
        %swap3A_455 = tpu.vector_load %arg8[%swap3A_453, %swap3A_454] {strides = array<i32>} : memref<128x128xf32, #tpu.memory_space<vmem>>, vector<1x16xf32>,
        %swap3A_456 = vector.shape_cast %swap3A_455 : vector<1x16xf32> to vector<16xf32>
        %swap3A_457 = vector.shape_cast %add3A_452 : vector<16xf32> to vector<1x16xf32>
        tpu.vector_store %arg8[%swap3A_453, %swap3A_454], %swap3A_457 {strides = array<i32>} : memref<128x128xf32, #tpu.memory_space<vmem>>, vector<1x16xf32>,
        %get3A_458 = arith.index_cast %scan3A_427 : i32 to index
        %get3A_459 = arith.constant 48 : index
        %get3A_460 = tpu.vector_load %arg8[%get3A_458, %get3A_459] {strides = array<i32>} : memref<128x128xf32, #tpu.memory_space<vmem>>, vector<1x16xf32>,
        %get3A_461 = vector.shape_cast %get3A_460 : vector<1x16xf32> to vector<16xf32>
        %add3A_462 = arith.addf %get3A_461, %get3A_110 : vector<16xf32>
        %swap3A_463 = arith.index_cast %scan3A_427 : i32 to index
        %swap3A_464 = arith.constant 48 : index
        %swap3A_465 = tpu.vector_load %arg8[%swap3A_463, %swap3A_464] {strides = array<i32>} : memref<128x128xf32, #tpu.memory_space<vmem>>, vector<1x16xf32>,
        %swap3A_466 = vector.shape_cast %swap3A_465 : vector<1x16xf32> to vector<16xf32>
        %swap3A_467 = vector.shape_cast %add3A_462 : vector<16xf32> to vector<1x16xf32>
        tpu.vector_store %arg8[%swap3A_463, %swap3A_464], %swap3A_467 {strides = array<i32>} : memref<128x128xf32, #tpu.memory_space<vmem>>, vector<1x16xf32>,
        %get3A_468 = arith.index_cast %scan3A_427 : i32 to index
        %get3A_469 = arith.constant 64 : index
        %get3A_470 = tpu.vector_load %arg8[%get3A_468, %get3A_469] {strides = array<i32>} : memref<128x128xf32, #tpu.memory_space<vmem>>, vector<1x16xf32>,
        %get3A_471 = vector.shape_cast %get3A_470 : vector<1x16xf32> to vector<16xf32>
        %add3A_472 = arith.addf %get3A_471, %get3A_114 : vector<16xf32>
        %swap3A_473 = arith.index_cast %scan3A_427 : i32 to index
        %swap3A_474 = arith.constant 64 : index
        %swap3A_475 = tpu.vector_load %arg8[%swap3A_473, %swap3A_474] {strides = array<i32>} : memref<128x128xf32, #tpu.memory_space<vmem>>, vector<1x16xf32>,
        %swap3A_476 = vector.shape_cast %swap3A_475 : vector<1x16xf32> to vector<16xf32>
        %swap3A_477 = vector.shape_cast %add3A_472 : vector<16xf32> to vector<1x16xf32>
        tpu.vector_store %arg8[%swap3A_473, %swap3A_474], %swap3A_477 {strides = array<i32>} : memref<128x128xf32, #tpu.memory_space<vmem>>, vector<1x16xf32>,
        %get3A_478 = arith.index_cast %scan3A_427 : i32 to index
        %get3A_479 = arith.constant 80 : index
        %get3A_480 = tpu.vector_load %arg8[%get3A_478, %get3A_479] {strides = array<i32>} : memref<128x128xf32, #tpu.memory_space<vmem>>, vector<1x16xf32>,
        %get3A_481 = vector.shape_cast %get3A_480 : vector<1x16xf32> to vector<16xf32>
        %add3A_482 = arith.addf %get3A_481, %get3A_118 : vector<16xf32>
        %swap3A_483 = arith.index_cast %scan3A_427 : i32 to index
        %swap3A_484 = arith.constant 80 : index
        %swap3A_485 = tpu.vector_load %arg8[%swap3A_483, %swap3A_484] {strides = array<i32>} : memref<128x128xf32, #tpu.memory_space<vmem>>, vector<1x16xf32>,
        %swap3A_486 = vector.shape_cast %swap3A_485 : vector<1x16xf32> to vector<16xf32>
        %swap3A_487 = vector.shape_cast %add3A_482 : vector<16xf32> to vector<1x16xf32>
        tpu.vector_store %arg8[%swap3A_483, %swap3A_484], %swap3A_487 {strides = array<i32>} : memref<128x128xf32, #tpu.memory_space<vmem>>, vector<1x16xf32>,
        %get3A_488 = arith.index_cast %scan3A_427 : i32 to index
        %get3A_489 = arith.constant 96 : index
        %get3A_490 = tpu.vector_load %arg8[%get3A_488, %get3A_489] {strides = array<i32>} : memref<128x128xf32, #tpu.memory_space<vmem>>, vector<1x16xf32>,
        %get3A_491 = vector.shape_cast %get3A_490 : vector<1x16xf32> to vector<16xf32>
        %add3A_492 = arith.addf %get3A_491, %get3A_122 : vector<16xf32>
        %swap3A_493 = arith.index_cast %scan3A_427 : i32 to index
        %swap3A_494 = arith.constant 96 : index
        %swap3A_495 = tpu.vector_load %arg8[%swap3A_493, %swap3A_494] {strides = array<i32>} : memref<128x128xf32, #tpu.memory_space<vmem>>, vector<1x16xf32>,
        %swap3A_496 = vector.shape_cast %swap3A_495 : vector<1x16xf32> to vector<16xf32>
        %swap3A_497 = vector.shape_cast %add3A_492 : vector<16xf32> to vector<1x16xf32>
        tpu.vector_store %arg8[%swap3A_493, %swap3A_494], %swap3A_497 {strides = array<i32>} : memref<128x128xf32, #tpu.memory_space<vmem>>, vector<1x16xf32>,
        %get3A_498 = arith.index_cast %scan3A_427 : i32 to index
        %get3A_499 = arith.constant 112 : index
        %get3A_500 = tpu.vector_load %arg8[%get3A_498, %get3A_499] {strides = array<i32>} : memref<128x128xf32, #tpu.memory_space<vmem>>, vector<1x16xf32>,
        %get3A_501 = vector.shape_cast %get3A_500 : vector<1x16xf32> to vector<16xf32>
        %add3A_502 = arith.addf %get3A_501, %get3A_126 : vector<16xf32>
        %swap3A_503 = arith.index_cast %scan3A_427 : i32 to index
        %swap3A_504 = arith.constant 112 : index
        %swap3A_505 = tpu.vector_load %arg8[%swap3A_503, %swap3A_504] {strides = array<i32>} : memref<128x128xf32, #tpu.memory_space<vmem>>, vector<1x16xf32>,
        %swap3A_506 = vector.shape_cast %swap3A_505 : vector<1x16xf32> to vector<16xf32>
        %swap3A_507 = vector.shape_cast %add3A_502 : vector<16xf32> to vector<1x16xf32>
        tpu.vector_store %arg8[%swap3A_503, %swap3A_504], %swap3A_507 {strides = array<i32>} : memref<128x128xf32, #tpu.memory_space<vmem>>, vector<1x16xf32>,
        %scan3A_508 = arith.constant 2 : i32
        %scan3A_509 = arith.addi %scan3A_346, %scan3A_508 : i32
        %get3A_510 = arith.index_cast %scan3A_509 : i32 to index
        %get3A_511 = arith.constant 0 : index
        %get3A_512 = tpu.vector_load %arg8[%get3A_510, %get3A_511] {strides = array<i32>} : memref<128x128xf32, #tpu.memory_space<vmem>>, vector<1x16xf32>,
        %get3A_513 = vector.shape_cast %get3A_512 : vector<1x16xf32> to vector<16xf32>
        %add3A_514 = arith.addf %get3A_513, %get3A_98 : vector<16xf32>
        %swap3A_515 = arith.index_cast %scan3A_509 : i32 to index
        %swap3A_516 = arith.constant 0 : index
        %swap3A_517 = tpu.vector_load %arg8[%swap3A_515, %swap3A_516] {strides = array<i32>} : memref<128x128xf32, #tpu.memory_space<vmem>>, vector<1x16xf32>,
        %swap3A_518 = vector.shape_cast %swap3A_517 : vector<1x16xf32> to vector<16xf32>
        %swap3A_519 = vector.shape_cast %add3A_514 : vector<16xf32> to vector<1x16xf32>
        tpu.vector_store %arg8[%swap3A_515, %swap3A_516], %swap3A_519 {strides = array<i32>} : memref<128x128xf32, #tpu.memory_space<vmem>>, vector<1x16xf32>,
        %get3A_520 = arith.index_cast %scan3A_509 : i32 to index
        %get3A_521 = arith.constant 16 : index
        %get3A_522 = tpu.vector_load %arg8[%get3A_520, %get3A_521] {strides = array<i32>} : memref<128x128xf32, #tpu.memory_space<vmem>>, vector<1x16xf32>,
        %get3A_523 = vector.shape_cast %get3A_522 : vector<1x16xf32> to vector<16xf32>
        %add3A_524 = arith.addf %get3A_523, %get3A_102 : vector<16xf32>
        %swap3A_525 = arith.index_cast %scan3A_509 : i32 to index
        %swap3A_526 = arith.constant 16 : index
        %swap3A_527 = tpu.vector_load %arg8[%swap3A_525, %swap3A_526] {strides = array<i32>} : memref<128x128xf32, #tpu.memory_space<vmem>>, vector<1x16xf32>,
        %swap3A_528 = vector.shape_cast %swap3A_527 : vector<1x16xf32> to vector<16xf32>
        %swap3A_529 = vector.shape_cast %add3A_524 : vector<16xf32> to vector<1x16xf32>
        tpu.vector_store %arg8[%swap3A_525, %swap3A_526], %swap3A_529 {strides = array<i32>} : memref<128x128xf32, #tpu.memory_space<vmem>>, vector<1x16xf32>,
        %get3A_530 = arith.index_cast %scan3A_509 : i32 to index
        %get3A_531 = arith.constant 32 : index
        %get3A_532 = tpu.vector_load %arg8[%get3A_530, %get3A_531] {strides = array<i32>} : memref<128x128xf32, #tpu.memory_space<vmem>>, vector<1x16xf32>,
        %get3A_533 = vector.shape_cast %get3A_532 : vector<1x16xf32> to vector<16xf32>
        %add3A_534 = arith.addf %get3A_533, %get3A_106 : vector<16xf32>
        %swap3A_535 = arith.index_cast %scan3A_509 : i32 to index
        %swap3A_536 = arith.constant 32 : index
        %swap3A_537 = tpu.vector_load %arg8[%swap3A_535, %swap3A_536] {strides = array<i32>} : memref<128x128xf32, #tpu.memory_space<vmem>>, vector<1x16xf32>,
        %swap3A_538 = vector.shape_cast %swap3A_537 : vector<1x16xf32> to vector<16xf32>
        %swap3A_539 = vector.shape_cast %add3A_534 : vector<16xf32> to vector<1x16xf32>
        tpu.vector_store %arg8[%swap3A_535, %swap3A_536], %swap3A_539 {strides = array<i32>} : memref<128x128xf32, #tpu.memory_space<vmem>>, vector<1x16xf32>,
        %get3A_540 = arith.index_cast %scan3A_509 : i32 to index
        %get3A_541 = arith.constant 48 : index
        %get3A_542 = tpu.vector_load %arg8[%get3A_540, %get3A_541] {strides = array<i32>} : memref<128x128xf32, #tpu.memory_space<vmem>>, vector<1x16xf32>,
        %get3A_543 = vector.shape_cast %get3A_542 : vector<1x16xf32> to vector<16xf32>
        %add3A_544 = arith.addf %get3A_543, %get3A_110 : vector<16xf32>
        %swap3A_545 = arith.index_cast %scan3A_509 : i32 to index
        %swap3A_546 = arith.constant 48 : index
        %swap3A_547 = tpu.vector_load %arg8[%swap3A_545, %swap3A_546] {strides = array<i32>} : memref<128x128xf32, #tpu.memory_space<vmem>>, vector<1x16xf32>,
        %swap3A_548 = vector.shape_cast %swap3A_547 : vector<1x16xf32> to vector<16xf32>
        %swap3A_549 = vector.shape_cast %add3A_544 : vector<16xf32> to vector<1x16xf32>
        tpu.vector_store %arg8[%swap3A_545, %swap3A_546], %swap3A_549 {strides = array<i32>} : memref<128x128xf32, #tpu.memory_space<vmem>>, vector<1x16xf32>,
        %get3A_550 = arith.index_cast %scan3A_509 : i32 to index
        %get3A_551 = arith.constant 64 : index
        %get3A_552 = tpu.vector_load %arg8[%get3A_550, %get3A_551] {strides = array<i32>} : memref<128x128xf32, #tpu.memory_space<vmem>>, vector<1x16xf32>,
        %get3A_553 = vector.shape_cast %get3A_552 : vector<1x16xf32> to vector<16xf32>
        %add3A_554 = arith.addf %get3A_553, %get3A_114 : vector<16xf32>
        %swap3A_555 = arith.index_cast %scan3A_509 : i32 to index
        %swap3A_556 = arith.constant 64 : index
        %swap3A_557 = tpu.vector_load %arg8[%swap3A_555, %swap3A_556] {strides = array<i32>} : memref<128x128xf32, #tpu.memory_space<vmem>>, vector<1x16xf32>,
        %swap3A_558 = vector.shape_cast %swap3A_557 : vector<1x16xf32> to vector<16xf32>
        %swap3A_559 = vector.shape_cast %add3A_554 : vector<16xf32> to vector<1x16xf32>
        tpu.vector_store %arg8[%swap3A_555, %swap3A_556], %swap3A_559 {strides = array<i32>} : memref<128x128xf32, #tpu.memory_space<vmem>>, vector<1x16xf32>,
        %get3A_560 = arith.index_cast %scan3A_509 : i32 to index
        %get3A_561 = arith.constant 80 : index
        %get3A_562 = tpu.vector_load %arg8[%get3A_560, %get3A_561] {strides = array<i32>} : memref<128x128xf32, #tpu.memory_space<vmem>>, vector<1x16xf32>,
        %get3A_563 = vector.shape_cast %get3A_562 : vector<1x16xf32> to vector<16xf32>
        %add3A_564 = arith.addf %get3A_563, %get3A_118 : vector<16xf32>
        %swap3A_565 = arith.index_cast %scan3A_509 : i32 to index
        %swap3A_566 = arith.constant 80 : index
        %swap3A_567 = tpu.vector_load %arg8[%swap3A_565, %swap3A_566] {strides = array<i32>} : memref<128x128xf32, #tpu.memory_space<vmem>>, vector<1x16xf32>,
        %swap3A_568 = vector.shape_cast %swap3A_567 : vector<1x16xf32> to vector<16xf32>
        %swap3A_569 = vector.shape_cast %add3A_564 : vector<16xf32> to vector<1x16xf32>
        tpu.vector_store %arg8[%swap3A_565, %swap3A_566], %swap3A_569 {strides = array<i32>} : memref<128x128xf32, #tpu.memory_space<vmem>>, vector<1x16xf32>,
        %get3A_570 = arith.index_cast %scan3A_509 : i32 to index
        %get3A_571 = arith.constant 96 : index
        %get3A_572 = tpu.vector_load %arg8[%get3A_570, %get3A_571] {strides = array<i32>} : memref<128x128xf32, #tpu.memory_space<vmem>>, vector<1x16xf32>,
        %get3A_573 = vector.shape_cast %get3A_572 : vector<1x16xf32> to vector<16xf32>
        %add3A_574 = arith.addf %get3A_573, %get3A_122 : vector<16xf32>
        %swap3A_575 = arith.index_cast %scan3A_509 : i32 to index
        %swap3A_576 = arith.constant 96 : index
        %swap3A_577 = tpu.vector_load %arg8[%swap3A_575, %swap3A_576] {strides = array<i32>} : memref<128x128xf32, #tpu.memory_space<vmem>>, vector<1x16xf32>,
        %swap3A_578 = vector.shape_cast %swap3A_577 : vector<1x16xf32> to vector<16xf32>
        %swap3A_579 = vector.shape_cast %add3A_574 : vector<16xf32> to vector<1x16xf32>
        tpu.vector_store %arg8[%swap3A_575, %swap3A_576], %swap3A_579 {strides = array<i32>} : memref<128x128xf32, #tpu.memory_space<vmem>>, vector<1x16xf32>,
        %get3A_580 = arith.index_cast %scan3A_509 : i32 to index
        %get3A_581 = arith.constant 112 : index
        %get3A_582 = tpu.vector_load %arg8[%get3A_580, %get3A_581] {strides = array<i32>} : memref<128x128xf32, #tpu.memory_space<vmem>>, vector<1x16xf32>,
        %get3A_583 = vector.shape_cast %get3A_582 : vector<1x16xf32> to vector<16xf32>
        %add3A_584 = arith.addf %get3A_583, %get3A_126 : vector<16xf32>
        %swap3A_585 = arith.index_cast %scan3A_509 : i32 to index
        %swap3A_586 = arith.constant 112 : index
        %swap3A_587 = tpu.vector_load %arg8[%swap3A_585, %swap3A_586] {strides = array<i32>} : memref<128x128xf32, #tpu.memory_space<vmem>>, vector<1x16xf32>,
        %swap3A_588 = vector.shape_cast %swap3A_587 : vector<1x16xf32> to vector<16xf32>
        %swap3A_589 = vector.shape_cast %add3A_584 : vector<16xf32> to vector<1x16xf32>
        tpu.vector_store %arg8[%swap3A_585, %swap3A_586], %swap3A_589 {strides = array<i32>} : memref<128x128xf32, #tpu.memory_space<vmem>>, vector<1x16xf32>,
        %scan3A_590 = arith.constant 3 : i32
        %scan3A_591 = arith.addi %scan3A_346, %scan3A_590 : i32
        %get3A_592 = arith.index_cast %scan3A_591 : i32 to index
        %get3A_593 = arith.constant 0 : index
        %get3A_594 = tpu.vector_load %arg8[%get3A_592, %get3A_593] {strides = array<i32>} : memref<128x128xf32, #tpu.memory_space<vmem>>, vector<1x16xf32>,
        %get3A_595 = vector.shape_cast %get3A_594 : vector<1x16xf32> to vector<16xf32>
        %add3A_596 = arith.addf %get3A_595, %get3A_98 : vector<16xf32>
        %swap3A_597 = arith.index_cast %scan3A_591 : i32 to index
        %swap3A_598 = arith.constant 0 : index
        %swap3A_599 = tpu.vector_load %arg8[%swap3A_597, %swap3A_598] {strides = array<i32>} : memref<128x128xf32, #tpu.memory_space<vmem>>, vector<1x16xf32>,
        %swap3A_600 = vector.shape_cast %swap3A_599 : vector<1x16xf32> to vector<16xf32>
        %swap3A_601 = vector.shape_cast %add3A_596 : vector<16xf32> to vector<1x16xf32>
        tpu.vector_store %arg8[%swap3A_597, %swap3A_598], %swap3A_601 {strides = array<i32>} : memref<128x128xf32, #tpu.memory_space<vmem>>, vector<1x16xf32>,
        %get3A_602 = arith.index_cast %scan3A_591 : i32 to index
        %get3A_603 = arith.constant 16 : index
        %get3A_604 = tpu.vector_load %arg8[%get3A_602, %get3A_603] {strides = array<i32>} : memref<128x128xf32, #tpu.memory_space<vmem>>, vector<1x16xf32>,
        %get3A_605 = vector.shape_cast %get3A_604 : vector<1x16xf32> to vector<16xf32>
        %add3A_606 = arith.addf %get3A_605, %get3A_102 : vector<16xf32>
        %swap3A_607 = arith.index_cast %scan3A_591 : i32 to index
        %swap3A_608 = arith.constant 16 : index
        %swap3A_609 = tpu.vector_load %arg8[%swap3A_607, %swap3A_608] {strides = array<i32>} : memref<128x128xf32, #tpu.memory_space<vmem>>, vector<1x16xf32>,
        %swap3A_610 = vector.shape_cast %swap3A_609 : vector<1x16xf32> to vector<16xf32>
        %swap3A_611 = vector.shape_cast %add3A_606 : vector<16xf32> to vector<1x16xf32>
        tpu.vector_store %arg8[%swap3A_607, %swap3A_608], %swap3A_611 {strides = array<i32>} : memref<128x128xf32, #tpu.memory_space<vmem>>, vector<1x16xf32>,
        %get3A_612 = arith.index_cast %scan3A_591 : i32 to index
        %get3A_613 = arith.constant 32 : index
        %get3A_614 = tpu.vector_load %arg8[%get3A_612, %get3A_613] {strides = array<i32>} : memref<128x128xf32, #tpu.memory_space<vmem>>, vector<1x16xf32>,
        %get3A_615 = vector.shape_cast %get3A_614 : vector<1x16xf32> to vector<16xf32>
        %add3A_616 = arith.addf %get3A_615, %get3A_106 : vector<16xf32>
        %swap3A_617 = arith.index_cast %scan3A_591 : i32 to index
        %swap3A_618 = arith.constant 32 : index
        %swap3A_619 = tpu.vector_load %arg8[%swap3A_617, %swap3A_618] {strides = array<i32>} : memref<128x128xf32, #tpu.memory_space<vmem>>, vector<1x16xf32>,
        %swap3A_620 = vector.shape_cast %swap3A_619 : vector<1x16xf32> to vector<16xf32>
        %swap3A_621 = vector.shape_cast %add3A_616 : vector<16xf32> to vector<1x16xf32>
        tpu.vector_store %arg8[%swap3A_617, %swap3A_618], %swap3A_621 {strides = array<i32>} : memref<128x128xf32, #tpu.memory_space<vmem>>, vector<1x16xf32>,
        %get3A_622 = arith.index_cast %scan3A_591 : i32 to index
        %get3A_623 = arith.constant 48 : index
        %get3A_624 = tpu.vector_load %arg8[%get3A_622, %get3A_623] {strides = array<i32>} : memref<128x128xf32, #tpu.memory_space<vmem>>, vector<1x16xf32>,
        %get3A_625 = vector.shape_cast %get3A_624 : vector<1x16xf32> to vector<16xf32>
        %add3A_626 = arith.addf %get3A_625, %get3A_110 : vector<16xf32>
        %swap3A_627 = arith.index_cast %scan3A_591 : i32 to index
        %swap3A_628 = arith.constant 48 : index
        %swap3A_629 = tpu.vector_load %arg8[%swap3A_627, %swap3A_628] {strides = array<i32>} : memref<128x128xf32, #tpu.memory_space<vmem>>, vector<1x16xf32>,
        %swap3A_630 = vector.shape_cast %swap3A_629 : vector<1x16xf32> to vector<16xf32>
        %swap3A_631 = vector.shape_cast %add3A_626 : vector<16xf32> to vector<1x16xf32>
        tpu.vector_store %arg8[%swap3A_627, %swap3A_628], %swap3A_631 {strides = array<i32>} : memref<128x128xf32, #tpu.memory_space<vmem>>, vector<1x16xf32>,
        %get3A_632 = arith.index_cast %scan3A_591 : i32 to index
        %get3A_633 = arith.constant 64 : index
        %get3A_634 = tpu.vector_load %arg8[%get3A_632, %get3A_633] {strides = array<i32>} : memref<128x128xf32, #tpu.memory_space<vmem>>, vector<1x16xf32>,
        %get3A_635 = vector.shape_cast %get3A_634 : vector<1x16xf32> to vector<16xf32>
        %add3A_636 = arith.addf %get3A_635, %get3A_114 : vector<16xf32>
        %swap3A_637 = arith.index_cast %scan3A_591 : i32 to index
        %swap3A_638 = arith.constant 64 : index
        %swap3A_639 = tpu.vector_load %arg8[%swap3A_637, %swap3A_638] {strides = array<i32>} : memref<128x128xf32, #tpu.memory_space<vmem>>, vector<1x16xf32>,
        %swap3A_640 = vector.shape_cast %swap3A_639 : vector<1x16xf32> to vector<16xf32>
        %swap3A_641 = vector.shape_cast %add3A_636 : vector<16xf32> to vector<1x16xf32>
        tpu.vector_store %arg8[%swap3A_637, %swap3A_638], %swap3A_641 {strides = array<i32>} : memref<128x128xf32, #tpu.memory_space<vmem>>, vector<1x16xf32>,
        %get3A_642 = arith.index_cast %scan3A_591 : i32 to index
        %get3A_643 = arith.constant 80 : index
        %get3A_644 = tpu.vector_load %arg8[%get3A_642, %get3A_643] {strides = array<i32>} : memref<128x128xf32, #tpu.memory_space<vmem>>, vector<1x16xf32>,
        %get3A_645 = vector.shape_cast %get3A_644 : vector<1x16xf32> to vector<16xf32>
        %add3A_646 = arith.addf %get3A_645, %get3A_118 : vector<16xf32>
        %swap3A_647 = arith.index_cast %scan3A_591 : i32 to index
        %swap3A_648 = arith.constant 80 : index
        %swap3A_649 = tpu.vector_load %arg8[%swap3A_647, %swap3A_648] {strides = array<i32>} : memref<128x128xf32, #tpu.memory_space<vmem>>, vector<1x16xf32>,
        %swap3A_650 = vector.shape_cast %swap3A_649 : vector<1x16xf32> to vector<16xf32>
        %swap3A_651 = vector.shape_cast %add3A_646 : vector<16xf32> to vector<1x16xf32>
        tpu.vector_store %arg8[%swap3A_647, %swap3A_648], %swap3A_651 {strides = array<i32>} : memref<128x128xf32, #tpu.memory_space<vmem>>, vector<1x16xf32>,
        %get3A_652 = arith.index_cast %scan3A_591 : i32 to index
        %get3A_653 = arith.constant 96 : index
        %get3A_654 = tpu.vector_load %arg8[%get3A_652, %get3A_653] {strides = array<i32>} : memref<128x128xf32, #tpu.memory_space<vmem>>, vector<1x16xf32>,
        %get3A_655 = vector.shape_cast %get3A_654 : vector<1x16xf32> to vector<16xf32>
        %add3A_656 = arith.addf %get3A_655, %get3A_122 : vector<16xf32>
        %swap3A_657 = arith.index_cast %scan3A_591 : i32 to index
        %swap3A_658 = arith.constant 96 : index
        %swap3A_659 = tpu.vector_load %arg8[%swap3A_657, %swap3A_658] {strides = array<i32>} : memref<128x128xf32, #tpu.memory_space<vmem>>, vector<1x16xf32>,
        %swap3A_660 = vector.shape_cast %swap3A_659 : vector<1x16xf32> to vector<16xf32>
        %swap3A_661 = vector.shape_cast %add3A_656 : vector<16xf32> to vector<1x16xf32>
        tpu.vector_store %arg8[%swap3A_657, %swap3A_658], %swap3A_661 {strides = array<i32>} : memref<128x128xf32, #tpu.memory_space<vmem>>, vector<1x16xf32>,
        %get3A_662 = arith.index_cast %scan3A_591 : i32 to index
        %get3A_663 = arith.constant 112 : index
        %get3A_664 = tpu.vector_load %arg8[%get3A_662, %get3A_663] {strides = array<i32>} : memref<128x128xf32, #tpu.memory_space<vmem>>, vector<1x16xf32>,
        %get3A_665 = vector.shape_cast %get3A_664 : vector<1x16xf32> to vector<16xf32>
        %add3A_666 = arith.addf %get3A_665, %get3A_126 : vector<16xf32>
        %swap3A_667 = arith.index_cast %scan3A_591 : i32 to index
        %swap3A_668 = arith.constant 112 : index
        %swap3A_669 = tpu.vector_load %arg8[%swap3A_667, %swap3A_668] {strides = array<i32>} : memref<128x128xf32, #tpu.memory_space<vmem>>, vector<1x16xf32>,
        %swap3A_670 = vector.shape_cast %swap3A_669 : vector<1x16xf32> to vector<16xf32>
        %swap3A_671 = vector.shape_cast %add3A_666 : vector<16xf32> to vector<1x16xf32>
        tpu.vector_store %arg8[%swap3A_667, %swap3A_668], %swap3A_671 {strides = array<i32>} : memref<128x128xf32, #tpu.memory_space<vmem>>, vector<1x16xf32>,
      }
      %scan3A_131 = arith.constant 128 : i32
      %div3A_132 = arith.constant 8 : i32
      %div3A_133 = arith.divsi %add3A_83, %div3A_132 : i32
      %rem3A_134 = arith.constant 8 : i32
      %rem3A_135 = arith.remsi %add3A_83, %rem3A_134 : i32
      %mul3A_136 = arith.constant 128 : i32
      %mul3A_137 = arith.muli %rem3A_135, %mul3A_136 : i32
      %add3A_138 = arith.addi %mul3A_4, %div3A_133 : i32
      %dma_start3A_139 = arith.constant 0 : i32
      %dma_start3A_140 = tpu.memref_slice %arg5[%mul3A_137, %add3A_138, %dma_start3A_139] : memref<1024x512x128xf32, #tpu.memory_space<hbm>> -> memref<128x1x128xf32, #tpu.memory_space<hbm>>
      %dma_start3A_141 = tpu.memref_squeeze %dma_start3A_140 : memref<128x1x128xf32, #tpu.memory_space<hbm>> -> memref<128x128xf32, #tpu.memory_space<hbm>>
      %dma_start3A_142 = arith.constant 0 : i32
      %dma_start3A_143 = tpu.memref_slice %arg5[%mul3A_137, %add3A_138, %dma_start3A_142] : memref<1024x512x128xf32, #tpu.memory_space<hbm>> -> memref<128x1x128xf32, #tpu.memory_space<hbm>>
      %dma_start3A_144 = tpu.memref_squeeze %dma_start3A_143 : memref<128x1x128xf32, #tpu.memory_space<hbm>> -> memref<128x128xf32, #tpu.memory_space<hbm>>
      tpu.enqueue_dma source(%arg8 : memref<128x128xf32, #tpu.memory_space<vmem>>) target(%dma_start3A_144 : memref<128x128xf32, #tpu.memory_space<hbm>>) target_semaphore(%arg16 : memref<!tpu.dma_semaphore, #tpu.memory_space<semaphore_mem>>)
      %add3A_145 = arith.constant 1 : i32
      %add3A_146 = arith.addi %mul3A_81, %add3A_145 : i32
      %dma_wait3A_147 = arith.constant 0 : i32
      %dma_wait3A_148 = tpu.memref_slice %arg6[%add3A_146, %dma_wait3A_147] : memref<128x128xi32, #tpu.memory_space<vmem>> -> memref<1x128xi32, #tpu.memory_space<vmem>>
      %dma_wait3A_149 = tpu.memref_squeeze %dma_wait3A_148 : memref<1x128xi32, #tpu.memory_space<vmem>> -> memref<128xi32, #tpu.memory_space<vmem>>
      %dma_wait3A_150 = arith.constant 0 : i32
      %dma_wait3A_151 = arith.constant 0 : i32
      %dma_wait3A_152 = tpu.memref_slice %arg3[%dma_wait3A_150, %dma_wait3A_151] : memref<100000x128xf32, #tpu.memory_space<hbm>> -> memref<100000x128xf32, #tpu.memory_space<hbm>>
      tpu.wait_indirect_dma semaphore(%arg13 : memref<!tpu.dma_semaphore, #tpu.memory_space<semaphore_mem>>) src(%dma_wait3A_152 : memref<100000x128xf32, #tpu.memory_space<hbm>>) dst(%arg9 : memref<128x128xf32, #tpu.memory_space<vmem>>)
      %add3A_153 = arith.constant 2 : i32
      %add3A_154 = arith.addi %add3A_146, %add3A_153 : i32
      %lt3A_155 = arith.constant 128 : i32
      %lt3A_156 = arith.cmpi slt, %add3A_154, %lt3A_155 : i32
      %convert_element_type3A_157 = arith.extui %lt3A_156 : i1 to i32
      %cond3A_158 = arith.constant 0 : i32
      %cond3A_159 = arith.cmpi ne, %convert_element_type3A_157, %cond3A_158 : i32
      scf.if %cond3A_159 {
        %add3A_346 = arith.constant 2 : i32
        %add3A_347 = arith.addi %add3A_146, %add3A_346 : i32
        %ge3A = arith.constant 4 : i32
        %ge3A_348 = arith.cmpi sge, %add3A_347, %ge3A : i32
        %convert_element_type3A_349 = arith.extui %ge3A_348 : i1 to i32
        %cond3A_350 = arith.constant 0 : i32
        %cond3A_351 = arith.cmpi ne, %convert_element_type3A_349, %cond3A_350 : i32
        scf.if %cond3A_351 {
          %add3A_360 = arith.constant 2 : i32
          %add3A_361 = arith.addi %add3A_146, %add3A_360 : i32
          %sub3A = arith.constant 4 : i32
          %sub3A_362 = arith.subi %add3A_361, %sub3A : i32
          %div3A_363 = arith.constant 8 : i32
          %div3A_364 = arith.divsi %sub3A_362, %div3A_363 : i32
          %rem3A_365 = arith.constant 8 : i32
          %rem3A_366 = arith.remsi %sub3A_362, %rem3A_365 : i32
          %mul3A_367 = arith.constant 128 : i32
          %mul3A_368 = arith.muli %rem3A_366, %mul3A_367 : i32
          %add3A_369 = arith.addi %mul3A_4, %div3A_364 : i32
          %dma_wait3A_370 = arith.constant 0 : i32
          %dma_wait3A_371 = tpu.memref_slice %arg5[%mul3A_368, %add3A_369, %dma_wait3A_370] : memref<1024x512x128xf32, #tpu.memory_space<hbm>> -> memref<128x1x128xf32, #tpu.memory_space<hbm>>
          %dma_wait3A_372 = tpu.memref_squeeze %dma_wait3A_371 : memref<128x1x128xf32, #tpu.memory_space<hbm>> -> memref<128x128xf32, #tpu.memory_space<hbm>>
          %dma_wait3A_373 = arith.constant 0 : i32
          %dma_wait3A_374 = tpu.memref_slice %arg5[%mul3A_368, %add3A_369, %dma_wait3A_373] : memref<1024x512x128xf32, #tpu.memory_space<hbm>> -> memref<128x1x128xf32, #tpu.memory_space<hbm>>
          %dma_wait3A_375 = tpu.memref_squeeze %dma_wait3A_374 : memref<128x1x128xf32, #tpu.memory_space<hbm>> -> memref<128x128xf32, #tpu.memory_space<hbm>>
          tpu.wait_dma2 semaphore(%arg19 : memref<!tpu.dma_semaphore, #tpu.memory_space<semaphore_mem>>) src(%arg11 : memref<128x128xf32, #tpu.memory_space<vmem>>) dst(%dma_wait3A_375 : memref<128x128xf32, #tpu.memory_space<hbm>>)
        } else {
        }
        %add3A_352 = arith.constant 2 : i32
        %add3A_353 = arith.addi %add3A_146, %add3A_352 : i32
        %dma_start3A_354 = arith.constant 0 : i32
        %dma_start3A_355 = tpu.memref_slice %arg6[%add3A_353, %dma_start3A_354] : memref<128x128xi32, #tpu.memory_space<vmem>> -> memref<1x128xi32, #tpu.memory_space<vmem>>
        %dma_start3A_356 = tpu.memref_squeeze %dma_start3A_355 : memref<1x128xi32, #tpu.memory_space<vmem>> -> memref<128xi32, #tpu.memory_space<vmem>>
        %dma_start3A_357 = arith.constant 0 : i32
        %dma_start3A_358 = arith.constant 0 : i32
        %dma_start3A_359 = tpu.memref_slice %arg3[%dma_start3A_357, %dma_start3A_358] : memref<100000x128xf32, #tpu.memory_space<hbm>> -> memref<100000x128xf32, #tpu.memory_space<hbm>>
        tpu.enqueue_indirect_dma source(%dma_start3A_359 : memref<100000x128xf32, #tpu.memory_space<hbm>>) target(%arg11 : memref<128x128xf32, #tpu.memory_space<vmem>>) offsets(%dma_start3A_356 : memref<128xi32, #tpu.memory_space<vmem>>) semaphore(%arg15 : memref<!tpu.dma_semaphore, #tpu.memory_space<semaphore_mem>>)
      } else {
      }
      %div3A_160 = arith.constant 8 : i32
      %div3A_161 = arith.divsi %add3A_146, %div3A_160 : i32
      %get3A_162 = arith.index_cast %div3A_161 : i32 to index
      %get3A_163 = arith.constant 0 : index
      %get3A_164 = tpu.vector_load %arg7[%get3A_162, %get3A_163] {strides = array<i32>} : memref<16x128xf32, #tpu.memory_space<vmem>>, vector<1x16xf32>,
      %get3A_165 = vector.shape_cast %get3A_164 : vector<1x16xf32> to vector<16xf32>
      %get3A_166 = arith.index_cast %div3A_161 : i32 to index
      %get3A_167 = arith.constant 16 : index
      %get3A_168 = tpu.vector_load %arg7[%get3A_166, %get3A_167] {strides = array<i32>} : memref<16x128xf32, #tpu.memory_space<vmem>>, vector<1x16xf32>,
      %get3A_169 = vector.shape_cast %get3A_168 : vector<1x16xf32> to vector<16xf32>
      %get3A_170 = arith.index_cast %div3A_161 : i32 to index
      %get3A_171 = arith.constant 32 : index
      %get3A_172 = tpu.vector_load %arg7[%get3A_170, %get3A_171] {strides = array<i32>} : memref<16x128xf32, #tpu.memory_space<vmem>>, vector<1x16xf32>,
      %get3A_173 = vector.shape_cast %get3A_172 : vector<1x16xf32> to vector<16xf32>
      %get3A_174 = arith.index_cast %div3A_161 : i32 to index
      %get3A_175 = arith.constant 48 : index
      %get3A_176 = tpu.vector_load %arg7[%get3A_174, %get3A_175] {strides = array<i32>} : memref<16x128xf32, #tpu.memory_space<vmem>>, vector<1x16xf32>,
      %get3A_177 = vector.shape_cast %get3A_176 : vector<1x16xf32> to vector<16xf32>
      %get3A_178 = arith.index_cast %div3A_161 : i32 to index
      %get3A_179 = arith.constant 64 : index
      %get3A_180 = tpu.vector_load %arg7[%get3A_178, %get3A_179] {strides = array<i32>} : memref<16x128xf32, #tpu.memory_space<vmem>>, vector<1x16xf32>,
      %get3A_181 = vector.shape_cast %get3A_180 : vector<1x16xf32> to vector<16xf32>
      %get3A_182 = arith.index_cast %div3A_161 : i32 to index
      %get3A_183 = arith.constant 80 : index
      %get3A_184 = tpu.vector_load %arg7[%get3A_182, %get3A_183] {strides = array<i32>} : memref<16x128xf32, #tpu.memory_space<vmem>>, vector<1x16xf32>,
      %get3A_185 = vector.shape_cast %get3A_184 : vector<1x16xf32> to vector<16xf32>
      %get3A_186 = arith.index_cast %div3A_161 : i32 to index
      %get3A_187 = arith.constant 96 : index
      %get3A_188 = tpu.vector_load %arg7[%get3A_186, %get3A_187] {strides = array<i32>} : memref<16x128xf32, #tpu.memory_space<vmem>>, vector<1x16xf32>,
      %get3A_189 = vector.shape_cast %get3A_188 : vector<1x16xf32> to vector<16xf32>
      %get3A_190 = arith.index_cast %div3A_161 : i32 to index
      %get3A_191 = arith.constant 112 : index
      %get3A_192 = tpu.vector_load %arg7[%get3A_190, %get3A_191] {strides = array<i32>} : memref<16x128xf32, #tpu.memory_space<vmem>>, vector<1x16xf32>,
      %get3A_193 = vector.shape_cast %get3A_192 : vector<1x16xf32> to vector<16xf32>
      %scan3A_194 = arith.constant 0 : i32
      %scan3A_195 = arith.constant 128 : i32
      %scan3A_196 = arith.addi %scan3A_194, %scan3A_195 : i32
      %scan3A_197 = arith.constant 4 : i32
      scf.for %scan3A_346 = %scan3A_194 to %scan3A_196 step %scan3A_197  : i32 {
        %get3A_347 = arith.index_cast %scan3A_346 : i32 to index
        %get3A_348 = arith.constant 0 : index
        %get3A_349 = tpu.vector_load %arg9[%get3A_347, %get3A_348] {strides = array<i32>} : memref<128x128xf32, #tpu.memory_space<vmem>>, vector<1x16xf32>,
        %get3A_350 = vector.shape_cast %get3A_349 : vector<1x16xf32> to vector<16xf32>
        %add3A_351 = arith.addf %get3A_350, %get3A_165 : vector<16xf32>
        %swap3A = arith.index_cast %scan3A_346 : i32 to index
        %swap3A_352 = arith.constant 0 : index
        %swap3A_353 = tpu.vector_load %arg9[%swap3A, %swap3A_352] {strides = array<i32>} : memref<128x128xf32, #tpu.memory_space<vmem>>, vector<1x16xf32>,
        %swap3A_354 = vector.shape_cast %swap3A_353 : vector<1x16xf32> to vector<16xf32>
        %swap3A_355 = vector.shape_cast %add3A_351 : vector<16xf32> to vector<1x16xf32>
        tpu.vector_store %arg9[%swap3A, %swap3A_352], %swap3A_355 {strides = array<i32>} : memref<128x128xf32, #tpu.memory_space<vmem>>, vector<1x16xf32>,
        %get3A_356 = arith.index_cast %scan3A_346 : i32 to index
        %get3A_357 = arith.constant 16 : index
        %get3A_358 = tpu.vector_load %arg9[%get3A_356, %get3A_357] {strides = array<i32>} : memref<128x128xf32, #tpu.memory_space<vmem>>, vector<1x16xf32>,
        %get3A_359 = vector.shape_cast %get3A_358 : vector<1x16xf32> to vector<16xf32>
        %add3A_360 = arith.addf %get3A_359, %get3A_169 : vector<16xf32>
        %swap3A_361 = arith.index_cast %scan3A_346 : i32 to index
        %swap3A_362 = arith.constant 16 : index
        %swap3A_363 = tpu.vector_load %arg9[%swap3A_361, %swap3A_362] {strides = array<i32>} : memref<128x128xf32, #tpu.memory_space<vmem>>, vector<1x16xf32>,
        %swap3A_364 = vector.shape_cast %swap3A_363 : vector<1x16xf32> to vector<16xf32>
        %swap3A_365 = vector.shape_cast %add3A_360 : vector<16xf32> to vector<1x16xf32>
        tpu.vector_store %arg9[%swap3A_361, %swap3A_362], %swap3A_365 {strides = array<i32>} : memref<128x128xf32, #tpu.memory_space<vmem>>, vector<1x16xf32>,
        %get3A_366 = arith.index_cast %scan3A_346 : i32 to index
        %get3A_367 = arith.constant 32 : index
        %get3A_368 = tpu.vector_load %arg9[%get3A_366, %get3A_367] {strides = array<i32>} : memref<128x128xf32, #tpu.memory_space<vmem>>, vector<1x16xf32>,
        %get3A_369 = vector.shape_cast %get3A_368 : vector<1x16xf32> to vector<16xf32>
        %add3A_370 = arith.addf %get3A_369, %get3A_173 : vector<16xf32>
        %swap3A_371 = arith.index_cast %scan3A_346 : i32 to index
        %swap3A_372 = arith.constant 32 : index
        %swap3A_373 = tpu.vector_load %arg9[%swap3A_371, %swap3A_372] {strides = array<i32>} : memref<128x128xf32, #tpu.memory_space<vmem>>, vector<1x16xf32>,
        %swap3A_374 = vector.shape_cast %swap3A_373 : vector<1x16xf32> to vector<16xf32>
        %swap3A_375 = vector.shape_cast %add3A_370 : vector<16xf32> to vector<1x16xf32>
        tpu.vector_store %arg9[%swap3A_371, %swap3A_372], %swap3A_375 {strides = array<i32>} : memref<128x128xf32, #tpu.memory_space<vmem>>, vector<1x16xf32>,
        %get3A_376 = arith.index_cast %scan3A_346 : i32 to index
        %get3A_377 = arith.constant 48 : index
        %get3A_378 = tpu.vector_load %arg9[%get3A_376, %get3A_377] {strides = array<i32>} : memref<128x128xf32, #tpu.memory_space<vmem>>, vector<1x16xf32>,
        %get3A_379 = vector.shape_cast %get3A_378 : vector<1x16xf32> to vector<16xf32>
        %add3A_380 = arith.addf %get3A_379, %get3A_177 : vector<16xf32>
        %swap3A_381 = arith.index_cast %scan3A_346 : i32 to index
        %swap3A_382 = arith.constant 48 : index
        %swap3A_383 = tpu.vector_load %arg9[%swap3A_381, %swap3A_382] {strides = array<i32>} : memref<128x128xf32, #tpu.memory_space<vmem>>, vector<1x16xf32>,
        %swap3A_384 = vector.shape_cast %swap3A_383 : vector<1x16xf32> to vector<16xf32>
        %swap3A_385 = vector.shape_cast %add3A_380 : vector<16xf32> to vector<1x16xf32>
        tpu.vector_store %arg9[%swap3A_381, %swap3A_382], %swap3A_385 {strides = array<i32>} : memref<128x128xf32, #tpu.memory_space<vmem>>, vector<1x16xf32>,
        %get3A_386 = arith.index_cast %scan3A_346 : i32 to index
        %get3A_387 = arith.constant 64 : index
        %get3A_388 = tpu.vector_load %arg9[%get3A_386, %get3A_387] {strides = array<i32>} : memref<128x128xf32, #tpu.memory_space<vmem>>, vector<1x16xf32>,
        %get3A_389 = vector.shape_cast %get3A_388 : vector<1x16xf32> to vector<16xf32>
        %add3A_390 = arith.addf %get3A_389, %get3A_181 : vector<16xf32>
        %swap3A_391 = arith.index_cast %scan3A_346 : i32 to index
        %swap3A_392 = arith.constant 64 : index
        %swap3A_393 = tpu.vector_load %arg9[%swap3A_391, %swap3A_392] {strides = array<i32>} : memref<128x128xf32, #tpu.memory_space<vmem>>, vector<1x16xf32>,
        %swap3A_394 = vector.shape_cast %swap3A_393 : vector<1x16xf32> to vector<16xf32>
        %swap3A_395 = vector.shape_cast %add3A_390 : vector<16xf32> to vector<1x16xf32>
        tpu.vector_store %arg9[%swap3A_391, %swap3A_392], %swap3A_395 {strides = array<i32>} : memref<128x128xf32, #tpu.memory_space<vmem>>, vector<1x16xf32>,
        %get3A_396 = arith.index_cast %scan3A_346 : i32 to index
        %get3A_397 = arith.constant 80 : index
        %get3A_398 = tpu.vector_load %arg9[%get3A_396, %get3A_397] {strides = array<i32>} : memref<128x128xf32, #tpu.memory_space<vmem>>, vector<1x16xf32>,
        %get3A_399 = vector.shape_cast %get3A_398 : vector<1x16xf32> to vector<16xf32>
        %add3A_400 = arith.addf %get3A_399, %get3A_185 : vector<16xf32>
        %swap3A_401 = arith.index_cast %scan3A_346 : i32 to index
        %swap3A_402 = arith.constant 80 : index
        %swap3A_403 = tpu.vector_load %arg9[%swap3A_401, %swap3A_402] {strides = array<i32>} : memref<128x128xf32, #tpu.memory_space<vmem>>, vector<1x16xf32>,
        %swap3A_404 = vector.shape_cast %swap3A_403 : vector<1x16xf32> to vector<16xf32>
        %swap3A_405 = vector.shape_cast %add3A_400 : vector<16xf32> to vector<1x16xf32>
        tpu.vector_store %arg9[%swap3A_401, %swap3A_402], %swap3A_405 {strides = array<i32>} : memref<128x128xf32, #tpu.memory_space<vmem>>, vector<1x16xf32>,
        %get3A_406 = arith.index_cast %scan3A_346 : i32 to index
        %get3A_407 = arith.constant 96 : index
        %get3A_408 = tpu.vector_load %arg9[%get3A_406, %get3A_407] {strides = array<i32>} : memref<128x128xf32, #tpu.memory_space<vmem>>, vector<1x16xf32>,
        %get3A_409 = vector.shape_cast %get3A_408 : vector<1x16xf32> to vector<16xf32>
        %add3A_410 = arith.addf %get3A_409, %get3A_189 : vector<16xf32>
        %swap3A_411 = arith.index_cast %scan3A_346 : i32 to index
        %swap3A_412 = arith.constant 96 : index
        %swap3A_413 = tpu.vector_load %arg9[%swap3A_411, %swap3A_412] {strides = array<i32>} : memref<128x128xf32, #tpu.memory_space<vmem>>, vector<1x16xf32>,
        %swap3A_414 = vector.shape_cast %swap3A_413 : vector<1x16xf32> to vector<16xf32>
        %swap3A_415 = vector.shape_cast %add3A_410 : vector<16xf32> to vector<1x16xf32>
        tpu.vector_store %arg9[%swap3A_411, %swap3A_412], %swap3A_415 {strides = array<i32>} : memref<128x128xf32, #tpu.memory_space<vmem>>, vector<1x16xf32>,
        %get3A_416 = arith.index_cast %scan3A_346 : i32 to index
        %get3A_417 = arith.constant 112 : index
        %get3A_418 = tpu.vector_load %arg9[%get3A_416, %get3A_417] {strides = array<i32>} : memref<128x128xf32, #tpu.memory_space<vmem>>, vector<1x16xf32>,
        %get3A_419 = vector.shape_cast %get3A_418 : vector<1x16xf32> to vector<16xf32>
        %add3A_420 = arith.addf %get3A_419, %get3A_193 : vector<16xf32>
        %swap3A_421 = arith.index_cast %scan3A_346 : i32 to index
        %swap3A_422 = arith.constant 112 : index
        %swap3A_423 = tpu.vector_load %arg9[%swap3A_421, %swap3A_422] {strides = array<i32>} : memref<128x128xf32, #tpu.memory_space<vmem>>, vector<1x16xf32>,
        %swap3A_424 = vector.shape_cast %swap3A_423 : vector<1x16xf32> to vector<16xf32>
        %swap3A_425 = vector.shape_cast %add3A_420 : vector<16xf32> to vector<1x16xf32>
        tpu.vector_store %arg9[%swap3A_421, %swap3A_422], %swap3A_425 {strides = array<i32>} : memref<128x128xf32, #tpu.memory_space<vmem>>, vector<1x16xf32>,
        %scan3A_426 = arith.constant 1 : i32
        %scan3A_427 = arith.addi %scan3A_346, %scan3A_426 : i32
        %get3A_428 = arith.index_cast %scan3A_427 : i32 to index
        %get3A_429 = arith.constant 0 : index
        %get3A_430 = tpu.vector_load %arg9[%get3A_428, %get3A_429] {strides = array<i32>} : memref<128x128xf32, #tpu.memory_space<vmem>>, vector<1x16xf32>,
        %get3A_431 = vector.shape_cast %get3A_430 : vector<1x16xf32> to vector<16xf32>
        %add3A_432 = arith.addf %get3A_431, %get3A_165 : vector<16xf32>
        %swap3A_433 = arith.index_cast %scan3A_427 : i32 to index
        %swap3A_434 = arith.constant 0 : index
        %swap3A_435 = tpu.vector_load %arg9[%swap3A_433, %swap3A_434] {strides = array<i32>} : memref<128x128xf32, #tpu.memory_space<vmem>>, vector<1x16xf32>,
        %swap3A_436 = vector.shape_cast %swap3A_435 : vector<1x16xf32> to vector<16xf32>
        %swap3A_437 = vector.shape_cast %add3A_432 : vector<16xf32> to vector<1x16xf32>
        tpu.vector_store %arg9[%swap3A_433, %swap3A_434], %swap3A_437 {strides = array<i32>} : memref<128x128xf32, #tpu.memory_space<vmem>>, vector<1x16xf32>,
        %get3A_438 = arith.index_cast %scan3A_427 : i32 to index
        %get3A_439 = arith.constant 16 : index
        %get3A_440 = tpu.vector_load %arg9[%get3A_438, %get3A_439] {strides = array<i32>} : memref<128x128xf32, #tpu.memory_space<vmem>>, vector<1x16xf32>,
        %get3A_441 = vector.shape_cast %get3A_440 : vector<1x16xf32> to vector<16xf32>
        %add3A_442 = arith.addf %get3A_441, %get3A_169 : vector<16xf32>
        %swap3A_443 = arith.index_cast %scan3A_427 : i32 to index
        %swap3A_444 = arith.constant 16 : index
        %swap3A_445 = tpu.vector_load %arg9[%swap3A_443, %swap3A_444] {strides = array<i32>} : memref<128x128xf32, #tpu.memory_space<vmem>>, vector<1x16xf32>,
        %swap3A_446 = vector.shape_cast %swap3A_445 : vector<1x16xf32> to vector<16xf32>
        %swap3A_447 = vector.shape_cast %add3A_442 : vector<16xf32> to vector<1x16xf32>
        tpu.vector_store %arg9[%swap3A_443, %swap3A_444], %swap3A_447 {strides = array<i32>} : memref<128x128xf32, #tpu.memory_space<vmem>>, vector<1x16xf32>,
        %get3A_448 = arith.index_cast %scan3A_427 : i32 to index
        %get3A_449 = arith.constant 32 : index
        %get3A_450 = tpu.vector_load %arg9[%get3A_448, %get3A_449] {strides = array<i32>} : memref<128x128xf32, #tpu.memory_space<vmem>>, vector<1x16xf32>,
        %get3A_451 = vector.shape_cast %get3A_450 : vector<1x16xf32> to vector<16xf32>
        %add3A_452 = arith.addf %get3A_451, %get3A_173 : vector<16xf32>
        %swap3A_453 = arith.index_cast %scan3A_427 : i32 to index
        %swap3A_454 = arith.constant 32 : index
        %swap3A_455 = tpu.vector_load %arg9[%swap3A_453, %swap3A_454] {strides = array<i32>} : memref<128x128xf32, #tpu.memory_space<vmem>>, vector<1x16xf32>,
        %swap3A_456 = vector.shape_cast %swap3A_455 : vector<1x16xf32> to vector<16xf32>
        %swap3A_457 = vector.shape_cast %add3A_452 : vector<16xf32> to vector<1x16xf32>
        tpu.vector_store %arg9[%swap3A_453, %swap3A_454], %swap3A_457 {strides = array<i32>} : memref<128x128xf32, #tpu.memory_space<vmem>>, vector<1x16xf32>,
        %get3A_458 = arith.index_cast %scan3A_427 : i32 to index
        %get3A_459 = arith.constant 48 : index
        %get3A_460 = tpu.vector_load %arg9[%get3A_458, %get3A_459] {strides = array<i32>} : memref<128x128xf32, #tpu.memory_space<vmem>>, vector<1x16xf32>,
        %get3A_461 = vector.shape_cast %get3A_460 : vector<1x16xf32> to vector<16xf32>
        %add3A_462 = arith.addf %get3A_461, %get3A_177 : vector<16xf32>
        %swap3A_463 = arith.index_cast %scan3A_427 : i32 to index
        %swap3A_464 = arith.constant 48 : index
        %swap3A_465 = tpu.vector_load %arg9[%swap3A_463, %swap3A_464] {strides = array<i32>} : memref<128x128xf32, #tpu.memory_space<vmem>>, vector<1x16xf32>,
        %swap3A_466 = vector.shape_cast %swap3A_465 : vector<1x16xf32> to vector<16xf32>
        %swap3A_467 = vector.shape_cast %add3A_462 : vector<16xf32> to vector<1x16xf32>
        tpu.vector_store %arg9[%swap3A_463, %swap3A_464], %swap3A_467 {strides = array<i32>} : memref<128x128xf32, #tpu.memory_space<vmem>>, vector<1x16xf32>,
        %get3A_468 = arith.index_cast %scan3A_427 : i32 to index
        %get3A_469 = arith.constant 64 : index
        %get3A_470 = tpu.vector_load %arg9[%get3A_468, %get3A_469] {strides = array<i32>} : memref<128x128xf32, #tpu.memory_space<vmem>>, vector<1x16xf32>,
        %get3A_471 = vector.shape_cast %get3A_470 : vector<1x16xf32> to vector<16xf32>
        %add3A_472 = arith.addf %get3A_471, %get3A_181 : vector<16xf32>
        %swap3A_473 = arith.index_cast %scan3A_427 : i32 to index
        %swap3A_474 = arith.constant 64 : index
        %swap3A_475 = tpu.vector_load %arg9[%swap3A_473, %swap3A_474] {strides = array<i32>} : memref<128x128xf32, #tpu.memory_space<vmem>>, vector<1x16xf32>,
        %swap3A_476 = vector.shape_cast %swap3A_475 : vector<1x16xf32> to vector<16xf32>
        %swap3A_477 = vector.shape_cast %add3A_472 : vector<16xf32> to vector<1x16xf32>
        tpu.vector_store %arg9[%swap3A_473, %swap3A_474], %swap3A_477 {strides = array<i32>} : memref<128x128xf32, #tpu.memory_space<vmem>>, vector<1x16xf32>,
        %get3A_478 = arith.index_cast %scan3A_427 : i32 to index
        %get3A_479 = arith.constant 80 : index
        %get3A_480 = tpu.vector_load %arg9[%get3A_478, %get3A_479] {strides = array<i32>} : memref<128x128xf32, #tpu.memory_space<vmem>>, vector<1x16xf32>,
        %get3A_481 = vector.shape_cast %get3A_480 : vector<1x16xf32> to vector<16xf32>
        %add3A_482 = arith.addf %get3A_481, %get3A_185 : vector<16xf32>
        %swap3A_483 = arith.index_cast %scan3A_427 : i32 to index
        %swap3A_484 = arith.constant 80 : index
        %swap3A_485 = tpu.vector_load %arg9[%swap3A_483, %swap3A_484] {strides = array<i32>} : memref<128x128xf32, #tpu.memory_space<vmem>>, vector<1x16xf32>,
        %swap3A_486 = vector.shape_cast %swap3A_485 : vector<1x16xf32> to vector<16xf32>
        %swap3A_487 = vector.shape_cast %add3A_482 : vector<16xf32> to vector<1x16xf32>
        tpu.vector_store %arg9[%swap3A_483, %swap3A_484], %swap3A_487 {strides = array<i32>} : memref<128x128xf32, #tpu.memory_space<vmem>>, vector<1x16xf32>,
        %get3A_488 = arith.index_cast %scan3A_427 : i32 to index
        %get3A_489 = arith.constant 96 : index
        %get3A_490 = tpu.vector_load %arg9[%get3A_488, %get3A_489] {strides = array<i32>} : memref<128x128xf32, #tpu.memory_space<vmem>>, vector<1x16xf32>,
        %get3A_491 = vector.shape_cast %get3A_490 : vector<1x16xf32> to vector<16xf32>
        %add3A_492 = arith.addf %get3A_491, %get3A_189 : vector<16xf32>
        %swap3A_493 = arith.index_cast %scan3A_427 : i32 to index
        %swap3A_494 = arith.constant 96 : index
        %swap3A_495 = tpu.vector_load %arg9[%swap3A_493, %swap3A_494] {strides = array<i32>} : memref<128x128xf32, #tpu.memory_space<vmem>>, vector<1x16xf32>,
        %swap3A_496 = vector.shape_cast %swap3A_495 : vector<1x16xf32> to vector<16xf32>
        %swap3A_497 = vector.shape_cast %add3A_492 : vector<16xf32> to vector<1x16xf32>
        tpu.vector_store %arg9[%swap3A_493, %swap3A_494], %swap3A_497 {strides = array<i32>} : memref<128x128xf32, #tpu.memory_space<vmem>>, vector<1x16xf32>,
        %get3A_498 = arith.index_cast %scan3A_427 : i32 to index
        %get3A_499 = arith.constant 112 : index
        %get3A_500 = tpu.vector_load %arg9[%get3A_498, %get3A_499] {strides = array<i32>} : memref<128x128xf32, #tpu.memory_space<vmem>>, vector<1x16xf32>,
        %get3A_501 = vector.shape_cast %get3A_500 : vector<1x16xf32> to vector<16xf32>
        %add3A_502 = arith.addf %get3A_501, %get3A_193 : vector<16xf32>
        %swap3A_503 = arith.index_cast %scan3A_427 : i32 to index
        %swap3A_504 = arith.constant 112 : index
        %swap3A_505 = tpu.vector_load %arg9[%swap3A_503, %swap3A_504] {strides = array<i32>} : memref<128x128xf32, #tpu.memory_space<vmem>>, vector<1x16xf32>,
        %swap3A_506 = vector.shape_cast %swap3A_505 : vector<1x16xf32> to vector<16xf32>
        %swap3A_507 = vector.shape_cast %add3A_502 : vector<16xf32> to vector<1x16xf32>
        tpu.vector_store %arg9[%swap3A_503, %swap3A_504], %swap3A_507 {strides = array<i32>} : memref<128x128xf32, #tpu.memory_space<vmem>>, vector<1x16xf32>,
        %scan3A_508 = arith.constant 2 : i32
        %scan3A_509 = arith.addi %scan3A_346, %scan3A_508 : i32
        %get3A_510 = arith.index_cast %scan3A_509 : i32 to index
        %get3A_511 = arith.constant 0 : index
        %get3A_512 = tpu.vector_load %arg9[%get3A_510, %get3A_511] {strides = array<i32>} : memref<128x128xf32, #tpu.memory_space<vmem>>, vector<1x16xf32>,
        %get3A_513 = vector.shape_cast %get3A_512 : vector<1x16xf32> to vector<16xf32>
        %add3A_514 = arith.addf %get3A_513, %get3A_165 : vector<16xf32>
        %swap3A_515 = arith.index_cast %scan3A_509 : i32 to index
        %swap3A_516 = arith.constant 0 : index
        %swap3A_517 = tpu.vector_load %arg9[%swap3A_515, %swap3A_516] {strides = array<i32>} : memref<128x128xf32, #tpu.memory_space<vmem>>, vector<1x16xf32>,
        %swap3A_518 = vector.shape_cast %swap3A_517 : vector<1x16xf32> to vector<16xf32>
        %swap3A_519 = vector.shape_cast %add3A_514 : vector<16xf32> to vector<1x16xf32>
        tpu.vector_store %arg9[%swap3A_515, %swap3A_516], %swap3A_519 {strides = array<i32>} : memref<128x128xf32, #tpu.memory_space<vmem>>, vector<1x16xf32>,
        %get3A_520 = arith.index_cast %scan3A_509 : i32 to index
        %get3A_521 = arith.constant 16 : index
        %get3A_522 = tpu.vector_load %arg9[%get3A_520, %get3A_521] {strides = array<i32>} : memref<128x128xf32, #tpu.memory_space<vmem>>, vector<1x16xf32>,
        %get3A_523 = vector.shape_cast %get3A_522 : vector<1x16xf32> to vector<16xf32>
        %add3A_524 = arith.addf %get3A_523, %get3A_169 : vector<16xf32>
        %swap3A_525 = arith.index_cast %scan3A_509 : i32 to index
        %swap3A_526 = arith.constant 16 : index
        %swap3A_527 = tpu.vector_load %arg9[%swap3A_525, %swap3A_526] {strides = array<i32>} : memref<128x128xf32, #tpu.memory_space<vmem>>, vector<1x16xf32>,
        %swap3A_528 = vector.shape_cast %swap3A_527 : vector<1x16xf32> to vector<16xf32>
        %swap3A_529 = vector.shape_cast %add3A_524 : vector<16xf32> to vector<1x16xf32>
        tpu.vector_store %arg9[%swap3A_525, %swap3A_526], %swap3A_529 {strides = array<i32>} : memref<128x128xf32, #tpu.memory_space<vmem>>, vector<1x16xf32>,
        %get3A_530 = arith.index_cast %scan3A_509 : i32 to index
        %get3A_531 = arith.constant 32 : index
        %get3A_532 = tpu.vector_load %arg9[%get3A_530, %get3A_531] {strides = array<i32>} : memref<128x128xf32, #tpu.memory_space<vmem>>, vector<1x16xf32>,
        %get3A_533 = vector.shape_cast %get3A_532 : vector<1x16xf32> to vector<16xf32>
        %add3A_534 = arith.addf %get3A_533, %get3A_173 : vector<16xf32>
        %swap3A_535 = arith.index_cast %scan3A_509 : i32 to index
        %swap3A_536 = arith.constant 32 : index
        %swap3A_537 = tpu.vector_load %arg9[%swap3A_535, %swap3A_536] {strides = array<i32>} : memref<128x128xf32, #tpu.memory_space<vmem>>, vector<1x16xf32>,
        %swap3A_538 = vector.shape_cast %swap3A_537 : vector<1x16xf32> to vector<16xf32>
        %swap3A_539 = vector.shape_cast %add3A_534 : vector<16xf32> to vector<1x16xf32>
        tpu.vector_store %arg9[%swap3A_535, %swap3A_536], %swap3A_539 {strides = array<i32>} : memref<128x128xf32, #tpu.memory_space<vmem>>, vector<1x16xf32>,
        %get3A_540 = arith.index_cast %scan3A_509 : i32 to index
        %get3A_541 = arith.constant 48 : index
        %get3A_542 = tpu.vector_load %arg9[%get3A_540, %get3A_541] {strides = array<i32>} : memref<128x128xf32, #tpu.memory_space<vmem>>, vector<1x16xf32>,
        %get3A_543 = vector.shape_cast %get3A_542 : vector<1x16xf32> to vector<16xf32>
        %add3A_544 = arith.addf %get3A_543, %get3A_177 : vector<16xf32>
        %swap3A_545 = arith.index_cast %scan3A_509 : i32 to index
        %swap3A_546 = arith.constant 48 : index
        %swap3A_547 = tpu.vector_load %arg9[%swap3A_545, %swap3A_546] {strides = array<i32>} : memref<128x128xf32, #tpu.memory_space<vmem>>, vector<1x16xf32>,
        %swap3A_548 = vector.shape_cast %swap3A_547 : vector<1x16xf32> to vector<16xf32>
        %swap3A_549 = vector.shape_cast %add3A_544 : vector<16xf32> to vector<1x16xf32>
        tpu.vector_store %arg9[%swap3A_545, %swap3A_546], %swap3A_549 {strides = array<i32>} : memref<128x128xf32, #tpu.memory_space<vmem>>, vector<1x16xf32>,
        %get3A_550 = arith.index_cast %scan3A_509 : i32 to index
        %get3A_551 = arith.constant 64 : index
        %get3A_552 = tpu.vector_load %arg9[%get3A_550, %get3A_551] {strides = array<i32>} : memref<128x128xf32, #tpu.memory_space<vmem>>, vector<1x16xf32>,
        %get3A_553 = vector.shape_cast %get3A_552 : vector<1x16xf32> to vector<16xf32>
        %add3A_554 = arith.addf %get3A_553, %get3A_181 : vector<16xf32>
        %swap3A_555 = arith.index_cast %scan3A_509 : i32 to index
        %swap3A_556 = arith.constant 64 : index
        %swap3A_557 = tpu.vector_load %arg9[%swap3A_555, %swap3A_556] {strides = array<i32>} : memref<128x128xf32, #tpu.memory_space<vmem>>, vector<1x16xf32>,
        %swap3A_558 = vector.shape_cast %swap3A_557 : vector<1x16xf32> to vector<16xf32>
        %swap3A_559 = vector.shape_cast %add3A_554 : vector<16xf32> to vector<1x16xf32>
        tpu.vector_store %arg9[%swap3A_555, %swap3A_556], %swap3A_559 {strides = array<i32>} : memref<128x128xf32, #tpu.memory_space<vmem>>, vector<1x16xf32>,
        %get3A_560 = arith.index_cast %scan3A_509 : i32 to index
        %get3A_561 = arith.constant 80 : index
        %get3A_562 = tpu.vector_load %arg9[%get3A_560, %get3A_561] {strides = array<i32>} : memref<128x128xf32, #tpu.memory_space<vmem>>, vector<1x16xf32>,
        %get3A_563 = vector.shape_cast %get3A_562 : vector<1x16xf32> to vector<16xf32>
        %add3A_564 = arith.addf %get3A_563, %get3A_185 : vector<16xf32>
        %swap3A_565 = arith.index_cast %scan3A_509 : i32 to index
        %swap3A_566 = arith.constant 80 : index
        %swap3A_567 = tpu.vector_load %arg9[%swap3A_565, %swap3A_566] {strides = array<i32>} : memref<128x128xf32, #tpu.memory_space<vmem>>, vector<1x16xf32>,
        %swap3A_568 = vector.shape_cast %swap3A_567 : vector<1x16xf32> to vector<16xf32>
        %swap3A_569 = vector.shape_cast %add3A_564 : vector<16xf32> to vector<1x16xf32>
        tpu.vector_store %arg9[%swap3A_565, %swap3A_566], %swap3A_569 {strides = array<i32>} : memref<128x128xf32, #tpu.memory_space<vmem>>, vector<1x16xf32>,
        %get3A_570 = arith.index_cast %scan3A_509 : i32 to index
        %get3A_571 = arith.constant 96 : index
        %get3A_572 = tpu.vector_load %arg9[%get3A_570, %get3A_571] {strides = array<i32>} : memref<128x128xf32, #tpu.memory_space<vmem>>, vector<1x16xf32>,
        %get3A_573 = vector.shape_cast %get3A_572 : vector<1x16xf32> to vector<16xf32>
        %add3A_574 = arith.addf %get3A_573, %get3A_189 : vector<16xf32>
        %swap3A_575 = arith.index_cast %scan3A_509 : i32 to index
        %swap3A_576 = arith.constant 96 : index
        %swap3A_577 = tpu.vector_load %arg9[%swap3A_575, %swap3A_576] {strides = array<i32>} : memref<128x128xf32, #tpu.memory_space<vmem>>, vector<1x16xf32>,
        %swap3A_578 = vector.shape_cast %swap3A_577 : vector<1x16xf32> to vector<16xf32>
        %swap3A_579 = vector.shape_cast %add3A_574 : vector<16xf32> to vector<1x16xf32>
        tpu.vector_store %arg9[%swap3A_575, %swap3A_576], %swap3A_579 {strides = array<i32>} : memref<128x128xf32, #tpu.memory_space<vmem>>, vector<1x16xf32>,
        %get3A_580 = arith.index_cast %scan3A_509 : i32 to index
        %get3A_581 = arith.constant 112 : index
        %get3A_582 = tpu.vector_load %arg9[%get3A_580, %get3A_581] {strides = array<i32>} : memref<128x128xf32, #tpu.memory_space<vmem>>, vector<1x16xf32>,
        %get3A_583 = vector.shape_cast %get3A_582 : vector<1x16xf32> to vector<16xf32>
        %add3A_584 = arith.addf %get3A_583, %get3A_193 : vector<16xf32>
        %swap3A_585 = arith.index_cast %scan3A_509 : i32 to index
        %swap3A_586 = arith.constant 112 : index
        %swap3A_587 = tpu.vector_load %arg9[%swap3A_585, %swap3A_586] {strides = array<i32>} : memref<128x128xf32, #tpu.memory_space<vmem>>, vector<1x16xf32>,
        %swap3A_588 = vector.shape_cast %swap3A_587 : vector<1x16xf32> to vector<16xf32>
        %swap3A_589 = vector.shape_cast %add3A_584 : vector<16xf32> to vector<1x16xf32>
        tpu.vector_store %arg9[%swap3A_585, %swap3A_586], %swap3A_589 {strides = array<i32>} : memref<128x128xf32, #tpu.memory_space<vmem>>, vector<1x16xf32>,
        %scan3A_590 = arith.constant 3 : i32
        %scan3A_591 = arith.addi %scan3A_346, %scan3A_590 : i32
        %get3A_592 = arith.index_cast %scan3A_591 : i32 to index
        %get3A_593 = arith.constant 0 : index
        %get3A_594 = tpu.vector_load %arg9[%get3A_592, %get3A_593] {strides = array<i32>} : memref<128x128xf32, #tpu.memory_space<vmem>>, vector<1x16xf32>,
        %get3A_595 = vector.shape_cast %get3A_594 : vector<1x16xf32> to vector<16xf32>
        %add3A_596 = arith.addf %get3A_595, %get3A_165 : vector<16xf32>
        %swap3A_597 = arith.index_cast %scan3A_591 : i32 to index
        %swap3A_598 = arith.constant 0 : index
        %swap3A_599 = tpu.vector_load %arg9[%swap3A_597, %swap3A_598] {strides = array<i32>} : memref<128x128xf32, #tpu.memory_space<vmem>>, vector<1x16xf32>,
        %swap3A_600 = vector.shape_cast %swap3A_599 : vector<1x16xf32> to vector<16xf32>
        %swap3A_601 = vector.shape_cast %add3A_596 : vector<16xf32> to vector<1x16xf32>
        tpu.vector_store %arg9[%swap3A_597, %swap3A_598], %swap3A_601 {strides = array<i32>} : memref<128x128xf32, #tpu.memory_space<vmem>>, vector<1x16xf32>,
        %get3A_602 = arith.index_cast %scan3A_591 : i32 to index
        %get3A_603 = arith.constant 16 : index
        %get3A_604 = tpu.vector_load %arg9[%get3A_602, %get3A_603] {strides = array<i32>} : memref<128x128xf32, #tpu.memory_space<vmem>>, vector<1x16xf32>,
        %get3A_605 = vector.shape_cast %get3A_604 : vector<1x16xf32> to vector<16xf32>
        %add3A_606 = arith.addf %get3A_605, %get3A_169 : vector<16xf32>
        %swap3A_607 = arith.index_cast %scan3A_591 : i32 to index
        %swap3A_608 = arith.constant 16 : index
        %swap3A_609 = tpu.vector_load %arg9[%swap3A_607, %swap3A_608] {strides = array<i32>} : memref<128x128xf32, #tpu.memory_space<vmem>>, vector<1x16xf32>,
        %swap3A_610 = vector.shape_cast %swap3A_609 : vector<1x16xf32> to vector<16xf32>
        %swap3A_611 = vector.shape_cast %add3A_606 : vector<16xf32> to vector<1x16xf32>
        tpu.vector_store %arg9[%swap3A_607, %swap3A_608], %swap3A_611 {strides = array<i32>} : memref<128x128xf32, #tpu.memory_space<vmem>>, vector<1x16xf32>,
        %get3A_612 = arith.index_cast %scan3A_591 : i32 to index
        %get3A_613 = arith.constant 32 : index
        %get3A_614 = tpu.vector_load %arg9[%get3A_612, %get3A_613] {strides = array<i32>} : memref<128x128xf32, #tpu.memory_space<vmem>>, vector<1x16xf32>,
        %get3A_615 = vector.shape_cast %get3A_614 : vector<1x16xf32> to vector<16xf32>
        %add3A_616 = arith.addf %get3A_615, %get3A_173 : vector<16xf32>
        %swap3A_617 = arith.index_cast %scan3A_591 : i32 to index
        %swap3A_618 = arith.constant 32 : index
        %swap3A_619 = tpu.vector_load %arg9[%swap3A_617, %swap3A_618] {strides = array<i32>} : memref<128x128xf32, #tpu.memory_space<vmem>>, vector<1x16xf32>,
        %swap3A_620 = vector.shape_cast %swap3A_619 : vector<1x16xf32> to vector<16xf32>
        %swap3A_621 = vector.shape_cast %add3A_616 : vector<16xf32> to vector<1x16xf32>
        tpu.vector_store %arg9[%swap3A_617, %swap3A_618], %swap3A_621 {strides = array<i32>} : memref<128x128xf32, #tpu.memory_space<vmem>>, vector<1x16xf32>,
        %get3A_622 = arith.index_cast %scan3A_591 : i32 to index
        %get3A_623 = arith.constant 48 : index
        %get3A_624 = tpu.vector_load %arg9[%get3A_622, %get3A_623] {strides = array<i32>} : memref<128x128xf32, #tpu.memory_space<vmem>>, vector<1x16xf32>,
        %get3A_625 = vector.shape_cast %get3A_624 : vector<1x16xf32> to vector<16xf32>
        %add3A_626 = arith.addf %get3A_625, %get3A_177 : vector<16xf32>
        %swap3A_627 = arith.index_cast %scan3A_591 : i32 to index
        %swap3A_628 = arith.constant 48 : index
        %swap3A_629 = tpu.vector_load %arg9[%swap3A_627, %swap3A_628] {strides = array<i32>} : memref<128x128xf32, #tpu.memory_space<vmem>>, vector<1x16xf32>,
        %swap3A_630 = vector.shape_cast %swap3A_629 : vector<1x16xf32> to vector<16xf32>
        %swap3A_631 = vector.shape_cast %add3A_626 : vector<16xf32> to vector<1x16xf32>
        tpu.vector_store %arg9[%swap3A_627, %swap3A_628], %swap3A_631 {strides = array<i32>} : memref<128x128xf32, #tpu.memory_space<vmem>>, vector<1x16xf32>,
        %get3A_632 = arith.index_cast %scan3A_591 : i32 to index
        %get3A_633 = arith.constant 64 : index
        %get3A_634 = tpu.vector_load %arg9[%get3A_632, %get3A_633] {strides = array<i32>} : memref<128x128xf32, #tpu.memory_space<vmem>>, vector<1x16xf32>,
        %get3A_635 = vector.shape_cast %get3A_634 : vector<1x16xf32> to vector<16xf32>
        %add3A_636 = arith.addf %get3A_635, %get3A_181 : vector<16xf32>
        %swap3A_637 = arith.index_cast %scan3A_591 : i32 to index
        %swap3A_638 = arith.constant 64 : index
        %swap3A_639 = tpu.vector_load %arg9[%swap3A_637, %swap3A_638] {strides = array<i32>} : memref<128x128xf32, #tpu.memory_space<vmem>>, vector<1x16xf32>,
        %swap3A_640 = vector.shape_cast %swap3A_639 : vector<1x16xf32> to vector<16xf32>
        %swap3A_641 = vector.shape_cast %add3A_636 : vector<16xf32> to vector<1x16xf32>
        tpu.vector_store %arg9[%swap3A_637, %swap3A_638], %swap3A_641 {strides = array<i32>} : memref<128x128xf32, #tpu.memory_space<vmem>>, vector<1x16xf32>,
        %get3A_642 = arith.index_cast %scan3A_591 : i32 to index
        %get3A_643 = arith.constant 80 : index
        %get3A_644 = tpu.vector_load %arg9[%get3A_642, %get3A_643] {strides = array<i32>} : memref<128x128xf32, #tpu.memory_space<vmem>>, vector<1x16xf32>,
        %get3A_645 = vector.shape_cast %get3A_644 : vector<1x16xf32> to vector<16xf32>
        %add3A_646 = arith.addf %get3A_645, %get3A_185 : vector<16xf32>
        %swap3A_647 = arith.index_cast %scan3A_591 : i32 to index
        %swap3A_648 = arith.constant 80 : index
        %swap3A_649 = tpu.vector_load %arg9[%swap3A_647, %swap3A_648] {strides = array<i32>} : memref<128x128xf32, #tpu.memory_space<vmem>>, vector<1x16xf32>,
        %swap3A_650 = vector.shape_cast %swap3A_649 : vector<1x16xf32> to vector<16xf32>
        %swap3A_651 = vector.shape_cast %add3A_646 : vector<16xf32> to vector<1x16xf32>
        tpu.vector_store %arg9[%swap3A_647, %swap3A_648], %swap3A_651 {strides = array<i32>} : memref<128x128xf32, #tpu.memory_space<vmem>>, vector<1x16xf32>,
        %get3A_652 = arith.index_cast %scan3A_591 : i32 to index
        %get3A_653 = arith.constant 96 : index
        %get3A_654 = tpu.vector_load %arg9[%get3A_652, %get3A_653] {strides = array<i32>} : memref<128x128xf32, #tpu.memory_space<vmem>>, vector<1x16xf32>,
        %get3A_655 = vector.shape_cast %get3A_654 : vector<1x16xf32> to vector<16xf32>
        %add3A_656 = arith.addf %get3A_655, %get3A_189 : vector<16xf32>
        %swap3A_657 = arith.index_cast %scan3A_591 : i32 to index
        %swap3A_658 = arith.constant 96 : index
        %swap3A_659 = tpu.vector_load %arg9[%swap3A_657, %swap3A_658] {strides = array<i32>} : memref<128x128xf32, #tpu.memory_space<vmem>>, vector<1x16xf32>,
        %swap3A_660 = vector.shape_cast %swap3A_659 : vector<1x16xf32> to vector<16xf32>
        %swap3A_661 = vector.shape_cast %add3A_656 : vector<16xf32> to vector<1x16xf32>
        tpu.vector_store %arg9[%swap3A_657, %swap3A_658], %swap3A_661 {strides = array<i32>} : memref<128x128xf32, #tpu.memory_space<vmem>>, vector<1x16xf32>,
        %get3A_662 = arith.index_cast %scan3A_591 : i32 to index
        %get3A_663 = arith.constant 112 : index
        %get3A_664 = tpu.vector_load %arg9[%get3A_662, %get3A_663] {strides = array<i32>} : memref<128x128xf32, #tpu.memory_space<vmem>>, vector<1x16xf32>,
        %get3A_665 = vector.shape_cast %get3A_664 : vector<1x16xf32> to vector<16xf32>
        %add3A_666 = arith.addf %get3A_665, %get3A_193 : vector<16xf32>
        %swap3A_667 = arith.index_cast %scan3A_591 : i32 to index
        %swap3A_668 = arith.constant 112 : index
        %swap3A_669 = tpu.vector_load %arg9[%swap3A_667, %swap3A_668] {strides = array<i32>} : memref<128x128xf32, #tpu.memory_space<vmem>>, vector<1x16xf32>,
        %swap3A_670 = vector.shape_cast %swap3A_669 : vector<1x16xf32> to vector<16xf32>
        %swap3A_671 = vector.shape_cast %add3A_666 : vector<16xf32> to vector<1x16xf32>
        tpu.vector_store %arg9[%swap3A_667, %swap3A_668], %swap3A_671 {strides = array<i32>} : memref<128x128xf32, #tpu.memory_space<vmem>>, vector<1x16xf32>,
      }
      %scan3A_198 = arith.constant 128 : i32
      %div3A_199 = arith.constant 8 : i32
      %div3A_200 = arith.divsi %add3A_146, %div3A_199 : i32
      %rem3A_201 = arith.constant 8 : i32
      %rem3A_202 = arith.remsi %add3A_146, %rem3A_201 : i32
      %mul3A_203 = arith.constant 128 : i32
      %mul3A_204 = arith.muli %rem3A_202, %mul3A_203 : i32
      %add3A_205 = arith.addi %mul3A_4, %div3A_200 : i32
      %dma_start3A_206 = arith.constant 0 : i32
      %dma_start3A_207 = tpu.memref_slice %arg5[%mul3A_204, %add3A_205, %dma_start3A_206] : memref<1024x512x128xf32, #tpu.memory_space<hbm>> -> memref<128x1x128xf32, #tpu.memory_space<hbm>>
      %dma_start3A_208 = tpu.memref_squeeze %dma_start3A_207 : memref<128x1x128xf32, #tpu.memory_space<hbm>> -> memref<128x128xf32, #tpu.memory_space<hbm>>
      %dma_start3A_209 = arith.constant 0 : i32
      %dma_start3A_210 = tpu.memref_slice %arg5[%mul3A_204, %add3A_205, %dma_start3A_209] : memref<1024x512x128xf32, #tpu.memory_space<hbm>> -> memref<128x1x128xf32, #tpu.memory_space<hbm>>
      %dma_start3A_211 = tpu.memref_squeeze %dma_start3A_210 : memref<128x1x128xf32, #tpu.memory_space<hbm>> -> memref<128x128xf32, #tpu.memory_space<hbm>>
      tpu.enqueue_dma source(%arg9 : memref<128x128xf32, #tpu.memory_space<vmem>>) target(%dma_start3A_211 : memref<128x128xf32, #tpu.memory_space<hbm>>) target_semaphore(%arg17 : memref<!tpu.dma_semaphore, #tpu.memory_space<semaphore_mem>>)
      %add3A_212 = arith.constant 2 : i32
      %add3A_213 = arith.addi %mul3A_81, %add3A_212 : i32
      %dma_wait3A_214 = arith.constant 0 : i32
      %dma_wait3A_215 = tpu.memref_slice %arg6[%add3A_213, %dma_wait3A_214] : memref<128x128xi32, #tpu.memory_space<vmem>> -> memref<1x128xi32, #tpu.memory_space<vmem>>
      %dma_wait3A_216 = tpu.memref_squeeze %dma_wait3A_215 : memref<1x128xi32, #tpu.memory_space<vmem>> -> memref<128xi32, #tpu.memory_space<vmem>>
      %dma_wait3A_217 = arith.constant 0 : i32
      %dma_wait3A_218 = arith.constant 0 : i32
      %dma_wait3A_219 = tpu.memref_slice %arg3[%dma_wait3A_217, %dma_wait3A_218] : memref<100000x128xf32, #tpu.memory_space<hbm>> -> memref<100000x128xf32, #tpu.memory_space<hbm>>
      tpu.wait_indirect_dma semaphore(%arg14 : memref<!tpu.dma_semaphore, #tpu.memory_space<semaphore_mem>>) src(%dma_wait3A_219 : memref<100000x128xf32, #tpu.memory_space<hbm>>) dst(%arg10 : memref<128x128xf32, #tpu.memory_space<vmem>>)
      %add3A_220 = arith.constant 2 : i32
      %add3A_221 = arith.addi %add3A_213, %add3A_220 : i32
      %lt3A_222 = arith.constant 128 : i32
      %lt3A_223 = arith.cmpi slt, %add3A_221, %lt3A_222 : i32
      %convert_element_type3A_224 = arith.extui %lt3A_223 : i1 to i32
      %cond3A_225 = arith.constant 0 : i32
      %cond3A_226 = arith.cmpi ne, %convert_element_type3A_224, %cond3A_225 : i32
      scf.if %cond3A_226 {
        %add3A_346 = arith.constant 2 : i32
        %add3A_347 = arith.addi %add3A_213, %add3A_346 : i32
        %ge3A = arith.constant 4 : i32
        %ge3A_348 = arith.cmpi sge, %add3A_347, %ge3A : i32
        %convert_element_type3A_349 = arith.extui %ge3A_348 : i1 to i32
        %cond3A_350 = arith.constant 0 : i32
        %cond3A_351 = arith.cmpi ne, %convert_element_type3A_349, %cond3A_350 : i32
        scf.if %cond3A_351 {
          %add3A_360 = arith.constant 2 : i32
          %add3A_361 = arith.addi %add3A_213, %add3A_360 : i32
          %sub3A = arith.constant 4 : i32
          %sub3A_362 = arith.subi %add3A_361, %sub3A : i32
          %div3A_363 = arith.constant 8 : i32
          %div3A_364 = arith.divsi %sub3A_362, %div3A_363 : i32
          %rem3A_365 = arith.constant 8 : i32
          %rem3A_366 = arith.remsi %sub3A_362, %rem3A_365 : i32
          %mul3A_367 = arith.constant 128 : i32
          %mul3A_368 = arith.muli %rem3A_366, %mul3A_367 : i32
          %add3A_369 = arith.addi %mul3A_4, %div3A_364 : i32
          %dma_wait3A_370 = arith.constant 0 : i32
          %dma_wait3A_371 = tpu.memref_slice %arg5[%mul3A_368, %add3A_369, %dma_wait3A_370] : memref<1024x512x128xf32, #tpu.memory_space<hbm>> -> memref<128x1x128xf32, #tpu.memory_space<hbm>>
          %dma_wait3A_372 = tpu.memref_squeeze %dma_wait3A_371 : memref<128x1x128xf32, #tpu.memory_space<hbm>> -> memref<128x128xf32, #tpu.memory_space<hbm>>
          %dma_wait3A_373 = arith.constant 0 : i32
          %dma_wait3A_374 = tpu.memref_slice %arg5[%mul3A_368, %add3A_369, %dma_wait3A_373] : memref<1024x512x128xf32, #tpu.memory_space<hbm>> -> memref<128x1x128xf32, #tpu.memory_space<hbm>>
          %dma_wait3A_375 = tpu.memref_squeeze %dma_wait3A_374 : memref<128x1x128xf32, #tpu.memory_space<hbm>> -> memref<128x128xf32, #tpu.memory_space<hbm>>
          tpu.wait_dma2 semaphore(%arg16 : memref<!tpu.dma_semaphore, #tpu.memory_space<semaphore_mem>>) src(%arg8 : memref<128x128xf32, #tpu.memory_space<vmem>>) dst(%dma_wait3A_375 : memref<128x128xf32, #tpu.memory_space<hbm>>)
        } else {
        }
        %add3A_352 = arith.constant 2 : i32
        %add3A_353 = arith.addi %add3A_213, %add3A_352 : i32
        %dma_start3A_354 = arith.constant 0 : i32
        %dma_start3A_355 = tpu.memref_slice %arg6[%add3A_353, %dma_start3A_354] : memref<128x128xi32, #tpu.memory_space<vmem>> -> memref<1x128xi32, #tpu.memory_space<vmem>>
        %dma_start3A_356 = tpu.memref_squeeze %dma_start3A_355 : memref<1x128xi32, #tpu.memory_space<vmem>> -> memref<128xi32, #tpu.memory_space<vmem>>
        %dma_start3A_357 = arith.constant 0 : i32
        %dma_start3A_358 = arith.constant 0 : i32
        %dma_start3A_359 = tpu.memref_slice %arg3[%dma_start3A_357, %dma_start3A_358] : memref<100000x128xf32, #tpu.memory_space<hbm>> -> memref<100000x128xf32, #tpu.memory_space<hbm>>
        tpu.enqueue_indirect_dma source(%dma_start3A_359 : memref<100000x128xf32, #tpu.memory_space<hbm>>) target(%arg8 : memref<128x128xf32, #tpu.memory_space<vmem>>) offsets(%dma_start3A_356 : memref<128xi32, #tpu.memory_space<vmem>>) semaphore(%arg12 : memref<!tpu.dma_semaphore, #tpu.memory_space<semaphore_mem>>)
      } else {
      }
      %div3A_227 = arith.constant 8 : i32
      %div3A_228 = arith.divsi %add3A_213, %div3A_227 : i32
      %get3A_229 = arith.index_cast %div3A_228 : i32 to index
      %get3A_230 = arith.constant 0 : index
      %get3A_231 = tpu.vector_load %arg7[%get3A_229, %get3A_230] {strides = array<i32>} : memref<16x128xf32, #tpu.memory_space<vmem>>, vector<1x16xf32>,
      %get3A_232 = vector.shape_cast %get3A_231 : vector<1x16xf32> to vector<16xf32>
      %get3A_233 = arith.index_cast %div3A_228 : i32 to index
      %get3A_234 = arith.constant 16 : index
      %get3A_235 = tpu.vector_load %arg7[%get3A_233, %get3A_234] {strides = array<i32>} : memref<16x128xf32, #tpu.memory_space<vmem>>, vector<1x16xf32>,
      %get3A_236 = vector.shape_cast %get3A_235 : vector<1x16xf32> to vector<16xf32>
      %get3A_237 = arith.index_cast %div3A_228 : i32 to index
      %get3A_238 = arith.constant 32 : index
      %get3A_239 = tpu.vector_load %arg7[%get3A_237, %get3A_238] {strides = array<i32>} : memref<16x128xf32, #tpu.memory_space<vmem>>, vector<1x16xf32>,
      %get3A_240 = vector.shape_cast %get3A_239 : vector<1x16xf32> to vector<16xf32>
      %get3A_241 = arith.index_cast %div3A_228 : i32 to index
      %get3A_242 = arith.constant 48 : index
      %get3A_243 = tpu.vector_load %arg7[%get3A_241, %get3A_242] {strides = array<i32>} : memref<16x128xf32, #tpu.memory_space<vmem>>, vector<1x16xf32>,
      %get3A_244 = vector.shape_cast %get3A_243 : vector<1x16xf32> to vector<16xf32>
      %get3A_245 = arith.index_cast %div3A_228 : i32 to index
      %get3A_246 = arith.constant 64 : index
      %get3A_247 = tpu.vector_load %arg7[%get3A_245, %get3A_246] {strides = array<i32>} : memref<16x128xf32, #tpu.memory_space<vmem>>, vector<1x16xf32>,
      %get3A_248 = vector.shape_cast %get3A_247 : vector<1x16xf32> to vector<16xf32>
      %get3A_249 = arith.index_cast %div3A_228 : i32 to index
      %get3A_250 = arith.constant 80 : index
      %get3A_251 = tpu.vector_load %arg7[%get3A_249, %get3A_250] {strides = array<i32>} : memref<16x128xf32, #tpu.memory_space<vmem>>, vector<1x16xf32>,
      %get3A_252 = vector.shape_cast %get3A_251 : vector<1x16xf32> to vector<16xf32>
      %get3A_253 = arith.index_cast %div3A_228 : i32 to index
      %get3A_254 = arith.constant 96 : index
      %get3A_255 = tpu.vector_load %arg7[%get3A_253, %get3A_254] {strides = array<i32>} : memref<16x128xf32, #tpu.memory_space<vmem>>, vector<1x16xf32>,
      %get3A_256 = vector.shape_cast %get3A_255 : vector<1x16xf32> to vector<16xf32>
      %get3A_257 = arith.index_cast %div3A_228 : i32 to index
      %get3A_258 = arith.constant 112 : index
      %get3A_259 = tpu.vector_load %arg7[%get3A_257, %get3A_258] {strides = array<i32>} : memref<16x128xf32, #tpu.memory_space<vmem>>, vector<1x16xf32>,
      %get3A_260 = vector.shape_cast %get3A_259 : vector<1x16xf32> to vector<16xf32>
      %scan3A_261 = arith.constant 0 : i32
      %scan3A_262 = arith.constant 128 : i32
      %scan3A_263 = arith.addi %scan3A_261, %scan3A_262 : i32
      %scan3A_264 = arith.constant 4 : i32
      scf.for %scan3A_346 = %scan3A_261 to %scan3A_263 step %scan3A_264  : i32 {
        %get3A_347 = arith.index_cast %scan3A_346 : i32 to index
        %get3A_348 = arith.constant 0 : index
        %get3A_349 = tpu.vector_load %arg10[%get3A_347, %get3A_348] {strides = array<i32>} : memref<128x128xf32, #tpu.memory_space<vmem>>, vector<1x16xf32>,
        %get3A_350 = vector.shape_cast %get3A_349 : vector<1x16xf32> to vector<16xf32>
        %add3A_351 = arith.addf %get3A_350, %get3A_232 : vector<16xf32>
        %swap3A = arith.index_cast %scan3A_346 : i32 to index
        %swap3A_352 = arith.constant 0 : index
        %swap3A_353 = tpu.vector_load %arg10[%swap3A, %swap3A_352] {strides = array<i32>} : memref<128x128xf32, #tpu.memory_space<vmem>>, vector<1x16xf32>,
        %swap3A_354 = vector.shape_cast %swap3A_353 : vector<1x16xf32> to vector<16xf32>
        %swap3A_355 = vector.shape_cast %add3A_351 : vector<16xf32> to vector<1x16xf32>
        tpu.vector_store %arg10[%swap3A, %swap3A_352], %swap3A_355 {strides = array<i32>} : memref<128x128xf32, #tpu.memory_space<vmem>>, vector<1x16xf32>,
        %get3A_356 = arith.index_cast %scan3A_346 : i32 to index
        %get3A_357 = arith.constant 16 : index
        %get3A_358 = tpu.vector_load %arg10[%get3A_356, %get3A_357] {strides = array<i32>} : memref<128x128xf32, #tpu.memory_space<vmem>>, vector<1x16xf32>,
        %get3A_359 = vector.shape_cast %get3A_358 : vector<1x16xf32> to vector<16xf32>
        %add3A_360 = arith.addf %get3A_359, %get3A_236 : vector<16xf32>
        %swap3A_361 = arith.index_cast %scan3A_346 : i32 to index
        %swap3A_362 = arith.constant 16 : index
        %swap3A_363 = tpu.vector_load %arg10[%swap3A_361, %swap3A_362] {strides = array<i32>} : memref<128x128xf32, #tpu.memory_space<vmem>>, vector<1x16xf32>,
        %swap3A_364 = vector.shape_cast %swap3A_363 : vector<1x16xf32> to vector<16xf32>
        %swap3A_365 = vector.shape_cast %add3A_360 : vector<16xf32> to vector<1x16xf32>
        tpu.vector_store %arg10[%swap3A_361, %swap3A_362], %swap3A_365 {strides = array<i32>} : memref<128x128xf32, #tpu.memory_space<vmem>>, vector<1x16xf32>,
        %get3A_366 = arith.index_cast %scan3A_346 : i32 to index
        %get3A_367 = arith.constant 32 : index
        %get3A_368 = tpu.vector_load %arg10[%get3A_366, %get3A_367] {strides = array<i32>} : memref<128x128xf32, #tpu.memory_space<vmem>>, vector<1x16xf32>,
        %get3A_369 = vector.shape_cast %get3A_368 : vector<1x16xf32> to vector<16xf32>
        %add3A_370 = arith.addf %get3A_369, %get3A_240 : vector<16xf32>
        %swap3A_371 = arith.index_cast %scan3A_346 : i32 to index
        %swap3A_372 = arith.constant 32 : index
        %swap3A_373 = tpu.vector_load %arg10[%swap3A_371, %swap3A_372] {strides = array<i32>} : memref<128x128xf32, #tpu.memory_space<vmem>>, vector<1x16xf32>,
        %swap3A_374 = vector.shape_cast %swap3A_373 : vector<1x16xf32> to vector<16xf32>
        %swap3A_375 = vector.shape_cast %add3A_370 : vector<16xf32> to vector<1x16xf32>
        tpu.vector_store %arg10[%swap3A_371, %swap3A_372], %swap3A_375 {strides = array<i32>} : memref<128x128xf32, #tpu.memory_space<vmem>>, vector<1x16xf32>,
        %get3A_376 = arith.index_cast %scan3A_346 : i32 to index
        %get3A_377 = arith.constant 48 : index
        %get3A_378 = tpu.vector_load %arg10[%get3A_376, %get3A_377] {strides = array<i32>} : memref<128x128xf32, #tpu.memory_space<vmem>>, vector<1x16xf32>,
        %get3A_379 = vector.shape_cast %get3A_378 : vector<1x16xf32> to vector<16xf32>
        %add3A_380 = arith.addf %get3A_379, %get3A_244 : vector<16xf32>
        %swap3A_381 = arith.index_cast %scan3A_346 : i32 to index
        %swap3A_382 = arith.constant 48 : index
        %swap3A_383 = tpu.vector_load %arg10[%swap3A_381, %swap3A_382] {strides = array<i32>} : memref<128x128xf32, #tpu.memory_space<vmem>>, vector<1x16xf32>,
        %swap3A_384 = vector.shape_cast %swap3A_383 : vector<1x16xf32> to vector<16xf32>
        %swap3A_385 = vector.shape_cast %add3A_380 : vector<16xf32> to vector<1x16xf32>
        tpu.vector_store %arg10[%swap3A_381, %swap3A_382], %swap3A_385 {strides = array<i32>} : memref<128x128xf32, #tpu.memory_space<vmem>>, vector<1x16xf32>,
        %get3A_386 = arith.index_cast %scan3A_346 : i32 to index
        %get3A_387 = arith.constant 64 : index
        %get3A_388 = tpu.vector_load %arg10[%get3A_386, %get3A_387] {strides = array<i32>} : memref<128x128xf32, #tpu.memory_space<vmem>>, vector<1x16xf32>,
        %get3A_389 = vector.shape_cast %get3A_388 : vector<1x16xf32> to vector<16xf32>
        %add3A_390 = arith.addf %get3A_389, %get3A_248 : vector<16xf32>
        %swap3A_391 = arith.index_cast %scan3A_346 : i32 to index
        %swap3A_392 = arith.constant 64 : index
        %swap3A_393 = tpu.vector_load %arg10[%swap3A_391, %swap3A_392] {strides = array<i32>} : memref<128x128xf32, #tpu.memory_space<vmem>>, vector<1x16xf32>,
        %swap3A_394 = vector.shape_cast %swap3A_393 : vector<1x16xf32> to vector<16xf32>
        %swap3A_395 = vector.shape_cast %add3A_390 : vector<16xf32> to vector<1x16xf32>
        tpu.vector_store %arg10[%swap3A_391, %swap3A_392], %swap3A_395 {strides = array<i32>} : memref<128x128xf32, #tpu.memory_space<vmem>>, vector<1x16xf32>,
        %get3A_396 = arith.index_cast %scan3A_346 : i32 to index
        %get3A_397 = arith.constant 80 : index
        %get3A_398 = tpu.vector_load %arg10[%get3A_396, %get3A_397] {strides = array<i32>} : memref<128x128xf32, #tpu.memory_space<vmem>>, vector<1x16xf32>,
        %get3A_399 = vector.shape_cast %get3A_398 : vector<1x16xf32> to vector<16xf32>
        %add3A_400 = arith.addf %get3A_399, %get3A_252 : vector<16xf32>
        %swap3A_401 = arith.index_cast %scan3A_346 : i32 to index
        %swap3A_402 = arith.constant 80 : index
        %swap3A_403 = tpu.vector_load %arg10[%swap3A_401, %swap3A_402] {strides = array<i32>} : memref<128x128xf32, #tpu.memory_space<vmem>>, vector<1x16xf32>,
        %swap3A_404 = vector.shape_cast %swap3A_403 : vector<1x16xf32> to vector<16xf32>
        %swap3A_405 = vector.shape_cast %add3A_400 : vector<16xf32> to vector<1x16xf32>
        tpu.vector_store %arg10[%swap3A_401, %swap3A_402], %swap3A_405 {strides = array<i32>} : memref<128x128xf32, #tpu.memory_space<vmem>>, vector<1x16xf32>,
        %get3A_406 = arith.index_cast %scan3A_346 : i32 to index
        %get3A_407 = arith.constant 96 : index
        %get3A_408 = tpu.vector_load %arg10[%get3A_406, %get3A_407] {strides = array<i32>} : memref<128x128xf32, #tpu.memory_space<vmem>>, vector<1x16xf32>,
        %get3A_409 = vector.shape_cast %get3A_408 : vector<1x16xf32> to vector<16xf32>
        %add3A_410 = arith.addf %get3A_409, %get3A_256 : vector<16xf32>
        %swap3A_411 = arith.index_cast %scan3A_346 : i32 to index
        %swap3A_412 = arith.constant 96 : index
        %swap3A_413 = tpu.vector_load %arg10[%swap3A_411, %swap3A_412] {strides = array<i32>} : memref<128x128xf32, #tpu.memory_space<vmem>>, vector<1x16xf32>,
        %swap3A_414 = vector.shape_cast %swap3A_413 : vector<1x16xf32> to vector<16xf32>
        %swap3A_415 = vector.shape_cast %add3A_410 : vector<16xf32> to vector<1x16xf32>
        tpu.vector_store %arg10[%swap3A_411, %swap3A_412], %swap3A_415 {strides = array<i32>} : memref<128x128xf32, #tpu.memory_space<vmem>>, vector<1x16xf32>,
        %get3A_416 = arith.index_cast %scan3A_346 : i32 to index
        %get3A_417 = arith.constant 112 : index
        %get3A_418 = tpu.vector_load %arg10[%get3A_416, %get3A_417] {strides = array<i32>} : memref<128x128xf32, #tpu.memory_space<vmem>>, vector<1x16xf32>,
        %get3A_419 = vector.shape_cast %get3A_418 : vector<1x16xf32> to vector<16xf32>
        %add3A_420 = arith.addf %get3A_419, %get3A_260 : vector<16xf32>
        %swap3A_421 = arith.index_cast %scan3A_346 : i32 to index
        %swap3A_422 = arith.constant 112 : index
        %swap3A_423 = tpu.vector_load %arg10[%swap3A_421, %swap3A_422] {strides = array<i32>} : memref<128x128xf32, #tpu.memory_space<vmem>>, vector<1x16xf32>,
        %swap3A_424 = vector.shape_cast %swap3A_423 : vector<1x16xf32> to vector<16xf32>
        %swap3A_425 = vector.shape_cast %add3A_420 : vector<16xf32> to vector<1x16xf32>
        tpu.vector_store %arg10[%swap3A_421, %swap3A_422], %swap3A_425 {strides = array<i32>} : memref<128x128xf32, #tpu.memory_space<vmem>>, vector<1x16xf32>,
        %scan3A_426 = arith.constant 1 : i32
        %scan3A_427 = arith.addi %scan3A_346, %scan3A_426 : i32
        %get3A_428 = arith.index_cast %scan3A_427 : i32 to index
        %get3A_429 = arith.constant 0 : index
        %get3A_430 = tpu.vector_load %arg10[%get3A_428, %get3A_429] {strides = array<i32>} : memref<128x128xf32, #tpu.memory_space<vmem>>, vector<1x16xf32>,
        %get3A_431 = vector.shape_cast %get3A_430 : vector<1x16xf32> to vector<16xf32>
        %add3A_432 = arith.addf %get3A_431, %get3A_232 : vector<16xf32>
        %swap3A_433 = arith.index_cast %scan3A_427 : i32 to index
        %swap3A_434 = arith.constant 0 : index
        %swap3A_435 = tpu.vector_load %arg10[%swap3A_433, %swap3A_434] {strides = array<i32>} : memref<128x128xf32, #tpu.memory_space<vmem>>, vector<1x16xf32>,
        %swap3A_436 = vector.shape_cast %swap3A_435 : vector<1x16xf32> to vector<16xf32>
        %swap3A_437 = vector.shape_cast %add3A_432 : vector<16xf32> to vector<1x16xf32>
        tpu.vector_store %arg10[%swap3A_433, %swap3A_434], %swap3A_437 {strides = array<i32>} : memref<128x128xf32, #tpu.memory_space<vmem>>, vector<1x16xf32>,
        %get3A_438 = arith.index_cast %scan3A_427 : i32 to index
        %get3A_439 = arith.constant 16 : index
        %get3A_440 = tpu.vector_load %arg10[%get3A_438, %get3A_439] {strides = array<i32>} : memref<128x128xf32, #tpu.memory_space<vmem>>, vector<1x16xf32>,
        %get3A_441 = vector.shape_cast %get3A_440 : vector<1x16xf32> to vector<16xf32>
        %add3A_442 = arith.addf %get3A_441, %get3A_236 : vector<16xf32>
        %swap3A_443 = arith.index_cast %scan3A_427 : i32 to index
        %swap3A_444 = arith.constant 16 : index
        %swap3A_445 = tpu.vector_load %arg10[%swap3A_443, %swap3A_444] {strides = array<i32>} : memref<128x128xf32, #tpu.memory_space<vmem>>, vector<1x16xf32>,
        %swap3A_446 = vector.shape_cast %swap3A_445 : vector<1x16xf32> to vector<16xf32>
        %swap3A_447 = vector.shape_cast %add3A_442 : vector<16xf32> to vector<1x16xf32>
        tpu.vector_store %arg10[%swap3A_443, %swap3A_444], %swap3A_447 {strides = array<i32>} : memref<128x128xf32, #tpu.memory_space<vmem>>, vector<1x16xf32>,
        %get3A_448 = arith.index_cast %scan3A_427 : i32 to index
        %get3A_449 = arith.constant 32 : index
        %get3A_450 = tpu.vector_load %arg10[%get3A_448, %get3A_449] {strides = array<i32>} : memref<128x128xf32, #tpu.memory_space<vmem>>, vector<1x16xf32>,
        %get3A_451 = vector.shape_cast %get3A_450 : vector<1x16xf32> to vector<16xf32>
        %add3A_452 = arith.addf %get3A_451, %get3A_240 : vector<16xf32>
        %swap3A_453 = arith.index_cast %scan3A_427 : i32 to index
        %swap3A_454 = arith.constant 32 : index
        %swap3A_455 = tpu.vector_load %arg10[%swap3A_453, %swap3A_454] {strides = array<i32>} : memref<128x128xf32, #tpu.memory_space<vmem>>, vector<1x16xf32>,
        %swap3A_456 = vector.shape_cast %swap3A_455 : vector<1x16xf32> to vector<16xf32>
        %swap3A_457 = vector.shape_cast %add3A_452 : vector<16xf32> to vector<1x16xf32>
        tpu.vector_store %arg10[%swap3A_453, %swap3A_454], %swap3A_457 {strides = array<i32>} : memref<128x128xf32, #tpu.memory_space<vmem>>, vector<1x16xf32>,
        %get3A_458 = arith.index_cast %scan3A_427 : i32 to index
        %get3A_459 = arith.constant 48 : index
        %get3A_460 = tpu.vector_load %arg10[%get3A_458, %get3A_459] {strides = array<i32>} : memref<128x128xf32, #tpu.memory_space<vmem>>, vector<1x16xf32>,
        %get3A_461 = vector.shape_cast %get3A_460 : vector<1x16xf32> to vector<16xf32>
        %add3A_462 = arith.addf %get3A_461, %get3A_244 : vector<16xf32>
        %swap3A_463 = arith.index_cast %scan3A_427 : i32 to index
        %swap3A_464 = arith.constant 48 : index
        %swap3A_465 = tpu.vector_load %arg10[%swap3A_463, %swap3A_464] {strides = array<i32>} : memref<128x128xf32, #tpu.memory_space<vmem>>, vector<1x16xf32>,
        %swap3A_466 = vector.shape_cast %swap3A_465 : vector<1x16xf32> to vector<16xf32>
        %swap3A_467 = vector.shape_cast %add3A_462 : vector<16xf32> to vector<1x16xf32>
        tpu.vector_store %arg10[%swap3A_463, %swap3A_464], %swap3A_467 {strides = array<i32>} : memref<128x128xf32, #tpu.memory_space<vmem>>, vector<1x16xf32>,
        %get3A_468 = arith.index_cast %scan3A_427 : i32 to index
        %get3A_469 = arith.constant 64 : index
        %get3A_470 = tpu.vector_load %arg10[%get3A_468, %get3A_469] {strides = array<i32>} : memref<128x128xf32, #tpu.memory_space<vmem>>, vector<1x16xf32>,
        %get3A_471 = vector.shape_cast %get3A_470 : vector<1x16xf32> to vector<16xf32>
        %add3A_472 = arith.addf %get3A_471, %get3A_248 : vector<16xf32>
        %swap3A_473 = arith.index_cast %scan3A_427 : i32 to index
        %swap3A_474 = arith.constant 64 : index
        %swap3A_475 = tpu.vector_load %arg10[%swap3A_473, %swap3A_474] {strides = array<i32>} : memref<128x128xf32, #tpu.memory_space<vmem>>, vector<1x16xf32>,
        %swap3A_476 = vector.shape_cast %swap3A_475 : vector<1x16xf32> to vector<16xf32>
        %swap3A_477 = vector.shape_cast %add3A_472 : vector<16xf32> to vector<1x16xf32>
        tpu.vector_store %arg10[%swap3A_473, %swap3A_474], %swap3A_477 {strides = array<i32>} : memref<128x128xf32, #tpu.memory_space<vmem>>, vector<1x16xf32>,
        %get3A_478 = arith.index_cast %scan3A_427 : i32 to index
        %get3A_479 = arith.constant 80 : index
        %get3A_480 = tpu.vector_load %arg10[%get3A_478, %get3A_479] {strides = array<i32>} : memref<128x128xf32, #tpu.memory_space<vmem>>, vector<1x16xf32>,
        %get3A_481 = vector.shape_cast %get3A_480 : vector<1x16xf32> to vector<16xf32>
        %add3A_482 = arith.addf %get3A_481, %get3A_252 : vector<16xf32>
        %swap3A_483 = arith.index_cast %scan3A_427 : i32 to index
        %swap3A_484 = arith.constant 80 : index
        %swap3A_485 = tpu.vector_load %arg10[%swap3A_483, %swap3A_484] {strides = array<i32>} : memref<128x128xf32, #tpu.memory_space<vmem>>, vector<1x16xf32>,
        %swap3A_486 = vector.shape_cast %swap3A_485 : vector<1x16xf32> to vector<16xf32>
        %swap3A_487 = vector.shape_cast %add3A_482 : vector<16xf32> to vector<1x16xf32>
        tpu.vector_store %arg10[%swap3A_483, %swap3A_484], %swap3A_487 {strides = array<i32>} : memref<128x128xf32, #tpu.memory_space<vmem>>, vector<1x16xf32>,
        %get3A_488 = arith.index_cast %scan3A_427 : i32 to index
        %get3A_489 = arith.constant 96 : index
        %get3A_490 = tpu.vector_load %arg10[%get3A_488, %get3A_489] {strides = array<i32>} : memref<128x128xf32, #tpu.memory_space<vmem>>, vector<1x16xf32>,
        %get3A_491 = vector.shape_cast %get3A_490 : vector<1x16xf32> to vector<16xf32>
        %add3A_492 = arith.addf %get3A_491, %get3A_256 : vector<16xf32>
        %swap3A_493 = arith.index_cast %scan3A_427 : i32 to index
        %swap3A_494 = arith.constant 96 : index
        %swap3A_495 = tpu.vector_load %arg10[%swap3A_493, %swap3A_494] {strides = array<i32>} : memref<128x128xf32, #tpu.memory_space<vmem>>, vector<1x16xf32>,
        %swap3A_496 = vector.shape_cast %swap3A_495 : vector<1x16xf32> to vector<16xf32>
        %swap3A_497 = vector.shape_cast %add3A_492 : vector<16xf32> to vector<1x16xf32>
        tpu.vector_store %arg10[%swap3A_493, %swap3A_494], %swap3A_497 {strides = array<i32>} : memref<128x128xf32, #tpu.memory_space<vmem>>, vector<1x16xf32>,
        %get3A_498 = arith.index_cast %scan3A_427 : i32 to index
        %get3A_499 = arith.constant 112 : index
        %get3A_500 = tpu.vector_load %arg10[%get3A_498, %get3A_499] {strides = array<i32>} : memref<128x128xf32, #tpu.memory_space<vmem>>, vector<1x16xf32>,
        %get3A_501 = vector.shape_cast %get3A_500 : vector<1x16xf32> to vector<16xf32>
        %add3A_502 = arith.addf %get3A_501, %get3A_260 : vector<16xf32>
        %swap3A_503 = arith.index_cast %scan3A_427 : i32 to index
        %swap3A_504 = arith.constant 112 : index
        %swap3A_505 = tpu.vector_load %arg10[%swap3A_503, %swap3A_504] {strides = array<i32>} : memref<128x128xf32, #tpu.memory_space<vmem>>, vector<1x16xf32>,
        %swap3A_506 = vector.shape_cast %swap3A_505 : vector<1x16xf32> to vector<16xf32>
        %swap3A_507 = vector.shape_cast %add3A_502 : vector<16xf32> to vector<1x16xf32>
        tpu.vector_store %arg10[%swap3A_503, %swap3A_504], %swap3A_507 {strides = array<i32>} : memref<128x128xf32, #tpu.memory_space<vmem>>, vector<1x16xf32>,
        %scan3A_508 = arith.constant 2 : i32
        %scan3A_509 = arith.addi %scan3A_346, %scan3A_508 : i32
        %get3A_510 = arith.index_cast %scan3A_509 : i32 to index
        %get3A_511 = arith.constant 0 : index
        %get3A_512 = tpu.vector_load %arg10[%get3A_510, %get3A_511] {strides = array<i32>} : memref<128x128xf32, #tpu.memory_space<vmem>>, vector<1x16xf32>,
        %get3A_513 = vector.shape_cast %get3A_512 : vector<1x16xf32> to vector<16xf32>
        %add3A_514 = arith.addf %get3A_513, %get3A_232 : vector<16xf32>
        %swap3A_515 = arith.index_cast %scan3A_509 : i32 to index
        %swap3A_516 = arith.constant 0 : index
        %swap3A_517 = tpu.vector_load %arg10[%swap3A_515, %swap3A_516] {strides = array<i32>} : memref<128x128xf32, #tpu.memory_space<vmem>>, vector<1x16xf32>,
        %swap3A_518 = vector.shape_cast %swap3A_517 : vector<1x16xf32> to vector<16xf32>
        %swap3A_519 = vector.shape_cast %add3A_514 : vector<16xf32> to vector<1x16xf32>
        tpu.vector_store %arg10[%swap3A_515, %swap3A_516], %swap3A_519 {strides = array<i32>} : memref<128x128xf32, #tpu.memory_space<vmem>>, vector<1x16xf32>,
        %get3A_520 = arith.index_cast %scan3A_509 : i32 to index
        %get3A_521 = arith.constant 16 : index
        %get3A_522 = tpu.vector_load %arg10[%get3A_520, %get3A_521] {strides = array<i32>} : memref<128x128xf32, #tpu.memory_space<vmem>>, vector<1x16xf32>,
        %get3A_523 = vector.shape_cast %get3A_522 : vector<1x16xf32> to vector<16xf32>
        %add3A_524 = arith.addf %get3A_523, %get3A_236 : vector<16xf32>
        %swap3A_525 = arith.index_cast %scan3A_509 : i32 to index
        %swap3A_526 = arith.constant 16 : index
        %swap3A_527 = tpu.vector_load %arg10[%swap3A_525, %swap3A_526] {strides = array<i32>} : memref<128x128xf32, #tpu.memory_space<vmem>>, vector<1x16xf32>,
        %swap3A_528 = vector.shape_cast %swap3A_527 : vector<1x16xf32> to vector<16xf32>
        %swap3A_529 = vector.shape_cast %add3A_524 : vector<16xf32> to vector<1x16xf32>
        tpu.vector_store %arg10[%swap3A_525, %swap3A_526], %swap3A_529 {strides = array<i32>} : memref<128x128xf32, #tpu.memory_space<vmem>>, vector<1x16xf32>,
        %get3A_530 = arith.index_cast %scan3A_509 : i32 to index
        %get3A_531 = arith.constant 32 : index
        %get3A_532 = tpu.vector_load %arg10[%get3A_530, %get3A_531] {strides = array<i32>} : memref<128x128xf32, #tpu.memory_space<vmem>>, vector<1x16xf32>,
        %get3A_533 = vector.shape_cast %get3A_532 : vector<1x16xf32> to vector<16xf32>
        %add3A_534 = arith.addf %get3A_533, %get3A_240 : vector<16xf32>
        %swap3A_535 = arith.index_cast %scan3A_509 : i32 to index
        %swap3A_536 = arith.constant 32 : index
        %swap3A_537 = tpu.vector_load %arg10[%swap3A_535, %swap3A_536] {strides = array<i32>} : memref<128x128xf32, #tpu.memory_space<vmem>>, vector<1x16xf32>,
        %swap3A_538 = vector.shape_cast %swap3A_537 : vector<1x16xf32> to vector<16xf32>
        %swap3A_539 = vector.shape_cast %add3A_534 : vector<16xf32> to vector<1x16xf32>
        tpu.vector_store %arg10[%swap3A_535, %swap3A_536], %swap3A_539 {strides = array<i32>} : memref<128x128xf32, #tpu.memory_space<vmem>>, vector<1x16xf32>,
        %get3A_540 = arith.index_cast %scan3A_509 : i32 to index
        %get3A_541 = arith.constant 48 : index
        %get3A_542 = tpu.vector_load %arg10[%get3A_540, %get3A_541] {strides = array<i32>} : memref<128x128xf32, #tpu.memory_space<vmem>>, vector<1x16xf32>,
        %get3A_543 = vector.shape_cast %get3A_542 : vector<1x16xf32> to vector<16xf32>
        %add3A_544 = arith.addf %get3A_543, %get3A_244 : vector<16xf32>
        %swap3A_545 = arith.index_cast %scan3A_509 : i32 to index
        %swap3A_546 = arith.constant 48 : index
        %swap3A_547 = tpu.vector_load %arg10[%swap3A_545, %swap3A_546] {strides = array<i32>} : memref<128x128xf32, #tpu.memory_space<vmem>>, vector<1x16xf32>,
        %swap3A_548 = vector.shape_cast %swap3A_547 : vector<1x16xf32> to vector<16xf32>
        %swap3A_549 = vector.shape_cast %add3A_544 : vector<16xf32> to vector<1x16xf32>
        tpu.vector_store %arg10[%swap3A_545, %swap3A_546], %swap3A_549 {strides = array<i32>} : memref<128x128xf32, #tpu.memory_space<vmem>>, vector<1x16xf32>,
        %get3A_550 = arith.index_cast %scan3A_509 : i32 to index
        %get3A_551 = arith.constant 64 : index
        %get3A_552 = tpu.vector_load %arg10[%get3A_550, %get3A_551] {strides = array<i32>} : memref<128x128xf32, #tpu.memory_space<vmem>>, vector<1x16xf32>,
        %get3A_553 = vector.shape_cast %get3A_552 : vector<1x16xf32> to vector<16xf32>
        %add3A_554 = arith.addf %get3A_553, %get3A_248 : vector<16xf32>
        %swap3A_555 = arith.index_cast %scan3A_509 : i32 to index
        %swap3A_556 = arith.constant 64 : index
        %swap3A_557 = tpu.vector_load %arg10[%swap3A_555, %swap3A_556] {strides = array<i32>} : memref<128x128xf32, #tpu.memory_space<vmem>>, vector<1x16xf32>,
        %swap3A_558 = vector.shape_cast %swap3A_557 : vector<1x16xf32> to vector<16xf32>
        %swap3A_559 = vector.shape_cast %add3A_554 : vector<16xf32> to vector<1x16xf32>
        tpu.vector_store %arg10[%swap3A_555, %swap3A_556], %swap3A_559 {strides = array<i32>} : memref<128x128xf32, #tpu.memory_space<vmem>>, vector<1x16xf32>,
        %get3A_560 = arith.index_cast %scan3A_509 : i32 to index
        %get3A_561 = arith.constant 80 : index
        %get3A_562 = tpu.vector_load %arg10[%get3A_560, %get3A_561] {strides = array<i32>} : memref<128x128xf32, #tpu.memory_space<vmem>>, vector<1x16xf32>,
        %get3A_563 = vector.shape_cast %get3A_562 : vector<1x16xf32> to vector<16xf32>
        %add3A_564 = arith.addf %get3A_563, %get3A_252 : vector<16xf32>
        %swap3A_565 = arith.index_cast %scan3A_509 : i32 to index
        %swap3A_566 = arith.constant 80 : index
        %swap3A_567 = tpu.vector_load %arg10[%swap3A_565, %swap3A_566] {strides = array<i32>} : memref<128x128xf32, #tpu.memory_space<vmem>>, vector<1x16xf32>,
        %swap3A_568 = vector.shape_cast %swap3A_567 : vector<1x16xf32> to vector<16xf32>
        %swap3A_569 = vector.shape_cast %add3A_564 : vector<16xf32> to vector<1x16xf32>
        tpu.vector_store %arg10[%swap3A_565, %swap3A_566], %swap3A_569 {strides = array<i32>} : memref<128x128xf32, #tpu.memory_space<vmem>>, vector<1x16xf32>,
        %get3A_570 = arith.index_cast %scan3A_509 : i32 to index
        %get3A_571 = arith.constant 96 : index
        %get3A_572 = tpu.vector_load %arg10[%get3A_570, %get3A_571] {strides = array<i32>} : memref<128x128xf32, #tpu.memory_space<vmem>>, vector<1x16xf32>,
        %get3A_573 = vector.shape_cast %get3A_572 : vector<1x16xf32> to vector<16xf32>
        %add3A_574 = arith.addf %get3A_573, %get3A_256 : vector<16xf32>
        %swap3A_575 = arith.index_cast %scan3A_509 : i32 to index
        %swap3A_576 = arith.constant 96 : index
        %swap3A_577 = tpu.vector_load %arg10[%swap3A_575, %swap3A_576] {strides = array<i32>} : memref<128x128xf32, #tpu.memory_space<vmem>>, vector<1x16xf32>,
        %swap3A_578 = vector.shape_cast %swap3A_577 : vector<1x16xf32> to vector<16xf32>
        %swap3A_579 = vector.shape_cast %add3A_574 : vector<16xf32> to vector<1x16xf32>
        tpu.vector_store %arg10[%swap3A_575, %swap3A_576], %swap3A_579 {strides = array<i32>} : memref<128x128xf32, #tpu.memory_space<vmem>>, vector<1x16xf32>,
        %get3A_580 = arith.index_cast %scan3A_509 : i32 to index
        %get3A_581 = arith.constant 112 : index
        %get3A_582 = tpu.vector_load %arg10[%get3A_580, %get3A_581] {strides = array<i32>} : memref<128x128xf32, #tpu.memory_space<vmem>>, vector<1x16xf32>,
        %get3A_583 = vector.shape_cast %get3A_582 : vector<1x16xf32> to vector<16xf32>
        %add3A_584 = arith.addf %get3A_583, %get3A_260 : vector<16xf32>
        %swap3A_585 = arith.index_cast %scan3A_509 : i32 to index
        %swap3A_586 = arith.constant 112 : index
        %swap3A_587 = tpu.vector_load %arg10[%swap3A_585, %swap3A_586] {strides = array<i32>} : memref<128x128xf32, #tpu.memory_space<vmem>>, vector<1x16xf32>,
        %swap3A_588 = vector.shape_cast %swap3A_587 : vector<1x16xf32> to vector<16xf32>
        %swap3A_589 = vector.shape_cast %add3A_584 : vector<16xf32> to vector<1x16xf32>
        tpu.vector_store %arg10[%swap3A_585, %swap3A_586], %swap3A_589 {strides = array<i32>} : memref<128x128xf32, #tpu.memory_space<vmem>>, vector<1x16xf32>,
        %scan3A_590 = arith.constant 3 : i32
        %scan3A_591 = arith.addi %scan3A_346, %scan3A_590 : i32
        %get3A_592 = arith.index_cast %scan3A_591 : i32 to index
        %get3A_593 = arith.constant 0 : index
        %get3A_594 = tpu.vector_load %arg10[%get3A_592, %get3A_593] {strides = array<i32>} : memref<128x128xf32, #tpu.memory_space<vmem>>, vector<1x16xf32>,
        %get3A_595 = vector.shape_cast %get3A_594 : vector<1x16xf32> to vector<16xf32>
        %add3A_596 = arith.addf %get3A_595, %get3A_232 : vector<16xf32>
        %swap3A_597 = arith.index_cast %scan3A_591 : i32 to index
        %swap3A_598 = arith.constant 0 : index
        %swap3A_599 = tpu.vector_load %arg10[%swap3A_597, %swap3A_598] {strides = array<i32>} : memref<128x128xf32, #tpu.memory_space<vmem>>, vector<1x16xf32>,
        %swap3A_600 = vector.shape_cast %swap3A_599 : vector<1x16xf32> to vector<16xf32>
        %swap3A_601 = vector.shape_cast %add3A_596 : vector<16xf32> to vector<1x16xf32>
        tpu.vector_store %arg10[%swap3A_597, %swap3A_598], %swap3A_601 {strides = array<i32>} : memref<128x128xf32, #tpu.memory_space<vmem>>, vector<1x16xf32>,
        %get3A_602 = arith.index_cast %scan3A_591 : i32 to index
        %get3A_603 = arith.constant 16 : index
        %get3A_604 = tpu.vector_load %arg10[%get3A_602, %get3A_603] {strides = array<i32>} : memref<128x128xf32, #tpu.memory_space<vmem>>, vector<1x16xf32>,
        %get3A_605 = vector.shape_cast %get3A_604 : vector<1x16xf32> to vector<16xf32>
        %add3A_606 = arith.addf %get3A_605, %get3A_236 : vector<16xf32>
        %swap3A_607 = arith.index_cast %scan3A_591 : i32 to index
        %swap3A_608 = arith.constant 16 : index
        %swap3A_609 = tpu.vector_load %arg10[%swap3A_607, %swap3A_608] {strides = array<i32>} : memref<128x128xf32, #tpu.memory_space<vmem>>, vector<1x16xf32>,
        %swap3A_610 = vector.shape_cast %swap3A_609 : vector<1x16xf32> to vector<16xf32>
        %swap3A_611 = vector.shape_cast %add3A_606 : vector<16xf32> to vector<1x16xf32>
        tpu.vector_store %arg10[%swap3A_607, %swap3A_608], %swap3A_611 {strides = array<i32>} : memref<128x128xf32, #tpu.memory_space<vmem>>, vector<1x16xf32>,
        %get3A_612 = arith.index_cast %scan3A_591 : i32 to index
        %get3A_613 = arith.constant 32 : index
        %get3A_614 = tpu.vector_load %arg10[%get3A_612, %get3A_613] {strides = array<i32>} : memref<128x128xf32, #tpu.memory_space<vmem>>, vector<1x16xf32>,
        %get3A_615 = vector.shape_cast %get3A_614 : vector<1x16xf32> to vector<16xf32>
        %add3A_616 = arith.addf %get3A_615, %get3A_240 : vector<16xf32>
        %swap3A_617 = arith.index_cast %scan3A_591 : i32 to index
        %swap3A_618 = arith.constant 32 : index
        %swap3A_619 = tpu.vector_load %arg10[%swap3A_617, %swap3A_618] {strides = array<i32>} : memref<128x128xf32, #tpu.memory_space<vmem>>, vector<1x16xf32>,
        %swap3A_620 = vector.shape_cast %swap3A_619 : vector<1x16xf32> to vector<16xf32>
        %swap3A_621 = vector.shape_cast %add3A_616 : vector<16xf32> to vector<1x16xf32>
        tpu.vector_store %arg10[%swap3A_617, %swap3A_618], %swap3A_621 {strides = array<i32>} : memref<128x128xf32, #tpu.memory_space<vmem>>, vector<1x16xf32>,
        %get3A_622 = arith.index_cast %scan3A_591 : i32 to index
        %get3A_623 = arith.constant 48 : index
        %get3A_624 = tpu.vector_load %arg10[%get3A_622, %get3A_623] {strides = array<i32>} : memref<128x128xf32, #tpu.memory_space<vmem>>, vector<1x16xf32>,
        %get3A_625 = vector.shape_cast %get3A_624 : vector<1x16xf32> to vector<16xf32>
        %add3A_626 = arith.addf %get3A_625, %get3A_244 : vector<16xf32>
        %swap3A_627 = arith.index_cast %scan3A_591 : i32 to index
        %swap3A_628 = arith.constant 48 : index
        %swap3A_629 = tpu.vector_load %arg10[%swap3A_627, %swap3A_628] {strides = array<i32>} : memref<128x128xf32, #tpu.memory_space<vmem>>, vector<1x16xf32>,
        %swap3A_630 = vector.shape_cast %swap3A_629 : vector<1x16xf32> to vector<16xf32>
        %swap3A_631 = vector.shape_cast %add3A_626 : vector<16xf32> to vector<1x16xf32>
        tpu.vector_store %arg10[%swap3A_627, %swap3A_628], %swap3A_631 {strides = array<i32>} : memref<128x128xf32, #tpu.memory_space<vmem>>, vector<1x16xf32>,
        %get3A_632 = arith.index_cast %scan3A_591 : i32 to index
        %get3A_633 = arith.constant 64 : index
        %get3A_634 = tpu.vector_load %arg10[%get3A_632, %get3A_633] {strides = array<i32>} : memref<128x128xf32, #tpu.memory_space<vmem>>, vector<1x16xf32>,
        %get3A_635 = vector.shape_cast %get3A_634 : vector<1x16xf32> to vector<16xf32>
        %add3A_636 = arith.addf %get3A_635, %get3A_248 : vector<16xf32>
        %swap3A_637 = arith.index_cast %scan3A_591 : i32 to index
        %swap3A_638 = arith.constant 64 : index
        %swap3A_639 = tpu.vector_load %arg10[%swap3A_637, %swap3A_638] {strides = array<i32>} : memref<128x128xf32, #tpu.memory_space<vmem>>, vector<1x16xf32>,
        %swap3A_640 = vector.shape_cast %swap3A_639 : vector<1x16xf32> to vector<16xf32>
        %swap3A_641 = vector.shape_cast %add3A_636 : vector<16xf32> to vector<1x16xf32>
        tpu.vector_store %arg10[%swap3A_637, %swap3A_638], %swap3A_641 {strides = array<i32>} : memref<128x128xf32, #tpu.memory_space<vmem>>, vector<1x16xf32>,
        %get3A_642 = arith.index_cast %scan3A_591 : i32 to index
        %get3A_643 = arith.constant 80 : index
        %get3A_644 = tpu.vector_load %arg10[%get3A_642, %get3A_643] {strides = array<i32>} : memref<128x128xf32, #tpu.memory_space<vmem>>, vector<1x16xf32>,
        %get3A_645 = vector.shape_cast %get3A_644 : vector<1x16xf32> to vector<16xf32>
        %add3A_646 = arith.addf %get3A_645, %get3A_252 : vector<16xf32>
        %swap3A_647 = arith.index_cast %scan3A_591 : i32 to index
        %swap3A_648 = arith.constant 80 : index
        %swap3A_649 = tpu.vector_load %arg10[%swap3A_647, %swap3A_648] {strides = array<i32>} : memref<128x128xf32, #tpu.memory_space<vmem>>, vector<1x16xf32>,
        %swap3A_650 = vector.shape_cast %swap3A_649 : vector<1x16xf32> to vector<16xf32>
        %swap3A_651 = vector.shape_cast %add3A_646 : vector<16xf32> to vector<1x16xf32>
        tpu.vector_store %arg10[%swap3A_647, %swap3A_648], %swap3A_651 {strides = array<i32>} : memref<128x128xf32, #tpu.memory_space<vmem>>, vector<1x16xf32>,
        %get3A_652 = arith.index_cast %scan3A_591 : i32 to index
        %get3A_653 = arith.constant 96 : index
        %get3A_654 = tpu.vector_load %arg10[%get3A_652, %get3A_653] {strides = array<i32>} : memref<128x128xf32, #tpu.memory_space<vmem>>, vector<1x16xf32>,
        %get3A_655 = vector.shape_cast %get3A_654 : vector<1x16xf32> to vector<16xf32>
        %add3A_656 = arith.addf %get3A_655, %get3A_256 : vector<16xf32>
        %swap3A_657 = arith.index_cast %scan3A_591 : i32 to index
        %swap3A_658 = arith.constant 96 : index
        %swap3A_659 = tpu.vector_load %arg10[%swap3A_657, %swap3A_658] {strides = array<i32>} : memref<128x128xf32, #tpu.memory_space<vmem>>, vector<1x16xf32>,
        %swap3A_660 = vector.shape_cast %swap3A_659 : vector<1x16xf32> to vector<16xf32>
        %swap3A_661 = vector.shape_cast %add3A_656 : vector<16xf32> to vector<1x16xf32>
        tpu.vector_store %arg10[%swap3A_657, %swap3A_658], %swap3A_661 {strides = array<i32>} : memref<128x128xf32, #tpu.memory_space<vmem>>, vector<1x16xf32>,
        %get3A_662 = arith.index_cast %scan3A_591 : i32 to index
        %get3A_663 = arith.constant 112 : index
        %get3A_664 = tpu.vector_load %arg10[%get3A_662, %get3A_663] {strides = array<i32>} : memref<128x128xf32, #tpu.memory_space<vmem>>, vector<1x16xf32>,
        %get3A_665 = vector.shape_cast %get3A_664 : vector<1x16xf32> to vector<16xf32>
        %add3A_666 = arith.addf %get3A_665, %get3A_260 : vector<16xf32>
        %swap3A_667 = arith.index_cast %scan3A_591 : i32 to index
        %swap3A_668 = arith.constant 112 : index
        %swap3A_669 = tpu.vector_load %arg10[%swap3A_667, %swap3A_668] {strides = array<i32>} : memref<128x128xf32, #tpu.memory_space<vmem>>, vector<1x16xf32>,
        %swap3A_670 = vector.shape_cast %swap3A_669 : vector<1x16xf32> to vector<16xf32>
        %swap3A_671 = vector.shape_cast %add3A_666 : vector<16xf32> to vector<1x16xf32>
        tpu.vector_store %arg10[%swap3A_667, %swap3A_668], %swap3A_671 {strides = array<i32>} : memref<128x128xf32, #tpu.memory_space<vmem>>, vector<1x16xf32>,
      }
      %scan3A_265 = arith.constant 128 : i32
      %div3A_266 = arith.constant 8 : i32
      %div3A_267 = arith.divsi %add3A_213, %div3A_266 : i32
      %rem3A_268 = arith.constant 8 : i32
      %rem3A_269 = arith.remsi %add3A_213, %rem3A_268 : i32
      %mul3A_270 = arith.constant 128 : i32
      %mul3A_271 = arith.muli %rem3A_269, %mul3A_270 : i32
      %add3A_272 = arith.addi %mul3A_4, %div3A_267 : i32
      %dma_start3A_273 = arith.constant 0 : i32
      %dma_start3A_274 = tpu.memref_slice %arg5[%mul3A_271, %add3A_272, %dma_start3A_273] : memref<1024x512x128xf32, #tpu.memory_space<hbm>> -> memref<128x1x128xf32, #tpu.memory_space<hbm>>
      %dma_start3A_275 = tpu.memref_squeeze %dma_start3A_274 : memref<128x1x128xf32, #tpu.memory_space<hbm>> -> memref<128x128xf32, #tpu.memory_space<hbm>>
      %dma_start3A_276 = arith.constant 0 : i32
      %dma_start3A_277 = tpu.memref_slice %arg5[%mul3A_271, %add3A_272, %dma_start3A_276] : memref<1024x512x128xf32, #tpu.memory_space<hbm>> -> memref<128x1x128xf32, #tpu.memory_space<hbm>>
      %dma_start3A_278 = tpu.memref_squeeze %dma_start3A_277 : memref<128x1x128xf32, #tpu.memory_space<hbm>> -> memref<128x128xf32, #tpu.memory_space<hbm>>
      tpu.enqueue_dma source(%arg10 : memref<128x128xf32, #tpu.memory_space<vmem>>) target(%dma_start3A_278 : memref<128x128xf32, #tpu.memory_space<hbm>>) target_semaphore(%arg18 : memref<!tpu.dma_semaphore, #tpu.memory_space<semaphore_mem>>)
      %add3A_279 = arith.constant 3 : i32
      %add3A_280 = arith.addi %mul3A_81, %add3A_279 : i32
      %dma_wait3A_281 = arith.constant 0 : i32
      %dma_wait3A_282 = tpu.memref_slice %arg6[%add3A_280, %dma_wait3A_281] : memref<128x128xi32, #tpu.memory_space<vmem>> -> memref<1x128xi32, #tpu.memory_space<vmem>>
      %dma_wait3A_283 = tpu.memref_squeeze %dma_wait3A_282 : memref<1x128xi32, #tpu.memory_space<vmem>> -> memref<128xi32, #tpu.memory_space<vmem>>
      %dma_wait3A_284 = arith.constant 0 : i32
      %dma_wait3A_285 = arith.constant 0 : i32
      %dma_wait3A_286 = tpu.memref_slice %arg3[%dma_wait3A_284, %dma_wait3A_285] : memref<100000x128xf32, #tpu.memory_space<hbm>> -> memref<100000x128xf32, #tpu.memory_space<hbm>>
      tpu.wait_indirect_dma semaphore(%arg15 : memref<!tpu.dma_semaphore, #tpu.memory_space<semaphore_mem>>) src(%dma_wait3A_286 : memref<100000x128xf32, #tpu.memory_space<hbm>>) dst(%arg11 : memref<128x128xf32, #tpu.memory_space<vmem>>)
      %add3A_287 = arith.constant 2 : i32
      %add3A_288 = arith.addi %add3A_280, %add3A_287 : i32
      %lt3A_289 = arith.constant 128 : i32
      %lt3A_290 = arith.cmpi slt, %add3A_288, %lt3A_289 : i32
      %convert_element_type3A_291 = arith.extui %lt3A_290 : i1 to i32
      %cond3A_292 = arith.constant 0 : i32
      %cond3A_293 = arith.cmpi ne, %convert_element_type3A_291, %cond3A_292 : i32
      scf.if %cond3A_293 {
        %add3A_346 = arith.constant 2 : i32
        %add3A_347 = arith.addi %add3A_280, %add3A_346 : i32
        %ge3A = arith.constant 4 : i32
        %ge3A_348 = arith.cmpi sge, %add3A_347, %ge3A : i32
        %convert_element_type3A_349 = arith.extui %ge3A_348 : i1 to i32
        %cond3A_350 = arith.constant 0 : i32
        %cond3A_351 = arith.cmpi ne, %convert_element_type3A_349, %cond3A_350 : i32
        scf.if %cond3A_351 {
          %add3A_360 = arith.constant 2 : i32
          %add3A_361 = arith.addi %add3A_280, %add3A_360 : i32
          %sub3A = arith.constant 4 : i32
          %sub3A_362 = arith.subi %add3A_361, %sub3A : i32
          %div3A_363 = arith.constant 8 : i32
          %div3A_364 = arith.divsi %sub3A_362, %div3A_363 : i32
          %rem3A_365 = arith.constant 8 : i32
          %rem3A_366 = arith.remsi %sub3A_362, %rem3A_365 : i32
          %mul3A_367 = arith.constant 128 : i32
          %mul3A_368 = arith.muli %rem3A_366, %mul3A_367 : i32
          %add3A_369 = arith.addi %mul3A_4, %div3A_364 : i32
          %dma_wait3A_370 = arith.constant 0 : i32
          %dma_wait3A_371 = tpu.memref_slice %arg5[%mul3A_368, %add3A_369, %dma_wait3A_370] : memref<1024x512x128xf32, #tpu.memory_space<hbm>> -> memref<128x1x128xf32, #tpu.memory_space<hbm>>
          %dma_wait3A_372 = tpu.memref_squeeze %dma_wait3A_371 : memref<128x1x128xf32, #tpu.memory_space<hbm>> -> memref<128x128xf32, #tpu.memory_space<hbm>>
          %dma_wait3A_373 = arith.constant 0 : i32
          %dma_wait3A_374 = tpu.memref_slice %arg5[%mul3A_368, %add3A_369, %dma_wait3A_373] : memref<1024x512x128xf32, #tpu.memory_space<hbm>> -> memref<128x1x128xf32, #tpu.memory_space<hbm>>
          %dma_wait3A_375 = tpu.memref_squeeze %dma_wait3A_374 : memref<128x1x128xf32, #tpu.memory_space<hbm>> -> memref<128x128xf32, #tpu.memory_space<hbm>>
          tpu.wait_dma2 semaphore(%arg17 : memref<!tpu.dma_semaphore, #tpu.memory_space<semaphore_mem>>) src(%arg9 : memref<128x128xf32, #tpu.memory_space<vmem>>) dst(%dma_wait3A_375 : memref<128x128xf32, #tpu.memory_space<hbm>>)
        } else {
        }
        %add3A_352 = arith.constant 2 : i32
        %add3A_353 = arith.addi %add3A_280, %add3A_352 : i32
        %dma_start3A_354 = arith.constant 0 : i32
        %dma_start3A_355 = tpu.memref_slice %arg6[%add3A_353, %dma_start3A_354] : memref<128x128xi32, #tpu.memory_space<vmem>> -> memref<1x128xi32, #tpu.memory_space<vmem>>
        %dma_start3A_356 = tpu.memref_squeeze %dma_start3A_355 : memref<1x128xi32, #tpu.memory_space<vmem>> -> memref<128xi32, #tpu.memory_space<vmem>>
        %dma_start3A_357 = arith.constant 0 : i32
        %dma_start3A_358 = arith.constant 0 : i32
        %dma_start3A_359 = tpu.memref_slice %arg3[%dma_start3A_357, %dma_start3A_358] : memref<100000x128xf32, #tpu.memory_space<hbm>> -> memref<100000x128xf32, #tpu.memory_space<hbm>>
        tpu.enqueue_indirect_dma source(%dma_start3A_359 : memref<100000x128xf32, #tpu.memory_space<hbm>>) target(%arg9 : memref<128x128xf32, #tpu.memory_space<vmem>>) offsets(%dma_start3A_356 : memref<128xi32, #tpu.memory_space<vmem>>) semaphore(%arg13 : memref<!tpu.dma_semaphore, #tpu.memory_space<semaphore_mem>>)
      } else {
      }
      %div3A_294 = arith.constant 8 : i32
      %div3A_295 = arith.divsi %add3A_280, %div3A_294 : i32
      %get3A_296 = arith.index_cast %div3A_295 : i32 to index
      %get3A_297 = arith.constant 0 : index
      %get3A_298 = tpu.vector_load %arg7[%get3A_296, %get3A_297] {strides = array<i32>} : memref<16x128xf32, #tpu.memory_space<vmem>>, vector<1x16xf32>,
      %get3A_299 = vector.shape_cast %get3A_298 : vector<1x16xf32> to vector<16xf32>
      %get3A_300 = arith.index_cast %div3A_295 : i32 to index
      %get3A_301 = arith.constant 16 : index
      %get3A_302 = tpu.vector_load %arg7[%get3A_300, %get3A_301] {strides = array<i32>} : memref<16x128xf32, #tpu.memory_space<vmem>>, vector<1x16xf32>,
      %get3A_303 = vector.shape_cast %get3A_302 : vector<1x16xf32> to vector<16xf32>
      %get3A_304 = arith.index_cast %div3A_295 : i32 to index
      %get3A_305 = arith.constant 32 : index
      %get3A_306 = tpu.vector_load %arg7[%get3A_304, %get3A_305] {strides = array<i32>} : memref<16x128xf32, #tpu.memory_space<vmem>>, vector<1x16xf32>,
      %get3A_307 = vector.shape_cast %get3A_306 : vector<1x16xf32> to vector<16xf32>
      %get3A_308 = arith.index_cast %div3A_295 : i32 to index
      %get3A_309 = arith.constant 48 : index
      %get3A_310 = tpu.vector_load %arg7[%get3A_308, %get3A_309] {strides = array<i32>} : memref<16x128xf32, #tpu.memory_space<vmem>>, vector<1x16xf32>,
      %get3A_311 = vector.shape_cast %get3A_310 : vector<1x16xf32> to vector<16xf32>
      %get3A_312 = arith.index_cast %div3A_295 : i32 to index
      %get3A_313 = arith.constant 64 : index
      %get3A_314 = tpu.vector_load %arg7[%get3A_312, %get3A_313] {strides = array<i32>} : memref<16x128xf32, #tpu.memory_space<vmem>>, vector<1x16xf32>,
      %get3A_315 = vector.shape_cast %get3A_314 : vector<1x16xf32> to vector<16xf32>
      %get3A_316 = arith.index_cast %div3A_295 : i32 to index
      %get3A_317 = arith.constant 80 : index
      %get3A_318 = tpu.vector_load %arg7[%get3A_316, %get3A_317] {strides = array<i32>} : memref<16x128xf32, #tpu.memory_space<vmem>>, vector<1x16xf32>,
      %get3A_319 = vector.shape_cast %get3A_318 : vector<1x16xf32> to vector<16xf32>
      %get3A_320 = arith.index_cast %div3A_295 : i32 to index
      %get3A_321 = arith.constant 96 : index
      %get3A_322 = tpu.vector_load %arg7[%get3A_320, %get3A_321] {strides = array<i32>} : memref<16x128xf32, #tpu.memory_space<vmem>>, vector<1x16xf32>,
      %get3A_323 = vector.shape_cast %get3A_322 : vector<1x16xf32> to vector<16xf32>
      %get3A_324 = arith.index_cast %div3A_295 : i32 to index
      %get3A_325 = arith.constant 112 : index
      %get3A_326 = tpu.vector_load %arg7[%get3A_324, %get3A_325] {strides = array<i32>} : memref<16x128xf32, #tpu.memory_space<vmem>>, vector<1x16xf32>,
      %get3A_327 = vector.shape_cast %get3A_326 : vector<1x16xf32> to vector<16xf32>
      %scan3A_328 = arith.constant 0 : i32
      %scan3A_329 = arith.constant 128 : i32
      %scan3A_330 = arith.addi %scan3A_328, %scan3A_329 : i32
      %scan3A_331 = arith.constant 4 : i32
      scf.for %scan3A_346 = %scan3A_328 to %scan3A_330 step %scan3A_331  : i32 {
        %get3A_347 = arith.index_cast %scan3A_346 : i32 to index
        %get3A_348 = arith.constant 0 : index
        %get3A_349 = tpu.vector_load %arg11[%get3A_347, %get3A_348] {strides = array<i32>} : memref<128x128xf32, #tpu.memory_space<vmem>>, vector<1x16xf32>,
        %get3A_350 = vector.shape_cast %get3A_349 : vector<1x16xf32> to vector<16xf32>
        %add3A_351 = arith.addf %get3A_350, %get3A_299 : vector<16xf32>
        %swap3A = arith.index_cast %scan3A_346 : i32 to index
        %swap3A_352 = arith.constant 0 : index
        %swap3A_353 = tpu.vector_load %arg11[%swap3A, %swap3A_352] {strides = array<i32>} : memref<128x128xf32, #tpu.memory_space<vmem>>, vector<1x16xf32>,
        %swap3A_354 = vector.shape_cast %swap3A_353 : vector<1x16xf32> to vector<16xf32>
        %swap3A_355 = vector.shape_cast %add3A_351 : vector<16xf32> to vector<1x16xf32>
        tpu.vector_store %arg11[%swap3A, %swap3A_352], %swap3A_355 {strides = array<i32>} : memref<128x128xf32, #tpu.memory_space<vmem>>, vector<1x16xf32>,
        %get3A_356 = arith.index_cast %scan3A_346 : i32 to index
        %get3A_357 = arith.constant 16 : index
        %get3A_358 = tpu.vector_load %arg11[%get3A_356, %get3A_357] {strides = array<i32>} : memref<128x128xf32, #tpu.memory_space<vmem>>, vector<1x16xf32>,
        %get3A_359 = vector.shape_cast %get3A_358 : vector<1x16xf32> to vector<16xf32>
        %add3A_360 = arith.addf %get3A_359, %get3A_303 : vector<16xf32>
        %swap3A_361 = arith.index_cast %scan3A_346 : i32 to index
        %swap3A_362 = arith.constant 16 : index
        %swap3A_363 = tpu.vector_load %arg11[%swap3A_361, %swap3A_362] {strides = array<i32>} : memref<128x128xf32, #tpu.memory_space<vmem>>, vector<1x16xf32>,
        %swap3A_364 = vector.shape_cast %swap3A_363 : vector<1x16xf32> to vector<16xf32>
        %swap3A_365 = vector.shape_cast %add3A_360 : vector<16xf32> to vector<1x16xf32>
        tpu.vector_store %arg11[%swap3A_361, %swap3A_362], %swap3A_365 {strides = array<i32>} : memref<128x128xf32, #tpu.memory_space<vmem>>, vector<1x16xf32>,
        %get3A_366 = arith.index_cast %scan3A_346 : i32 to index
        %get3A_367 = arith.constant 32 : index
        %get3A_368 = tpu.vector_load %arg11[%get3A_366, %get3A_367] {strides = array<i32>} : memref<128x128xf32, #tpu.memory_space<vmem>>, vector<1x16xf32>,
        %get3A_369 = vector.shape_cast %get3A_368 : vector<1x16xf32> to vector<16xf32>
        %add3A_370 = arith.addf %get3A_369, %get3A_307 : vector<16xf32>
        %swap3A_371 = arith.index_cast %scan3A_346 : i32 to index
        %swap3A_372 = arith.constant 32 : index
        %swap3A_373 = tpu.vector_load %arg11[%swap3A_371, %swap3A_372] {strides = array<i32>} : memref<128x128xf32, #tpu.memory_space<vmem>>, vector<1x16xf32>,
        %swap3A_374 = vector.shape_cast %swap3A_373 : vector<1x16xf32> to vector<16xf32>
        %swap3A_375 = vector.shape_cast %add3A_370 : vector<16xf32> to vector<1x16xf32>
        tpu.vector_store %arg11[%swap3A_371, %swap3A_372], %swap3A_375 {strides = array<i32>} : memref<128x128xf32, #tpu.memory_space<vmem>>, vector<1x16xf32>,
        %get3A_376 = arith.index_cast %scan3A_346 : i32 to index
        %get3A_377 = arith.constant 48 : index
        %get3A_378 = tpu.vector_load %arg11[%get3A_376, %get3A_377] {strides = array<i32>} : memref<128x128xf32, #tpu.memory_space<vmem>>, vector<1x16xf32>,
        %get3A_379 = vector.shape_cast %get3A_378 : vector<1x16xf32> to vector<16xf32>
        %add3A_380 = arith.addf %get3A_379, %get3A_311 : vector<16xf32>
        %swap3A_381 = arith.index_cast %scan3A_346 : i32 to index
        %swap3A_382 = arith.constant 48 : index
        %swap3A_383 = tpu.vector_load %arg11[%swap3A_381, %swap3A_382] {strides = array<i32>} : memref<128x128xf32, #tpu.memory_space<vmem>>, vector<1x16xf32>,
        %swap3A_384 = vector.shape_cast %swap3A_383 : vector<1x16xf32> to vector<16xf32>
        %swap3A_385 = vector.shape_cast %add3A_380 : vector<16xf32> to vector<1x16xf32>
        tpu.vector_store %arg11[%swap3A_381, %swap3A_382], %swap3A_385 {strides = array<i32>} : memref<128x128xf32, #tpu.memory_space<vmem>>, vector<1x16xf32>,
        %get3A_386 = arith.index_cast %scan3A_346 : i32 to index
        %get3A_387 = arith.constant 64 : index
        %get3A_388 = tpu.vector_load %arg11[%get3A_386, %get3A_387] {strides = array<i32>} : memref<128x128xf32, #tpu.memory_space<vmem>>, vector<1x16xf32>,
        %get3A_389 = vector.shape_cast %get3A_388 : vector<1x16xf32> to vector<16xf32>
        %add3A_390 = arith.addf %get3A_389, %get3A_315 : vector<16xf32>
        %swap3A_391 = arith.index_cast %scan3A_346 : i32 to index
        %swap3A_392 = arith.constant 64 : index
        %swap3A_393 = tpu.vector_load %arg11[%swap3A_391, %swap3A_392] {strides = array<i32>} : memref<128x128xf32, #tpu.memory_space<vmem>>, vector<1x16xf32>,
        %swap3A_394 = vector.shape_cast %swap3A_393 : vector<1x16xf32> to vector<16xf32>
        %swap3A_395 = vector.shape_cast %add3A_390 : vector<16xf32> to vector<1x16xf32>
        tpu.vector_store %arg11[%swap3A_391, %swap3A_392], %swap3A_395 {strides = array<i32>} : memref<128x128xf32, #tpu.memory_space<vmem>>, vector<1x16xf32>,
        %get3A_396 = arith.index_cast %scan3A_346 : i32 to index
        %get3A_397 = arith.constant 80 : index
        %get3A_398 = tpu.vector_load %arg11[%get3A_396, %get3A_397] {strides = array<i32>} : memref<128x128xf32, #tpu.memory_space<vmem>>, vector<1x16xf32>,
        %get3A_399 = vector.shape_cast %get3A_398 : vector<1x16xf32> to vector<16xf32>
        %add3A_400 = arith.addf %get3A_399, %get3A_319 : vector<16xf32>
        %swap3A_401 = arith.index_cast %scan3A_346 : i32 to index
        %swap3A_402 = arith.constant 80 : index
        %swap3A_403 = tpu.vector_load %arg11[%swap3A_401, %swap3A_402] {strides = array<i32>} : memref<128x128xf32, #tpu.memory_space<vmem>>, vector<1x16xf32>,
        %swap3A_404 = vector.shape_cast %swap3A_403 : vector<1x16xf32> to vector<16xf32>
        %swap3A_405 = vector.shape_cast %add3A_400 : vector<16xf32> to vector<1x16xf32>
        tpu.vector_store %arg11[%swap3A_401, %swap3A_402], %swap3A_405 {strides = array<i32>} : memref<128x128xf32, #tpu.memory_space<vmem>>, vector<1x16xf32>,
        %get3A_406 = arith.index_cast %scan3A_346 : i32 to index
        %get3A_407 = arith.constant 96 : index
        %get3A_408 = tpu.vector_load %arg11[%get3A_406, %get3A_407] {strides = array<i32>} : memref<128x128xf32, #tpu.memory_space<vmem>>, vector<1x16xf32>,
        %get3A_409 = vector.shape_cast %get3A_408 : vector<1x16xf32> to vector<16xf32>
        %add3A_410 = arith.addf %get3A_409, %get3A_323 : vector<16xf32>
        %swap3A_411 = arith.index_cast %scan3A_346 : i32 to index
        %swap3A_412 = arith.constant 96 : index
        %swap3A_413 = tpu.vector_load %arg11[%swap3A_411, %swap3A_412] {strides = array<i32>} : memref<128x128xf32, #tpu.memory_space<vmem>>, vector<1x16xf32>,
        %swap3A_414 = vector.shape_cast %swap3A_413 : vector<1x16xf32> to vector<16xf32>
        %swap3A_415 = vector.shape_cast %add3A_410 : vector<16xf32> to vector<1x16xf32>
        tpu.vector_store %arg11[%swap3A_411, %swap3A_412], %swap3A_415 {strides = array<i32>} : memref<128x128xf32, #tpu.memory_space<vmem>>, vector<1x16xf32>,
        %get3A_416 = arith.index_cast %scan3A_346 : i32 to index
        %get3A_417 = arith.constant 112 : index
        %get3A_418 = tpu.vector_load %arg11[%get3A_416, %get3A_417] {strides = array<i32>} : memref<128x128xf32, #tpu.memory_space<vmem>>, vector<1x16xf32>,
        %get3A_419 = vector.shape_cast %get3A_418 : vector<1x16xf32> to vector<16xf32>
        %add3A_420 = arith.addf %get3A_419, %get3A_327 : vector<16xf32>
        %swap3A_421 = arith.index_cast %scan3A_346 : i32 to index
        %swap3A_422 = arith.constant 112 : index
        %swap3A_423 = tpu.vector_load %arg11[%swap3A_421, %swap3A_422] {strides = array<i32>} : memref<128x128xf32, #tpu.memory_space<vmem>>, vector<1x16xf32>,
        %swap3A_424 = vector.shape_cast %swap3A_423 : vector<1x16xf32> to vector<16xf32>
        %swap3A_425 = vector.shape_cast %add3A_420 : vector<16xf32> to vector<1x16xf32>
        tpu.vector_store %arg11[%swap3A_421, %swap3A_422], %swap3A_425 {strides = array<i32>} : memref<128x128xf32, #tpu.memory_space<vmem>>, vector<1x16xf32>,
        %scan3A_426 = arith.constant 1 : i32
        %scan3A_427 = arith.addi %scan3A_346, %scan3A_426 : i32
        %get3A_428 = arith.index_cast %scan3A_427 : i32 to index
        %get3A_429 = arith.constant 0 : index
        %get3A_430 = tpu.vector_load %arg11[%get3A_428, %get3A_429] {strides = array<i32>} : memref<128x128xf32, #tpu.memory_space<vmem>>, vector<1x16xf32>,
        %get3A_431 = vector.shape_cast %get3A_430 : vector<1x16xf32> to vector<16xf32>
        %add3A_432 = arith.addf %get3A_431, %get3A_299 : vector<16xf32>
        %swap3A_433 = arith.index_cast %scan3A_427 : i32 to index
        %swap3A_434 = arith.constant 0 : index
        %swap3A_435 = tpu.vector_load %arg11[%swap3A_433, %swap3A_434] {strides = array<i32>} : memref<128x128xf32, #tpu.memory_space<vmem>>, vector<1x16xf32>,
        %swap3A_436 = vector.shape_cast %swap3A_435 : vector<1x16xf32> to vector<16xf32>
        %swap3A_437 = vector.shape_cast %add3A_432 : vector<16xf32> to vector<1x16xf32>
        tpu.vector_store %arg11[%swap3A_433, %swap3A_434], %swap3A_437 {strides = array<i32>} : memref<128x128xf32, #tpu.memory_space<vmem>>, vector<1x16xf32>,
        %get3A_438 = arith.index_cast %scan3A_427 : i32 to index
        %get3A_439 = arith.constant 16 : index
        %get3A_440 = tpu.vector_load %arg11[%get3A_438, %get3A_439] {strides = array<i32>} : memref<128x128xf32, #tpu.memory_space<vmem>>, vector<1x16xf32>,
        %get3A_441 = vector.shape_cast %get3A_440 : vector<1x16xf32> to vector<16xf32>
        %add3A_442 = arith.addf %get3A_441, %get3A_303 : vector<16xf32>
        %swap3A_443 = arith.index_cast %scan3A_427 : i32 to index
        %swap3A_444 = arith.constant 16 : index
        %swap3A_445 = tpu.vector_load %arg11[%swap3A_443, %swap3A_444] {strides = array<i32>} : memref<128x128xf32, #tpu.memory_space<vmem>>, vector<1x16xf32>,
        %swap3A_446 = vector.shape_cast %swap3A_445 : vector<1x16xf32> to vector<16xf32>
        %swap3A_447 = vector.shape_cast %add3A_442 : vector<16xf32> to vector<1x16xf32>
        tpu.vector_store %arg11[%swap3A_443, %swap3A_444], %swap3A_447 {strides = array<i32>} : memref<128x128xf32, #tpu.memory_space<vmem>>, vector<1x16xf32>,
        %get3A_448 = arith.index_cast %scan3A_427 : i32 to index
        %get3A_449 = arith.constant 32 : index
        %get3A_450 = tpu.vector_load %arg11[%get3A_448, %get3A_449] {strides = array<i32>} : memref<128x128xf32, #tpu.memory_space<vmem>>, vector<1x16xf32>,
        %get3A_451 = vector.shape_cast %get3A_450 : vector<1x16xf32> to vector<16xf32>
        %add3A_452 = arith.addf %get3A_451, %get3A_307 : vector<16xf32>
        %swap3A_453 = arith.index_cast %scan3A_427 : i32 to index
        %swap3A_454 = arith.constant 32 : index
        %swap3A_455 = tpu.vector_load %arg11[%swap3A_453, %swap3A_454] {strides = array<i32>} : memref<128x128xf32, #tpu.memory_space<vmem>>, vector<1x16xf32>,
        %swap3A_456 = vector.shape_cast %swap3A_455 : vector<1x16xf32> to vector<16xf32>
        %swap3A_457 = vector.shape_cast %add3A_452 : vector<16xf32> to vector<1x16xf32>
        tpu.vector_store %arg11[%swap3A_453, %swap3A_454], %swap3A_457 {strides = array<i32>} : memref<128x128xf32, #tpu.memory_space<vmem>>, vector<1x16xf32>,
        %get3A_458 = arith.index_cast %scan3A_427 : i32 to index
        %get3A_459 = arith.constant 48 : index
        %get3A_460 = tpu.vector_load %arg11[%get3A_458, %get3A_459] {strides = array<i32>} : memref<128x128xf32, #tpu.memory_space<vmem>>, vector<1x16xf32>,
        %get3A_461 = vector.shape_cast %get3A_460 : vector<1x16xf32> to vector<16xf32>
        %add3A_462 = arith.addf %get3A_461, %get3A_311 : vector<16xf32>
        %swap3A_463 = arith.index_cast %scan3A_427 : i32 to index
        %swap3A_464 = arith.constant 48 : index
        %swap3A_465 = tpu.vector_load %arg11[%swap3A_463, %swap3A_464] {strides = array<i32>} : memref<128x128xf32, #tpu.memory_space<vmem>>, vector<1x16xf32>,
        %swap3A_466 = vector.shape_cast %swap3A_465 : vector<1x16xf32> to vector<16xf32>
        %swap3A_467 = vector.shape_cast %add3A_462 : vector<16xf32> to vector<1x16xf32>
        tpu.vector_store %arg11[%swap3A_463, %swap3A_464], %swap3A_467 {strides = array<i32>} : memref<128x128xf32, #tpu.memory_space<vmem>>, vector<1x16xf32>,
        %get3A_468 = arith.index_cast %scan3A_427 : i32 to index
        %get3A_469 = arith.constant 64 : index
        %get3A_470 = tpu.vector_load %arg11[%get3A_468, %get3A_469] {strides = array<i32>} : memref<128x128xf32, #tpu.memory_space<vmem>>, vector<1x16xf32>,
        %get3A_471 = vector.shape_cast %get3A_470 : vector<1x16xf32> to vector<16xf32>
        %add3A_472 = arith.addf %get3A_471, %get3A_315 : vector<16xf32>
        %swap3A_473 = arith.index_cast %scan3A_427 : i32 to index
        %swap3A_474 = arith.constant 64 : index
        %swap3A_475 = tpu.vector_load %arg11[%swap3A_473, %swap3A_474] {strides = array<i32>} : memref<128x128xf32, #tpu.memory_space<vmem>>, vector<1x16xf32>,
        %swap3A_476 = vector.shape_cast %swap3A_475 : vector<1x16xf32> to vector<16xf32>
        %swap3A_477 = vector.shape_cast %add3A_472 : vector<16xf32> to vector<1x16xf32>
        tpu.vector_store %arg11[%swap3A_473, %swap3A_474], %swap3A_477 {strides = array<i32>} : memref<128x128xf32, #tpu.memory_space<vmem>>, vector<1x16xf32>,
        %get3A_478 = arith.index_cast %scan3A_427 : i32 to index
        %get3A_479 = arith.constant 80 : index
        %get3A_480 = tpu.vector_load %arg11[%get3A_478, %get3A_479] {strides = array<i32>} : memref<128x128xf32, #tpu.memory_space<vmem>>, vector<1x16xf32>,
        %get3A_481 = vector.shape_cast %get3A_480 : vector<1x16xf32> to vector<16xf32>
        %add3A_482 = arith.addf %get3A_481, %get3A_319 : vector<16xf32>
        %swap3A_483 = arith.index_cast %scan3A_427 : i32 to index
        %swap3A_484 = arith.constant 80 : index
        %swap3A_485 = tpu.vector_load %arg11[%swap3A_483, %swap3A_484] {strides = array<i32>} : memref<128x128xf32, #tpu.memory_space<vmem>>, vector<1x16xf32>,
        %swap3A_486 = vector.shape_cast %swap3A_485 : vector<1x16xf32> to vector<16xf32>
        %swap3A_487 = vector.shape_cast %add3A_482 : vector<16xf32> to vector<1x16xf32>
        tpu.vector_store %arg11[%swap3A_483, %swap3A_484], %swap3A_487 {strides = array<i32>} : memref<128x128xf32, #tpu.memory_space<vmem>>, vector<1x16xf32>,
        %get3A_488 = arith.index_cast %scan3A_427 : i32 to index
        %get3A_489 = arith.constant 96 : index
        %get3A_490 = tpu.vector_load %arg11[%get3A_488, %get3A_489] {strides = array<i32>} : memref<128x128xf32, #tpu.memory_space<vmem>>, vector<1x16xf32>,
        %get3A_491 = vector.shape_cast %get3A_490 : vector<1x16xf32> to vector<16xf32>
        %add3A_492 = arith.addf %get3A_491, %get3A_323 : vector<16xf32>
        %swap3A_493 = arith.index_cast %scan3A_427 : i32 to index
        %swap3A_494 = arith.constant 96 : index
        %swap3A_495 = tpu.vector_load %arg11[%swap3A_493, %swap3A_494] {strides = array<i32>} : memref<128x128xf32, #tpu.memory_space<vmem>>, vector<1x16xf32>,
        %swap3A_496 = vector.shape_cast %swap3A_495 : vector<1x16xf32> to vector<16xf32>
        %swap3A_497 = vector.shape_cast %add3A_492 : vector<16xf32> to vector<1x16xf32>
        tpu.vector_store %arg11[%swap3A_493, %swap3A_494], %swap3A_497 {strides = array<i32>} : memref<128x128xf32, #tpu.memory_space<vmem>>, vector<1x16xf32>,
        %get3A_498 = arith.index_cast %scan3A_427 : i32 to index
        %get3A_499 = arith.constant 112 : index
        %get3A_500 = tpu.vector_load %arg11[%get3A_498, %get3A_499] {strides = array<i32>} : memref<128x128xf32, #tpu.memory_space<vmem>>, vector<1x16xf32>,
        %get3A_501 = vector.shape_cast %get3A_500 : vector<1x16xf32> to vector<16xf32>
        %add3A_502 = arith.addf %get3A_501, %get3A_327 : vector<16xf32>
        %swap3A_503 = arith.index_cast %scan3A_427 : i32 to index
        %swap3A_504 = arith.constant 112 : index
        %swap3A_505 = tpu.vector_load %arg11[%swap3A_503, %swap3A_504] {strides = array<i32>} : memref<128x128xf32, #tpu.memory_space<vmem>>, vector<1x16xf32>,
        %swap3A_506 = vector.shape_cast %swap3A_505 : vector<1x16xf32> to vector<16xf32>
        %swap3A_507 = vector.shape_cast %add3A_502 : vector<16xf32> to vector<1x16xf32>
        tpu.vector_store %arg11[%swap3A_503, %swap3A_504], %swap3A_507 {strides = array<i32>} : memref<128x128xf32, #tpu.memory_space<vmem>>, vector<1x16xf32>,
        %scan3A_508 = arith.constant 2 : i32
        %scan3A_509 = arith.addi %scan3A_346, %scan3A_508 : i32
        %get3A_510 = arith.index_cast %scan3A_509 : i32 to index
        %get3A_511 = arith.constant 0 : index
        %get3A_512 = tpu.vector_load %arg11[%get3A_510, %get3A_511] {strides = array<i32>} : memref<128x128xf32, #tpu.memory_space<vmem>>, vector<1x16xf32>,
        %get3A_513 = vector.shape_cast %get3A_512 : vector<1x16xf32> to vector<16xf32>
        %add3A_514 = arith.addf %get3A_513, %get3A_299 : vector<16xf32>
        %swap3A_515 = arith.index_cast %scan3A_509 : i32 to index
        %swap3A_516 = arith.constant 0 : index
        %swap3A_517 = tpu.vector_load %arg11[%swap3A_515, %swap3A_516] {strides = array<i32>} : memref<128x128xf32, #tpu.memory_space<vmem>>, vector<1x16xf32>,
        %swap3A_518 = vector.shape_cast %swap3A_517 : vector<1x16xf32> to vector<16xf32>
        %swap3A_519 = vector.shape_cast %add3A_514 : vector<16xf32> to vector<1x16xf32>
        tpu.vector_store %arg11[%swap3A_515, %swap3A_516], %swap3A_519 {strides = array<i32>} : memref<128x128xf32, #tpu.memory_space<vmem>>, vector<1x16xf32>,
        %get3A_520 = arith.index_cast %scan3A_509 : i32 to index
        %get3A_521 = arith.constant 16 : index
        %get3A_522 = tpu.vector_load %arg11[%get3A_520, %get3A_521] {strides = array<i32>} : memref<128x128xf32, #tpu.memory_space<vmem>>, vector<1x16xf32>,
        %get3A_523 = vector.shape_cast %get3A_522 : vector<1x16xf32> to vector<16xf32>
        %add3A_524 = arith.addf %get3A_523, %get3A_303 : vector<16xf32>
        %swap3A_525 = arith.index_cast %scan3A_509 : i32 to index
        %swap3A_526 = arith.constant 16 : index
        %swap3A_527 = tpu.vector_load %arg11[%swap3A_525, %swap3A_526] {strides = array<i32>} : memref<128x128xf32, #tpu.memory_space<vmem>>, vector<1x16xf32>,
        %swap3A_528 = vector.shape_cast %swap3A_527 : vector<1x16xf32> to vector<16xf32>
        %swap3A_529 = vector.shape_cast %add3A_524 : vector<16xf32> to vector<1x16xf32>
        tpu.vector_store %arg11[%swap3A_525, %swap3A_526], %swap3A_529 {strides = array<i32>} : memref<128x128xf32, #tpu.memory_space<vmem>>, vector<1x16xf32>,
        %get3A_530 = arith.index_cast %scan3A_509 : i32 to index
        %get3A_531 = arith.constant 32 : index
        %get3A_532 = tpu.vector_load %arg11[%get3A_530, %get3A_531] {strides = array<i32>} : memref<128x128xf32, #tpu.memory_space<vmem>>, vector<1x16xf32>,
        %get3A_533 = vector.shape_cast %get3A_532 : vector<1x16xf32> to vector<16xf32>
        %add3A_534 = arith.addf %get3A_533, %get3A_307 : vector<16xf32>
        %swap3A_535 = arith.index_cast %scan3A_509 : i32 to index
        %swap3A_536 = arith.constant 32 : index
        %swap3A_537 = tpu.vector_load %arg11[%swap3A_535, %swap3A_536] {strides = array<i32>} : memref<128x128xf32, #tpu.memory_space<vmem>>, vector<1x16xf32>,
        %swap3A_538 = vector.shape_cast %swap3A_537 : vector<1x16xf32> to vector<16xf32>
        %swap3A_539 = vector.shape_cast %add3A_534 : vector<16xf32> to vector<1x16xf32>
        tpu.vector_store %arg11[%swap3A_535, %swap3A_536], %swap3A_539 {strides = array<i32>} : memref<128x128xf32, #tpu.memory_space<vmem>>, vector<1x16xf32>,
        %get3A_540 = arith.index_cast %scan3A_509 : i32 to index
        %get3A_541 = arith.constant 48 : index
        %get3A_542 = tpu.vector_load %arg11[%get3A_540, %get3A_541] {strides = array<i32>} : memref<128x128xf32, #tpu.memory_space<vmem>>, vector<1x16xf32>,
        %get3A_543 = vector.shape_cast %get3A_542 : vector<1x16xf32> to vector<16xf32>
        %add3A_544 = arith.addf %get3A_543, %get3A_311 : vector<16xf32>
        %swap3A_545 = arith.index_cast %scan3A_509 : i32 to index
        %swap3A_546 = arith.constant 48 : index
        %swap3A_547 = tpu.vector_load %arg11[%swap3A_545, %swap3A_546] {strides = array<i32>} : memref<128x128xf32, #tpu.memory_space<vmem>>, vector<1x16xf32>,
        %swap3A_548 = vector.shape_cast %swap3A_547 : vector<1x16xf32> to vector<16xf32>
        %swap3A_549 = vector.shape_cast %add3A_544 : vector<16xf32> to vector<1x16xf32>
        tpu.vector_store %arg11[%swap3A_545, %swap3A_546], %swap3A_549 {strides = array<i32>} : memref<128x128xf32, #tpu.memory_space<vmem>>, vector<1x16xf32>,
        %get3A_550 = arith.index_cast %scan3A_509 : i32 to index
        %get3A_551 = arith.constant 64 : index
        %get3A_552 = tpu.vector_load %arg11[%get3A_550, %get3A_551] {strides = array<i32>} : memref<128x128xf32, #tpu.memory_space<vmem>>, vector<1x16xf32>,
        %get3A_553 = vector.shape_cast %get3A_552 : vector<1x16xf32> to vector<16xf32>
        %add3A_554 = arith.addf %get3A_553, %get3A_315 : vector<16xf32>
        %swap3A_555 = arith.index_cast %scan3A_509 : i32 to index
        %swap3A_556 = arith.constant 64 : index
        %swap3A_557 = tpu.vector_load %arg11[%swap3A_555, %swap3A_556] {strides = array<i32>} : memref<128x128xf32, #tpu.memory_space<vmem>>, vector<1x16xf32>,
        %swap3A_558 = vector.shape_cast %swap3A_557 : vector<1x16xf32> to vector<16xf32>
        %swap3A_559 = vector.shape_cast %add3A_554 : vector<16xf32> to vector<1x16xf32>
        tpu.vector_store %arg11[%swap3A_555, %swap3A_556], %swap3A_559 {strides = array<i32>} : memref<128x128xf32, #tpu.memory_space<vmem>>, vector<1x16xf32>,
        %get3A_560 = arith.index_cast %scan3A_509 : i32 to index
        %get3A_561 = arith.constant 80 : index
        %get3A_562 = tpu.vector_load %arg11[%get3A_560, %get3A_561] {strides = array<i32>} : memref<128x128xf32, #tpu.memory_space<vmem>>, vector<1x16xf32>,
        %get3A_563 = vector.shape_cast %get3A_562 : vector<1x16xf32> to vector<16xf32>
        %add3A_564 = arith.addf %get3A_563, %get3A_319 : vector<16xf32>
        %swap3A_565 = arith.index_cast %scan3A_509 : i32 to index
        %swap3A_566 = arith.constant 80 : index
        %swap3A_567 = tpu.vector_load %arg11[%swap3A_565, %swap3A_566] {strides = array<i32>} : memref<128x128xf32, #tpu.memory_space<vmem>>, vector<1x16xf32>,
        %swap3A_568 = vector.shape_cast %swap3A_567 : vector<1x16xf32> to vector<16xf32>
        %swap3A_569 = vector.shape_cast %add3A_564 : vector<16xf32> to vector<1x16xf32>
        tpu.vector_store %arg11[%swap3A_565, %swap3A_566], %swap3A_569 {strides = array<i32>} : memref<128x128xf32, #tpu.memory_space<vmem>>, vector<1x16xf32>,
        %get3A_570 = arith.index_cast %scan3A_509 : i32 to index
        %get3A_571 = arith.constant 96 : index
        %get3A_572 = tpu.vector_load %arg11[%get3A_570, %get3A_571] {strides = array<i32>} : memref<128x128xf32, #tpu.memory_space<vmem>>, vector<1x16xf32>,
        %get3A_573 = vector.shape_cast %get3A_572 : vector<1x16xf32> to vector<16xf32>
        %add3A_574 = arith.addf %get3A_573, %get3A_323 : vector<16xf32>
        %swap3A_575 = arith.index_cast %scan3A_509 : i32 to index
        %swap3A_576 = arith.constant 96 : index
        %swap3A_577 = tpu.vector_load %arg11[%swap3A_575, %swap3A_576] {strides = array<i32>} : memref<128x128xf32, #tpu.memory_space<vmem>>, vector<1x16xf32>,
        %swap3A_578 = vector.shape_cast %swap3A_577 : vector<1x16xf32> to vector<16xf32>
        %swap3A_579 = vector.shape_cast %add3A_574 : vector<16xf32> to vector<1x16xf32>
        tpu.vector_store %arg11[%swap3A_575, %swap3A_576], %swap3A_579 {strides = array<i32>} : memref<128x128xf32, #tpu.memory_space<vmem>>, vector<1x16xf32>,
        %get3A_580 = arith.index_cast %scan3A_509 : i32 to index
        %get3A_581 = arith.constant 112 : index
        %get3A_582 = tpu.vector_load %arg11[%get3A_580, %get3A_581] {strides = array<i32>} : memref<128x128xf32, #tpu.memory_space<vmem>>, vector<1x16xf32>,
        %get3A_583 = vector.shape_cast %get3A_582 : vector<1x16xf32> to vector<16xf32>
        %add3A_584 = arith.addf %get3A_583, %get3A_327 : vector<16xf32>
        %swap3A_585 = arith.index_cast %scan3A_509 : i32 to index
        %swap3A_586 = arith.constant 112 : index
        %swap3A_587 = tpu.vector_load %arg11[%swap3A_585, %swap3A_586] {strides = array<i32>} : memref<128x128xf32, #tpu.memory_space<vmem>>, vector<1x16xf32>,
        %swap3A_588 = vector.shape_cast %swap3A_587 : vector<1x16xf32> to vector<16xf32>
        %swap3A_589 = vector.shape_cast %add3A_584 : vector<16xf32> to vector<1x16xf32>
        tpu.vector_store %arg11[%swap3A_585, %swap3A_586], %swap3A_589 {strides = array<i32>} : memref<128x128xf32, #tpu.memory_space<vmem>>, vector<1x16xf32>,
        %scan3A_590 = arith.constant 3 : i32
        %scan3A_591 = arith.addi %scan3A_346, %scan3A_590 : i32
        %get3A_592 = arith.index_cast %scan3A_591 : i32 to index
        %get3A_593 = arith.constant 0 : index
        %get3A_594 = tpu.vector_load %arg11[%get3A_592, %get3A_593] {strides = array<i32>} : memref<128x128xf32, #tpu.memory_space<vmem>>, vector<1x16xf32>,
        %get3A_595 = vector.shape_cast %get3A_594 : vector<1x16xf32> to vector<16xf32>
        %add3A_596 = arith.addf %get3A_595, %get3A_299 : vector<16xf32>
        %swap3A_597 = arith.index_cast %scan3A_591 : i32 to index
        %swap3A_598 = arith.constant 0 : index
        %swap3A_599 = tpu.vector_load %arg11[%swap3A_597, %swap3A_598] {strides = array<i32>} : memref<128x128xf32, #tpu.memory_space<vmem>>, vector<1x16xf32>,
        %swap3A_600 = vector.shape_cast %swap3A_599 : vector<1x16xf32> to vector<16xf32>
        %swap3A_601 = vector.shape_cast %add3A_596 : vector<16xf32> to vector<1x16xf32>
        tpu.vector_store %arg11[%swap3A_597, %swap3A_598], %swap3A_601 {strides = array<i32>} : memref<128x128xf32, #tpu.memory_space<vmem>>, vector<1x16xf32>,
        %get3A_602 = arith.index_cast %scan3A_591 : i32 to index
        %get3A_603 = arith.constant 16 : index
        %get3A_604 = tpu.vector_load %arg11[%get3A_602, %get3A_603] {strides = array<i32>} : memref<128x128xf32, #tpu.memory_space<vmem>>, vector<1x16xf32>,
        %get3A_605 = vector.shape_cast %get3A_604 : vector<1x16xf32> to vector<16xf32>
        %add3A_606 = arith.addf %get3A_605, %get3A_303 : vector<16xf32>
        %swap3A_607 = arith.index_cast %scan3A_591 : i32 to index
        %swap3A_608 = arith.constant 16 : index
        %swap3A_609 = tpu.vector_load %arg11[%swap3A_607, %swap3A_608] {strides = array<i32>} : memref<128x128xf32, #tpu.memory_space<vmem>>, vector<1x16xf32>,
        %swap3A_610 = vector.shape_cast %swap3A_609 : vector<1x16xf32> to vector<16xf32>
        %swap3A_611 = vector.shape_cast %add3A_606 : vector<16xf32> to vector<1x16xf32>
        tpu.vector_store %arg11[%swap3A_607, %swap3A_608], %swap3A_611 {strides = array<i32>} : memref<128x128xf32, #tpu.memory_space<vmem>>, vector<1x16xf32>,
        %get3A_612 = arith.index_cast %scan3A_591 : i32 to index
        %get3A_613 = arith.constant 32 : index
        %get3A_614 = tpu.vector_load %arg11[%get3A_612, %get3A_613] {strides = array<i32>} : memref<128x128xf32, #tpu.memory_space<vmem>>, vector<1x16xf32>,
        %get3A_615 = vector.shape_cast %get3A_614 : vector<1x16xf32> to vector<16xf32>
        %add3A_616 = arith.addf %get3A_615, %get3A_307 : vector<16xf32>
        %swap3A_617 = arith.index_cast %scan3A_591 : i32 to index
        %swap3A_618 = arith.constant 32 : index
        %swap3A_619 = tpu.vector_load %arg11[%swap3A_617, %swap3A_618] {strides = array<i32>} : memref<128x128xf32, #tpu.memory_space<vmem>>, vector<1x16xf32>,
        %swap3A_620 = vector.shape_cast %swap3A_619 : vector<1x16xf32> to vector<16xf32>
        %swap3A_621 = vector.shape_cast %add3A_616 : vector<16xf32> to vector<1x16xf32>
        tpu.vector_store %arg11[%swap3A_617, %swap3A_618], %swap3A_621 {strides = array<i32>} : memref<128x128xf32, #tpu.memory_space<vmem>>, vector<1x16xf32>,
        %get3A_622 = arith.index_cast %scan3A_591 : i32 to index
        %get3A_623 = arith.constant 48 : index
        %get3A_624 = tpu.vector_load %arg11[%get3A_622, %get3A_623] {strides = array<i32>} : memref<128x128xf32, #tpu.memory_space<vmem>>, vector<1x16xf32>,
        %get3A_625 = vector.shape_cast %get3A_624 : vector<1x16xf32> to vector<16xf32>
        %add3A_626 = arith.addf %get3A_625, %get3A_311 : vector<16xf32>
        %swap3A_627 = arith.index_cast %scan3A_591 : i32 to index
        %swap3A_628 = arith.constant 48 : index
        %swap3A_629 = tpu.vector_load %arg11[%swap3A_627, %swap3A_628] {strides = array<i32>} : memref<128x128xf32, #tpu.memory_space<vmem>>, vector<1x16xf32>,
        %swap3A_630 = vector.shape_cast %swap3A_629 : vector<1x16xf32> to vector<16xf32>
        %swap3A_631 = vector.shape_cast %add3A_626 : vector<16xf32> to vector<1x16xf32>
        tpu.vector_store %arg11[%swap3A_627, %swap3A_628], %swap3A_631 {strides = array<i32>} : memref<128x128xf32, #tpu.memory_space<vmem>>, vector<1x16xf32>,
        %get3A_632 = arith.index_cast %scan3A_591 : i32 to index
        %get3A_633 = arith.constant 64 : index
        %get3A_634 = tpu.vector_load %arg11[%get3A_632, %get3A_633] {strides = array<i32>} : memref<128x128xf32, #tpu.memory_space<vmem>>, vector<1x16xf32>,
        %get3A_635 = vector.shape_cast %get3A_634 : vector<1x16xf32> to vector<16xf32>
        %add3A_636 = arith.addf %get3A_635, %get3A_315 : vector<16xf32>
        %swap3A_637 = arith.index_cast %scan3A_591 : i32 to index
        %swap3A_638 = arith.constant 64 : index
        %swap3A_639 = tpu.vector_load %arg11[%swap3A_637, %swap3A_638] {strides = array<i32>} : memref<128x128xf32, #tpu.memory_space<vmem>>, vector<1x16xf32>,
        %swap3A_640 = vector.shape_cast %swap3A_639 : vector<1x16xf32> to vector<16xf32>
        %swap3A_641 = vector.shape_cast %add3A_636 : vector<16xf32> to vector<1x16xf32>
        tpu.vector_store %arg11[%swap3A_637, %swap3A_638], %swap3A_641 {strides = array<i32>} : memref<128x128xf32, #tpu.memory_space<vmem>>, vector<1x16xf32>,
        %get3A_642 = arith.index_cast %scan3A_591 : i32 to index
        %get3A_643 = arith.constant 80 : index
        %get3A_644 = tpu.vector_load %arg11[%get3A_642, %get3A_643] {strides = array<i32>} : memref<128x128xf32, #tpu.memory_space<vmem>>, vector<1x16xf32>,
        %get3A_645 = vector.shape_cast %get3A_644 : vector<1x16xf32> to vector<16xf32>
        %add3A_646 = arith.addf %get3A_645, %get3A_319 : vector<16xf32>
        %swap3A_647 = arith.index_cast %scan3A_591 : i32 to index
        %swap3A_648 = arith.constant 80 : index
        %swap3A_649 = tpu.vector_load %arg11[%swap3A_647, %swap3A_648] {strides = array<i32>} : memref<128x128xf32, #tpu.memory_space<vmem>>, vector<1x16xf32>,
        %swap3A_650 = vector.shape_cast %swap3A_649 : vector<1x16xf32> to vector<16xf32>
        %swap3A_651 = vector.shape_cast %add3A_646 : vector<16xf32> to vector<1x16xf32>
        tpu.vector_store %arg11[%swap3A_647, %swap3A_648], %swap3A_651 {strides = array<i32>} : memref<128x128xf32, #tpu.memory_space<vmem>>, vector<1x16xf32>,
        %get3A_652 = arith.index_cast %scan3A_591 : i32 to index
        %get3A_653 = arith.constant 96 : index
        %get3A_654 = tpu.vector_load %arg11[%get3A_652, %get3A_653] {strides = array<i32>} : memref<128x128xf32, #tpu.memory_space<vmem>>, vector<1x16xf32>,
        %get3A_655 = vector.shape_cast %get3A_654 : vector<1x16xf32> to vector<16xf32>
        %add3A_656 = arith.addf %get3A_655, %get3A_323 : vector<16xf32>
        %swap3A_657 = arith.index_cast %scan3A_591 : i32 to index
        %swap3A_658 = arith.constant 96 : index
        %swap3A_659 = tpu.vector_load %arg11[%swap3A_657, %swap3A_658] {strides = array<i32>} : memref<128x128xf32, #tpu.memory_space<vmem>>, vector<1x16xf32>,
        %swap3A_660 = vector.shape_cast %swap3A_659 : vector<1x16xf32> to vector<16xf32>
        %swap3A_661 = vector.shape_cast %add3A_656 : vector<16xf32> to vector<1x16xf32>
        tpu.vector_store %arg11[%swap3A_657, %swap3A_658], %swap3A_661 {strides = array<i32>} : memref<128x128xf32, #tpu.memory_space<vmem>>, vector<1x16xf32>,
        %get3A_662 = arith.index_cast %scan3A_591 : i32 to index
        %get3A_663 = arith.constant 112 : index
        %get3A_664 = tpu.vector_load %arg11[%get3A_662, %get3A_663] {strides = array<i32>} : memref<128x128xf32, #tpu.memory_space<vmem>>, vector<1x16xf32>,
        %get3A_665 = vector.shape_cast %get3A_664 : vector<1x16xf32> to vector<16xf32>
        %add3A_666 = arith.addf %get3A_665, %get3A_327 : vector<16xf32>
        %swap3A_667 = arith.index_cast %scan3A_591 : i32 to index
        %swap3A_668 = arith.constant 112 : index
        %swap3A_669 = tpu.vector_load %arg11[%swap3A_667, %swap3A_668] {strides = array<i32>} : memref<128x128xf32, #tpu.memory_space<vmem>>, vector<1x16xf32>,
        %swap3A_670 = vector.shape_cast %swap3A_669 : vector<1x16xf32> to vector<16xf32>
        %swap3A_671 = vector.shape_cast %add3A_666 : vector<16xf32> to vector<1x16xf32>
        tpu.vector_store %arg11[%swap3A_667, %swap3A_668], %swap3A_671 {strides = array<i32>} : memref<128x128xf32, #tpu.memory_space<vmem>>, vector<1x16xf32>,
      }
      %scan3A_332 = arith.constant 128 : i32
      %div3A_333 = arith.constant 8 : i32
      %div3A_334 = arith.divsi %add3A_280, %div3A_333 : i32
      %rem3A_335 = arith.constant 8 : i32
      %rem3A_336 = arith.remsi %add3A_280, %rem3A_335 : i32
      %mul3A_337 = arith.constant 128 : i32
      %mul3A_338 = arith.muli %rem3A_336, %mul3A_337 : i32
      %add3A_339 = arith.addi %mul3A_4, %div3A_334 : i32
      %dma_start3A_340 = arith.constant 0 : i32
      %dma_start3A_341 = tpu.memref_slice %arg5[%mul3A_338, %add3A_339, %dma_start3A_340] : memref<1024x512x128xf32, #tpu.memory_space<hbm>> -> memref<128x1x128xf32, #tpu.memory_space<hbm>>
      %dma_start3A_342 = tpu.memref_squeeze %dma_start3A_341 : memref<128x1x128xf32, #tpu.memory_space<hbm>> -> memref<128x128xf32, #tpu.memory_space<hbm>>
      %dma_start3A_343 = arith.constant 0 : i32
      %dma_start3A_344 = tpu.memref_slice %arg5[%mul3A_338, %add3A_339, %dma_start3A_343] : memref<1024x512x128xf32, #tpu.memory_space<hbm>> -> memref<128x1x128xf32, #tpu.memory_space<hbm>>
      %dma_start3A_345 = tpu.memref_squeeze %dma_start3A_344 : memref<128x1x128xf32, #tpu.memory_space<hbm>> -> memref<128x128xf32, #tpu.memory_space<hbm>>
      tpu.enqueue_dma source(%arg11 : memref<128x128xf32, #tpu.memory_space<vmem>>) target(%dma_start3A_345 : memref<128x128xf32, #tpu.memory_space<hbm>>) target_semaphore(%arg19 : memref<!tpu.dma_semaphore, #tpu.memory_space<semaphore_mem>>)
    }
    %scan3A_21 = arith.constant 32 : i32
    %div3A = arith.constant 124 : i32
    %div3A_22 = arith.constant 8 : i32
    %div3A_23 = arith.divsi %div3A, %div3A_22 : i32
    %rem3A = arith.constant 124 : i32
    %rem3A_24 = arith.constant 8 : i32
    %rem3A_25 = arith.remsi %rem3A, %rem3A_24 : i32
    %mul3A_26 = arith.constant 128 : i32
    %mul3A_27 = arith.muli %rem3A_25, %mul3A_26 : i32
    %add3A_28 = arith.addi %mul3A_4, %div3A_23 : i32
    %dma_wait3A = arith.constant 0 : i32
    %dma_wait3A_29 = tpu.memref_slice %arg5[%mul3A_27, %add3A_28, %dma_wait3A] : memref<1024x512x128xf32, #tpu.memory_space<hbm>> -> memref<128x1x128xf32, #tpu.memory_space<hbm>>
    %dma_wait3A_30 = tpu.memref_squeeze %dma_wait3A_29 : memref<128x1x128xf32, #tpu.memory_space<hbm>> -> memref<128x128xf32, #tpu.memory_space<hbm>>
    %dma_wait3A_31 = arith.constant 0 : i32
    %dma_wait3A_32 = tpu.memref_slice %arg5[%mul3A_27, %add3A_28, %dma_wait3A_31] : memref<1024x512x128xf32, #tpu.memory_space<hbm>> -> memref<128x1x128xf32, #tpu.memory_space<hbm>>
    %dma_wait3A_33 = tpu.memref_squeeze %dma_wait3A_32 : memref<128x1x128xf32, #tpu.memory_space<hbm>> -> memref<128x128xf32, #tpu.memory_space<hbm>>
    tpu.wait_dma2 semaphore(%arg16 : memref<!tpu.dma_semaphore, #tpu.memory_space<semaphore_mem>>) src(%arg8 : memref<128x128xf32, #tpu.memory_space<vmem>>) dst(%dma_wait3A_33 : memref<128x128xf32, #tpu.memory_space<hbm>>)
    %div3A_34 = arith.constant 125 : i32
    %div3A_35 = arith.constant 8 : i32
    %div3A_36 = arith.divsi %div3A_34, %div3A_35 : i32
    %rem3A_37 = arith.constant 125 : i32
    %rem3A_38 = arith.constant 8 : i32
    %rem3A_39 = arith.remsi %rem3A_37, %rem3A_38 : i32
    %mul3A_40 = arith.constant 128 : i32
    %mul3A_41 = arith.muli %rem3A_39, %mul3A_40 : i32
    %add3A_42 = arith.addi %mul3A_4, %div3A_36 : i32
    %dma_wait3A_43 = arith.constant 0 : i32
    %dma_wait3A_44 = tpu.memref_slice %arg5[%mul3A_41, %add3A_42, %dma_wait3A_43] : memref<1024x512x128xf32, #tpu.memory_space<hbm>> -> memref<128x1x128xf32, #tpu.memory_space<hbm>>
    %dma_wait3A_45 = tpu.memref_squeeze %dma_wait3A_44 : memref<128x1x128xf32, #tpu.memory_space<hbm>> -> memref<128x128xf32, #tpu.memory_space<hbm>>
    %dma_wait3A_46 = arith.constant 0 : i32
    %dma_wait3A_47 = tpu.memref_slice %arg5[%mul3A_41, %add3A_42, %dma_wait3A_46] : memref<1024x512x128xf32, #tpu.memory_space<hbm>> -> memref<128x1x128xf32, #tpu.memory_space<hbm>>
    %dma_wait3A_48 = tpu.memref_squeeze %dma_wait3A_47 : memref<128x1x128xf32, #tpu.memory_space<hbm>> -> memref<128x128xf32, #tpu.memory_space<hbm>>
    tpu.wait_dma2 semaphore(%arg17 : memref<!tpu.dma_semaphore, #tpu.memory_space<semaphore_mem>>) src(%arg9 : memref<128x128xf32, #tpu.memory_space<vmem>>) dst(%dma_wait3A_48 : memref<128x128xf32, #tpu.memory_space<hbm>>)
    %div3A_49 = arith.constant 126 : i32
    %div3A_50 = arith.constant 8 : i32
    %div3A_51 = arith.divsi %div3A_49, %div3A_50 : i32
    %rem3A_52 = arith.constant 126 : i32
    %rem3A_53 = arith.constant 8 : i32
    %rem3A_54 = arith.remsi %rem3A_52, %rem3A_53 : i32
    %mul3A_55 = arith.constant 128 : i32
    %mul3A_56 = arith.muli %rem3A_54, %mul3A_55 : i32
    %add3A_57 = arith.addi %mul3A_4, %div3A_51 : i32
    %dma_wait3A_58 = arith.constant 0 : i32
    %dma_wait3A_59 = tpu.memref_slice %arg5[%mul3A_56, %add3A_57, %dma_wait3A_58] : memref<1024x512x128xf32, #tpu.memory_space<hbm>> -> memref<128x1x128xf32, #tpu.memory_space<hbm>>
    %dma_wait3A_60 = tpu.memref_squeeze %dma_wait3A_59 : memref<128x1x128xf32, #tpu.memory_space<hbm>> -> memref<128x128xf32, #tpu.memory_space<hbm>>
    %dma_wait3A_61 = arith.constant 0 : i32
    %dma_wait3A_62 = tpu.memref_slice %arg5[%mul3A_56, %add3A_57, %dma_wait3A_61] : memref<1024x512x128xf32, #tpu.memory_space<hbm>> -> memref<128x1x128xf32, #tpu.memory_space<hbm>>
    %dma_wait3A_63 = tpu.memref_squeeze %dma_wait3A_62 : memref<128x1x128xf32, #tpu.memory_space<hbm>> -> memref<128x128xf32, #tpu.memory_space<hbm>>
    tpu.wait_dma2 semaphore(%arg18 : memref<!tpu.dma_semaphore, #tpu.memory_space<semaphore_mem>>) src(%arg10 : memref<128x128xf32, #tpu.memory_space<vmem>>) dst(%dma_wait3A_63 : memref<128x128xf32, #tpu.memory_space<hbm>>)
    %div3A_64 = arith.constant 127 : i32
    %div3A_65 = arith.constant 8 : i32
    %div3A_66 = arith.divsi %div3A_64, %div3A_65 : i32
    %rem3A_67 = arith.constant 127 : i32
    %rem3A_68 = arith.constant 8 : i32
    %rem3A_69 = arith.remsi %rem3A_67, %rem3A_68 : i32
    %mul3A_70 = arith.constant 128 : i32
    %mul3A_71 = arith.muli %rem3A_69, %mul3A_70 : i32
    %add3A_72 = arith.addi %mul3A_4, %div3A_66 : i32
    %dma_wait3A_73 = arith.constant 0 : i32
    %dma_wait3A_74 = tpu.memref_slice %arg5[%mul3A_71, %add3A_72, %dma_wait3A_73] : memref<1024x512x128xf32, #tpu.memory_space<hbm>> -> memref<128x1x128xf32, #tpu.memory_space<hbm>>
    %dma_wait3A_75 = tpu.memref_squeeze %dma_wait3A_74 : memref<128x1x128xf32, #tpu.memory_space<hbm>> -> memref<128x128xf32, #tpu.memory_space<hbm>>
    %dma_wait3A_76 = arith.constant 0 : i32
    %dma_wait3A_77 = tpu.memref_slice %arg5[%mul3A_71, %add3A_72, %dma_wait3A_76] : memref<1024x512x128xf32, #tpu.memory_space<hbm>> -> memref<128x1x128xf32, #tpu.memory_space<hbm>>
    %dma_wait3A_78 = tpu.memref_squeeze %dma_wait3A_77 : memref<128x1x128xf32, #tpu.memory_space<hbm>> -> memref<128x128xf32, #tpu.memory_space<hbm>>
    tpu.wait_dma2 semaphore(%arg19 : memref<!tpu.dma_semaphore, #tpu.memory_space<semaphore_mem>>) src(%arg11 : memref<128x128xf32, #tpu.memory_space<vmem>>) dst(%dma_wait3A_78 : memref<128x128xf32, #tpu.memory_space<hbm>>)
    return
  }
}

</mosaic_0001>

<sc_bundles>
// kernel: kernel.3.cloned.1.call-start
scs
__scs_entry_jumppad:
0x0: {  	(pc) =	sbr.rel $0x88, $3  }
0x1: {  	(tag) =	ssettag $0x0;
	lr =	simm.s32 $0x1  }
0x2: {  	[smem:$0x3F9E] =	sst lr;
	_ =	strace $0xD0000000  }
0x3: {  	_ = 	snop  }
0x4: {  	_ = 	snop  }
0x5: {  	_ = 	snop  }
0x6: {  	_ = 	snop  }
0x7: {  	_ = 	snop  }
__scs_overlays_trampoline_lowered:
0x8: {  	[smem:$0x3FAD] =	sst s0  }
0x9: {  	[smem:$0x3FAE] =	sst s1  }
0xa: {  	[smem:$0x3FAF] =	sst s2  }
0xb: {  	[smem:$0x3FB0] =	sst s3  }
0xc: {  	[smem:$0x3FB1] =	sst s4  }
0xd: {  	[smem:$0x3FB2] =	sst s5  }
0xe: {  	[smem:$0x3FB3] =	sst s6  }
0xf: {  	[smem:$0x3FB4] =	sst s7  }
0x10: {  	[smem:$0x3FB5] =	sst s8  }
0x11: {  	[smem:$0x3FB6] =	sst s9;
	s0 =	simm.s32 @!p0 $0x0  }
0x12: {  	s1 =	sld [smem:$0x3F9C];
	s0 =	simm.s32 @p0 $0x1  }
0x13: {  	[smem:$0x3FB7] =	sst s0;
	s0 =	simm.s32 @!p1 $0x0  }
0x14: {  	s2 =	sld [smem:$0x3F9B];
	s0 =	simm.s32 @p1 $0x1  }
0x15: {  	[smem:$0x3FB8] =	sst s0;
	s0 =	simm.s32 @!p2 $0x0  }
0x16: {  	s3 =	sld [smem:$0x3FDB];
	s0 =	simm.s32 @p2 $0x1  }
0x17: {  	s4 =	simm.s32 $0x1BF5;
	[smem:$0x3FBA] =	sst s0  }
0x18: {  	s0 =	sld [smem:$0x3F9D];
	_ =	swait.ge [sflag:s4], $0x0  }
0x19: {  	s7 =	sld [smem:$0x3F9E]  }
0x1a: {  	s8 =	sadd.s32 $0xFFFFE003, lr  }
0x1b: {  	s9 =	sadd.s32 $0xFFFFFEF7, lr;
	s5 =	simm.s32 $0xFFFFFFFF;
	p2 =	slt.u32 s8, $0xFFFFF086  }
0x1c: {  	p1 =	slt.u32 s9, $0xF7A;
	s5 =	simm.s32 @!p2 $0x0  }
0x1d: {  	s5 =	simm.s32 @p1 $0x1;
	p0 =	seq.s32 s7, s2  }
0x1e: {  	s7 =	smul.u32 @!p0 $0xF7A, s2;
	p2 =	seq.s32 @!p0 s5, $0x0  }
0x1f: {  	s9 =	smul.u32 $0xF7A, s1;
	s8 =	simm.s32 @!p0 $0x1BF5;
	p2 =	por !p2, p0  }
0x20: {  	[sflag:s8] =	ssyncset.s32 @!p0 $0xFFFFF086;
	s6 =	sadd.s32 @!p0 s3, s7;
	s7 =	simm.s32 @!p0 $0x108  }
0x21: {  	s3 =	sadd.s32 s3, s9;
	s6 =	sadd.s32 @!p0 $0x88, s6;
	s7 =	simm.s32 @p2 $0x1082  }
0x22: {  	[simem:s7], [sflag:s8] =	dma.local @!p0 [hbm:s6], $0xF7A  }
0x23: {  	s9 =	sor.u32 $0xD0000000, s2;
	s6 =	simm.s32 $0x108;
	_ =	swait.ge @!p0 [sflag:s8], $0x0  }
0x24: {  	s3 =	sadd.s32 $0x88, s3;
	s6 =	simm.s32 @!p1 $0x1082;
	[sflag:s4] =	ssyncset.s32 $0xFFFFF086  }
0x25: {  	[simem:s6], [sflag:s4] =	dma.local [hbm:s3], $0xF7A  }
0x26: {  	[smem:$0x3F9E] =	sst s1;
	(tag) =	ssettag s2;
	_ =	strace s9  }
0x27: {  	s1 =	sld [smem:$0x3FAE]  }
0x28: {  	s2 =	sld [smem:$0x3FAF]  }
0x29: {  	s4 =	sld [smem:$0x3FB1]  }
0x2a: {  	p0 =	seq.s32 s5, $0x0;
	s5 =	sld [smem:$0x3FB2]  }
0x2b: {  	s6 =	sld [smem:$0x3FB3]  }
0x2c: {  	s7 =	sld [smem:$0x3FB4]  }
0x2d: {  	s3 =	simm.s32 $0x108;
	s8 =	sld [smem:$0x3FB5]  }
0x2e: {  	s3 =	simm.s32 @!p0 $0x1082;
	s9 =	sld [smem:$0x3FB6]  }
0x2f: {  	lr =	sadd.s32 s0, s3;
	s0 =	sld [smem:$0x3FAD]  }
0x30: {  	s3 =	sld [smem:$0x3FB0]  }
0x31: {  	[smem:$0x3FB9] =	sst s10  }
0x32: {  	s10 =	sld [smem:$0x3FB7];
	_ =	sdelay $0x3  }
0x33: {  	p0 =	seq.s32 s10, $0x1;
	s10 =	sld [smem:$0x3FB9];
	_ =	sdelay $0x3  }
0x34: {  	[smem:$0x3FB9] =	sst s10  }
0x35: {  	s10 =	sld [smem:$0x3FB8];
	_ =	sdelay $0x3  }
0x36: {  	p1 =	seq.s32 s10, $0x1;
	s10 =	sld [smem:$0x3FB9];
	_ =	sdelay $0x3  }
0x37: {  	[smem:$0x3FB9] =	sst s10  }
0x38: {  	s10 =	sld [smem:$0x3FBA]  }
0x39: {  	_ = 	snop;
	(pc) =	sbr.ind lr, $3  }
0x3a: {  	_ = 	snop  }
0x3b: {  	_ = 	snop  }
0x3c: {  	p2 =	seq.s32 s10, $0x1;
	s10 =	sld [smem:$0x3FB9]  }
0x3d: {  	_ =	shalt  }
0x3e: {  	_ =	shalt  }
0x3f: {  	_ =	shalt  }
0x40: {  	_ =	shalt  }
0x41: {  	_ =	shalt  }
0x42: {  	_ =	shalt  }
0x43: {  	_ =	shalt  }
0x44: {  	_ =	shalt  }
0x45: {  	_ =	shalt  }
0x46: {  	_ =	shalt  }
0x47: {  	_ =	shalt  }
0x48: {  	_ =	shalt  }
0x49: {  	_ =	shalt  }
0x4a: {  	_ =	shalt  }
0x4b: {  	_ =	shalt  }
0x4c: {  	_ =	shalt  }
0x4d: {  	_ =	shalt  }
0x4e: {  	_ =	shalt  }
0x4f: {  	_ =	shalt  }
0x50: {  	_ =	shalt  }
0x51: {  	_ =	shalt  }
0x52: {  	_ =	shalt  }
0x53: {  	_ =	shalt  }
0x54: {  	_ =	shalt  }
0x55: {  	_ =	shalt  }
0x56: {  	_ =	shalt  }
0x57: {  	_ =	shalt  }
0x58: {  	_ =	shalt  }
0x59: {  	_ =	shalt  }
0x5a: {  	_ =	shalt  }
0x5b: {  	_ =	shalt  }
0x5c: {  	_ =	shalt  }
0x5d: {  	_ =	shalt  }
0x5e: {  	_ =	shalt  }
0x5f: {  	_ =	shalt  }
0x60: {  	_ =	shalt  }
0x61: {  	_ =	shalt  }
0x62: {  	_ =	shalt  }
0x63: {  	_ =	shalt  }
0x64: {  	_ =	shalt  }
0x65: {  	_ =	shalt  }
0x66: {  	_ =	shalt  }
0x67: {  	_ =	shalt  }
0x68: {  	_ =	shalt  }
0x69: {  	_ =	shalt  }
0x6a: {  	_ =	shalt  }
0x6b: {  	_ =	shalt  }
0x6c: {  	_ =	shalt  }
0x6d: {  	_ =	shalt  }
0x6e: {  	_ =	shalt  }
0x6f: {  	_ =	shalt  }
0x70: {  	_ =	shalt  }
0x71: {  	_ =	shalt  }
0x72: {  	_ =	shalt  }
0x73: {  	_ =	shalt  }
0x74: {  	_ =	shalt  }
0x75: {  	_ =	shalt  }
0x76: {  	_ =	shalt  }
0x77: {  	_ =	shalt  }
0x78: {  	_ =	shalt  }
0x79: {  	_ =	shalt  }
0x7a: {  	_ =	shalt  }
0x7b: {  	_ =	shalt  }
0x7c: {  	_ =	shalt  }
0x7d: {  	_ =	shalt  }
0x7e: {  	_ =	shalt  }
0x7f: {  	_ =	shalt  }
0x80: {  	_ =	shalt  }
0x81: {  	_ =	shalt  }
0x82: {  	_ =	shalt  }
0x83: {  	_ =	shalt  }
0x84: {  	_ =	shalt  }
0x85: {  	_ =	shalt  }
0x86: {  	_ =	shalt  }
0x87: {  	_ =	shalt  }
.Lfunc_end0:
.L_simem_size_0:
called_computation_lowered:
.L_overlay_start_0:
0x88: {  	s2 =	sld [smem:$0x3FD9]  }
0x89: {  	s3 =	sld [smem:$0x3FFE];
	_ =	sdelay $0x1  }
0x8a: {  	s1 =	srdreg.scid  }
0x8b: {  	s0 =	sand.u32 $0x1, s1  }
0x8c: {  	s17 =	sshll.u32 s0, $0xA;
	s2 =	sadd.s32 s3, s2  }
0x8d: {  	s2 =	sadd.s32 s2, s17  }
0x8e: {  	[smem:$0x3FC5] =	sst s2  }
0x8f: {  	_ = 	snop  }
0x90: {  	s2 =	sld [smem:$0x3FC8]  }
0x91: {  	s18 =	sld [smem:$0x3FC7]  }
0x92: {  	s4 =	sld [smem:$0x3FD0];
	(tm) =	ssettm $0x1  }
0x93: {  	s5 =	sld [smem:$0x3FFB];
	_ =	sdelay $0x3  }
0x94: {  	_ =	strace s5  }
0x95: {  	s5 =	sld [smem:$0x3FFC];
	_ =	sdelay $0x3  }
0x96: {  	_ =	strace s5  }
0x97: {  	s5 =	sld [smem:$0x3FFD];
	_ =	sdelay $0x3  }
0x98: {  	_ =	strace s5  }
0x99: {  	_ =	strace $0x8FFFFFFF  }
0x9a: {  	s19 =	sld [smem:$0x3FDB];
	_ =	sdelay $0x1  }
0x9b: {  	s6 =	simm.s32 $_scs_section_size  }
0x9c: {  	s7 =	simm.s32 $_size__tile_overlayer_lowered;
	s8 =	simm.s32 $_tile_overlayer_lowered  }
0x9d: {  	s22 =	simm.s32 $0x1BFF;
	s21 =	sshll.u32 s8, $0x1;
	s5 =	sadd.s32 s6, s19  }
0x9e: {  	s9 =	simm.s32 $0x0;
	s20 =	sshll.u32 s7, $0x1;
	s7 =	sadd.s32 s21, s5  }
0x9f: {  	[timem:s9], [sflag:s22] =	dma.local [hbm:s7], s20  }
0xa0: {  	_ =	swait.ge [sflag:s22], s20  }
0xa1: {  	s6 =	ssub.s32 $0x0, s20;
	[sflag:s22] =	ssyncset.done $0x0  }
0xa2: {  	[sflag:s22] =	ssyncadd.s32 s6;
	_ =	sdelay $0x1  }
0xa3: {  	s23 =	simm.s32 $0x1B8B  }
0xa4: {  	_ =	swait.ge [sflag:s23], $0x1  }
0xa5: {  	[sflag:s23] =	ssyncset.done $0x0  }
0xa6: {  	s25 =	simm.s32 $0x1B8E;
	s24 =	sld [smem:$0x3FFE];
	[sflag:s23] =	ssyncadd.s32 $0xFFFFFFFF  }
0xa7: {  	s26 =	simm.s32 $execute0_lowered;
	[smem:$0x3FD2] =	sst s25  }
0xa8: {  	s7 =	sshll.u32 s26, $0x1;
	_ =	strace $0x80000046;
	[dreg:$0x1] =	wrdreg $0xFFFFFFFF  }
0xa9: {  	s28 =	simm.s32 $_size_execute0_lowered;
	s5 =	sadd.s32 s5, s7;
	[dreg:$0x0] =	wrdreg $0x0  }
0xaa: {  	s7 =	sshll.u32 s28, $0x1;
	[dreg:$0x2] =	wrdreg s5  }
0xab: {  	[dreg:$0x3] =	wrdreg s7  }
0xac: {  	[dreg:$0x4] =	wrdreg $0xC0  }
0xad: {  	_ =	task [dreg:s9], $0x5FFFF  }
0xae: {  	[dreg:$0x1] =	wrdreg $0xFFFFFFFF  }
0xaf: {  	[dreg:$0x0] =	wrdreg $0x60  }
0xb0: {  	[dreg:$0x2] =	wrdreg s24  }
0xb1: {  	[dreg:$0x3] =	wrdreg s2  }
0xb2: {  	[dreg:$0x4] =	wrdreg s18  }
0xb3: {  	[dreg:$0x5] =	wrdreg s4  }
0xb4: {  	[dreg:$0x6] =	wrdreg $0x9  }
0xb5: {  	_ =	task.clear_ibuf [dreg:s9], $0x7FFFF;
	_ =	strace $0x90000046  }
0xb6: {  	s29 =	simm.s32 $0x9;
	_ =	strace $0x80000048  }
0xb7: {  	_ =	swait.ge [sflag:s29], $0x1  }
0xb8: {  	[sflag:s29] =	ssyncadd.s32 $0xFFFFFFFF  }
0xb9: {  	_ =	strace $0x90000048  }
0xba: {  	_ =	sfence  }
0xbb: {  	s30 =	sld [smem:$0x0];
	_ =	sdelay $0x2  }
0xbc: {  	s31 =	sshll.u32 s1, $0xD;
	s1 =	sshrl.u32 s1, $0x2  }
0xbd: {  	s3 =	sand.u32 $0x4000, s31;
	s1 =	sadd.s32 s1, s30  }
0xbe: {  	s0 =	sor.u32 s3, s0;
	s1 =	sshll.u32 s1, $0x11  }
0xbf: {  	s0 =	sor.u32 s1, s0  }
0xc0: {  	s0 =	sadd.s32 $0x8F2B, s0  }
0xc1: {  	[sflag:s0] =	ssyncadd.remote.s32 $0x1  }
0xc2: {  	_ =	sfence.sel $0xFFFF  }
0xc3: {  	[dreg:$0x0] =	wrdreg $0xFFFFFFFF;
	(pc) =	sbr.abs _section_cstart, $3  }
0xc4: {  	[dreg:$0x1] =	wrdreg $0xFFFFFFFF  }
0xc5: {  	_ =	task.clear_ibuf [dreg:s9], $0x2FFFF;
	_ =	strace $0x9FFFFFFF  }
0xc6: {  	(tm) =	ssettm $0x7FFFFFFF  }
0xc7: {  	_ =	shalt  }
tec
execute0_lowered:
.L_overlay_start_1:
0x0: {  	(tag) =	ssettag $0x1  }
0x1: {  	s0 =	rddreg [dreg:$0x0]  }
0x2: {  	s1 =	rddreg [dreg:$0x1]  }
0x3: {  	s2 =	rddreg [dreg:$0x2]  }
0x4: {  	s3 =	rddreg [dreg:$0x3];
	s4 =	srdreg.scid  }
0x5: {  	s5 =	stileid.u32;
	s6 =	simm.s32 $0x0;
	s10 =	simm.s32 $0x9  }
0x6: {  	s12 =	simm.s32 $0x80;
	s13 =	simm.s32 $0x4800;
	s14 =	simm.s32 $0x8800  }
0x7: {  	s15 =	simm.s32 $0x1;
	s16 =	simm.s32 $0xC800;
	s17 =	simm.s32 $0x10000  }
0x8: {  	s18 =	simm.s32 $0x2;
	s19 =	simm.s32 $0x10800;
	s20 =	simm.s32 $0x3  }
0x9: {  	s21 =	simm.s32 $0x4;
	s22 =	simm.s32 $0x5;
	s23 =	simm.s32 $0x6  }
0xa: {  	s24 =	simm.s32 $0x7;
	s4 =	sand.u32 $0x1, s4;
	s5 =	sshll.u32 s5, $0x1  }
0xb: {  	[smem:$0x7FF] =	sst s6;
	s5 =	sor.u32 s4, s5;
	s4 =	ssub.s32 $0x2, s4  }
0xc: {  	_ =	strace $0x80000047;
	s29 =	sshll.u32 s5, $0xB;
	s5 =	sshll.u32 s5, $0x8  }
0xd: {  	s7 =	sshrl.u32 s4, $0x1;
	s0 =	sadd.s32 s29, s0;
	s30 =	sadd.s32 s2, s5  }
0xe: {  	s4 =	ssub.s32 s4, s7;
	s0 =	sadd.s32 $0x400, s0;
	[dreg:$0x6] =	wrdreg s30  }
0xf: {  	s25 =	simm.s32 $0x8;
	s31 =	smax.u32 s4, $0x1;
	[dreg:$0x5] =	wrdreg s0  }
0x10: {  	s26 =	simm.s32 $0x0;
	s8 =	sadd.s32 $0x100000, s3;
	[dreg:$0x7] =	wrdreg s31  }
.LBB2_1:
0x11: {  	s0 =	simm.s32 $0x0;
	s2 =	rddreg [dreg:$0x5]  }
0x12: {  	[tilespmem:s0], [sflag:$0x9] =	stream.linear.gather [hbm4b:s2+s0], $0x4000, $0x38;
	[tilespmem:$0x14800] =	vst v63  }
0x13: {  	_ =	swait.ge [sflag:s10], $0x4000  }
0x14: {  	[sflag:s10] =	ssyncset.done $0x0  }
0x15: {  	s4 =	simm.s32 $0x4000;
	s31 =	rddreg [dreg:$0x6];
	[sflag:s10] =	ssyncadd.s32 $0xFFFFC000  }
0x16: {  	[tilespmem:s4], [sflag:$0x9] =	stream.linear.gather [hbm4b:s31+s0], $0x800, $0x38;
	[tilespmem:$0x14800] =	vst v63  }
0x17: {  	_ =	swait.ge [sflag:s10], $0x800  }
0x18: {  	[sflag:s10] =	ssyncset.done $0x0  }
0x19: {  	[sflag:s10] =	ssyncadd.s32 $0xFFFFF800  }
0x1a: {  	[tilespmem:s13], [sflag:$0x1] =	stream.indirect.gather [hbm4b:s1+s12], $0x80, s0, s12, $0xb8;
	[tilespmem:$0x14800] =	vst v63  }
0x1b: {  	s28 =	simm.s32 $0x0  }
0x1c: {  	[tilespmem:s14], [sflag:$0x2] =	stream.indirect.gather [hbm4b:s1+s12], $0x80, s12, s12, $0xb8;
	[tilespmem:$0x14800] =	vst v63  }
.LBB2_2:
0x1d: {  	_ =	swait.ge [sflag:s15], $0x4000  }
0x1e: {  	p0 =	seq.s32 s28, $0x0;
	[sflag:s15] =	ssyncset.done $0x0  }
0x1f: {  	s2 =	sshll.u32 s28, $0x2;
	s4 =	simm.s32 @!p0 $0x7;
	[sflag:s15] =	ssyncadd.s32 $0xFFFFC000  }
0x20: {  	s0 =	sor.u32 $0x2, s2;
	_ =	swait.ge @!p0 [sflag:s4], $0x4000  }
0x21: {  	s31 =	sshll.u32 s28, $0x6;
	s6 =	sshll.u32 s0, $0x7;
	[sflag:s4] =	ssyncset.done @!p0 $0x0  }
0x22: {  	s29 =	sand.u32 $0x3FFFFF80, s31;
	s30 =	sand.u32 $0x3FFFFF80, s6;
	[sflag:s4] =	ssyncadd.s32 @!p0 $0xFFFFC000  }
0x23: {  	[tilespmem:s16], [sflag:$0x3] =	stream.indirect.gather [hbm4b:s1+s12], $0x80, s30, s12, $0xb8;
	[tilespmem:$0x14800] =	vst v63  }
0x24: {  	v2 =	vld [tilespmem:s29+$0x4000]  }
0x25: {  	v4 =	vld [tilespmem:s29+$0x4010]  }
0x26: {  	v6 =	vld [tilespmem:s29+$0x4020]  }
0x27: {  	v7 =	vld [tilespmem:s29+$0x4030]  }
0x28: {  	v5 =	vld [tilespmem:s29+$0x4040]  }
0x29: {  	v3 =	vld [tilespmem:s29+$0x4050]  }
0x2a: {  	v1 =	vld [tilespmem:s29+$0x4060]  }
0x2b: {  	s7 =	simm.s32 $0x4900;
	v0 =	vld [tilespmem:s29+$0x4070]  }
0x2c: {  	v8 =	vld [tilespmem:s7+$0xFFFFFF00]  }
0x2d: {  	v9 =	vld [tilespmem:s7+$0xFFFFFF10]  }
0x2e: {  	v10 =	vld [tilespmem:s7+$0xFFFFFF20]  }
0x2f: {  	v11 =	vld [tilespmem:s7+$0xFFFFFF30]  }
0x30: {  	v12 =	vld [tilespmem:s7+$0xFFFFFF40]  }
0x31: {  	v13 =	vld [tilespmem:s7+$0xFFFFFF50];
	v8 =	vadd.f32 v8, v2  }
0x32: {  	v14 =	vld [tilespmem:s7+$0xFFFFFF60];
	v9 =	vadd.f32 v9, v4  }
0x33: {  	[tilespmem:s7+$0xFFFFFF00] =	vst v8;
	v8 =	vadd.f32 v10, v6;
	v10 =	vld [tilespmem:s7+$0xFFFFFF70]  }
0x34: {  	[tilespmem:s7+$0xFFFFFF10] =	vst v9;
	v9 =	vadd.f32 v11, v7;
	v11 =	vld [tilespmem:s7+$0xFFFFFF80]  }
0x35: {  	[tilespmem:s7+$0xFFFFFF20] =	vst v8;
	v8 =	vadd.f32 v12, v5;
	v12 =	vld [tilespmem:s7+$0xFFFFFF90]  }
0x36: {  	[tilespmem:s7+$0xFFFFFF30] =	vst v9;
	v9 =	vadd.f32 v13, v3;
	v13 =	vld [tilespmem:s7+$0xFFFFFFA0]  }
0x37: {  	[tilespmem:s7+$0xFFFFFF40] =	vst v8;
	v8 =	vadd.f32 v14, v1;
	v14 =	vld [tilespmem:s7+$0xFFFFFFB0]  }
0x38: {  	[tilespmem:s7+$0xFFFFFF50] =	vst v9;
	v9 =	vadd.f32 v10, v0;
	v10 =	vld [tilespmem:s7+$0xFFFFFFC0]  }
0x39: {  	[tilespmem:s7+$0xFFFFFF60] =	vst v8;
	v8 =	vadd.f32 v11, v2;
	v11 =	vld [tilespmem:s7+$0xFFFFFFD0]  }
0x3a: {  	[tilespmem:s7+$0xFFFFFF70] =	vst v9;
	v9 =	vadd.f32 v12, v4;
	v12 =	vld [tilespmem:s7+$0xFFFFFFE0]  }
0x3b: {  	[tilespmem:s7+$0xFFFFFF80] =	vst v8;
	v8 =	vadd.f32 v13, v6;
	v13 =	vld [tilespmem:s7+$0x0]  }
0x3c: {  	[tilespmem:s7+$0xFFFFFF90] =	vst v9;
	v9 =	vadd.f32 v14, v7;
	v14 =	vld [tilespmem:s7+$0x10]  }
0x3d: {  	[tilespmem:s7+$0xFFFFFFA0] =	vst v8;
	v8 =	vadd.f32 v10, v5;
	v10 =	vld [tilespmem:s7+$0x20]  }
0x3e: {  	[tilespmem:s7+$0xFFFFFFB0] =	vst v9;
	v9 =	vadd.f32 v11, v3;
	v11 =	vld [tilespmem:s7+$0x30]  }
0x3f: {  	[tilespmem:s7+$0xFFFFFFC0] =	vst v8;
	v8 =	vadd.f32 v12, v1;
	v12 =	vld [tilespmem:s7+$0x40]  }
0x40: {  	[tilespmem:s7+$0xFFFFFFD0] =	vst v9;
	v9 =	vadd.f32 v13, v2;
	v13 =	vld [tilespmem:s7+$0x50]  }
0x41: {  	[tilespmem:s7+$0xFFFFFFE0] =	vst v8;
	v8 =	vadd.f32 v14, v4;
	v14 =	vld [tilespmem:s7+$0x60]  }
0x42: {  	[tilespmem:s7+$0x0] =	vst v9;
	v9 =	vadd.f32 v10, v6;
	v10 =	vld [tilespmem:s7+$0x70]  }
0x43: {  	[tilespmem:s7+$0x10] =	vst v8;
	v8 =	vadd.f32 v11, v7;
	v11 =	vld [tilespmem:s7+$0x80]  }
0x44: {  	[tilespmem:s7+$0x20] =	vst v9;
	v9 =	vadd.f32 v12, v5;
	v12 =	vld [tilespmem:s7+$0x90]  }
0x45: {  	[tilespmem:s7+$0x30] =	vst v8;
	v8 =	vadd.f32 v13, v3;
	v13 =	vld [tilespmem:s7+$0xA0]  }
0x46: {  	[tilespmem:s7+$0x40] =	vst v9;
	v9 =	vadd.f32 v14, v1;
	v14 =	vld [tilespmem:s7+$0xB0]  }
0x47: {  	[tilespmem:s7+$0x50] =	vst v8;
	v10 =	vadd.f32 v10, v0;
	v8 =	vld [tilespmem:s7+$0xC0]  }
0x48: {  	[tilespmem:s7+$0x60] =	vst v9;
	v15 =	vadd.f32 v11, v2;
	v9 =	vld [tilespmem:s7+$0xD0]  }
0x49: {  	v11 =	vld [tilespmem:s7+$0xE0];
	[tilespmem:s7+$0x70] =	vst v10;
	v16 =	vadd.f32 v12, v4  }
0x4a: {  	v10 =	vld [tilespmem:s7+$0xF0];
	[tilespmem:s7+$0x80] =	vst v15;
	v13 =	vadd.f32 v13, v6  }
0x4b: {  	s11 =	simm.s32 $0x0;
	s9 =	simm.s32 $0x4B00;
	s6 =	sshrl.u32 s28, $0x1;
	v12 =	vld [tilespmem:s7+$0xFFFFFFF0];
	[tilespmem:s7+$0x90] =	vst v16;
	v14 =	vadd.f32 v14, v7  }
.LBB2_3:
0x4c: {  	v15 =	vld [tilespmem:s9+$0xFFFFFF00];
	[tilespmem:s7+$0xA0] =	vst v13;
	v8 =	vadd.f32 v8, v5  }
0x4d: {  	v13 =	vld [tilespmem:s9+$0xFFFFFF10];
	[tilespmem:s7+$0xB0] =	vst v14;
	v9 =	vadd.f32 v9, v3  }
0x4e: {  	v14 =	vld [tilespmem:s9+$0xFFFFFF20];
	[tilespmem:s7+$0xC0] =	vst v8;
	v8 =	vadd.f32 v11, v1  }
0x4f: {  	v11 =	vld [tilespmem:s9+$0xFFFFFF30];
	[tilespmem:s7+$0xD0] =	vst v9;
	v9 =	vadd.f32 v10, v0  }
0x50: {  	v10 =	vld [tilespmem:s9+$0xFFFFFF40];
	v12 =	vadd.f32 v12, v0;
	[tilespmem:s7+$0xE0] =	vst v8  }
0x51: {  	v8 =	vadd.f32 v15, v2;
	v15 =	vld [tilespmem:s9+$0xFFFFFF50];
	[tilespmem:s7+$0xF0] =	vst v9  }
0x52: {  	v9 =	vadd.f32 v13, v4;
	v13 =	vld [tilespmem:s9+$0xFFFFFF60];
	[tilespmem:s7+$0xFFFFFFF0] =	vst v12;
	s7 =	smov.u32 s9  }
0x53: {  	[tilespmem:s9+$0xFFFFFF00] =	vst v8;
	v8 =	vadd.f32 v14, v6;
	v12 =	vld [tilespmem:s9+$0xFFFFFF70]  }
0x54: {  	[tilespmem:s9+$0xFFFFFF10] =	vst v9;
	v9 =	vadd.f32 v11, v7;
	v11 =	vld [tilespmem:s9+$0xFFFFFF80]  }
0x55: {  	[tilespmem:s9+$0xFFFFFF20] =	vst v8;
	v8 =	vadd.f32 v10, v5;
	v10 =	vld [tilespmem:s9+$0xFFFFFF90]  }
0x56: {  	[tilespmem:s9+$0xFFFFFF30] =	vst v9;
	v9 =	vadd.f32 v15, v3;
	v14 =	vld [tilespmem:s9+$0xFFFFFFA0]  }
0x57: {  	[tilespmem:s9+$0xFFFFFF40] =	vst v8;
	v8 =	vadd.f32 v13, v1;
	v13 =	vld [tilespmem:s9+$0xFFFFFFB0]  }
0x58: {  	[tilespmem:s9+$0xFFFFFF50] =	vst v9;
	v9 =	vadd.f32 v12, v0;
	v12 =	vld [tilespmem:s9+$0xFFFFFFC0]  }
0x59: {  	[tilespmem:s9+$0xFFFFFF60] =	vst v8;
	v8 =	vadd.f32 v11, v2;
	v11 =	vld [tilespmem:s9+$0xFFFFFFD0]  }
0x5a: {  	[tilespmem:s9+$0xFFFFFF70] =	vst v9;
	v9 =	vadd.f32 v10, v4;
	v10 =	vld [tilespmem:s9+$0xFFFFFFE0]  }
0x5b: {  	[tilespmem:s9+$0xFFFFFF80] =	vst v8;
	v8 =	vadd.f32 v14, v6;
	v14 =	vld [tilespmem:s9+$0x0]  }
0x5c: {  	[tilespmem:s9+$0xFFFFFF90] =	vst v9;
	v9 =	vadd.f32 v13, v7;
	v13 =	vld [tilespmem:s9+$0x10]  }
0x5d: {  	[tilespmem:s9+$0xFFFFFFA0] =	vst v8;
	v8 =	vadd.f32 v12, v5;
	v12 =	vld [tilespmem:s9+$0x20]  }
0x5e: {  	[tilespmem:s9+$0xFFFFFFB0] =	vst v9;
	v9 =	vadd.f32 v11, v3;
	v11 =	vld [tilespmem:s9+$0x30]  }
0x5f: {  	[tilespmem:s9+$0xFFFFFFC0] =	vst v8;
	v8 =	vadd.f32 v10, v1;
	v10 =	vld [tilespmem:s9+$0x40]  }
0x60: {  	[tilespmem:s9+$0xFFFFFFD0] =	vst v9;
	v9 =	vadd.f32 v14, v2;
	v14 =	vld [tilespmem:s9+$0x50]  }
0x61: {  	[tilespmem:s9+$0xFFFFFFE0] =	vst v8;
	v8 =	vadd.f32 v13, v4;
	v13 =	vld [tilespmem:s9+$0x60]  }
0x62: {  	[tilespmem:s9+$0x0] =	vst v9;
	v9 =	vadd.f32 v12, v6;
	v12 =	vld [tilespmem:s9+$0x70]  }
0x63: {  	[tilespmem:s9+$0x10] =	vst v8;
	v8 =	vadd.f32 v11, v7;
	v11 =	vld [tilespmem:s9+$0x80]  }
0x64: {  	[tilespmem:s9+$0x20] =	vst v9;
	v9 =	vadd.f32 v10, v5;
	v10 =	vld [tilespmem:s9+$0x90]  }
0x65: {  	s11 =	sadd.s32 $0x4, s11;
	[tilespmem:s9+$0x30] =	vst v8;
	v8 =	vadd.f32 v14, v3;
	v14 =	vld [tilespmem:s9+$0xA0]  }
0x66: {  	p1 =	slt.u32 s11, $0x7C;
	[tilespmem:s9+$0x40] =	vst v9;
	v9 =	vadd.f32 v13, v1;
	v15 =	vld [tilespmem:s9+$0xB0]  }
.Ltmp0:
0x67: {  	[tilespmem:s9+$0x50] =	vst v8;
	v12 =	vadd.f32 v12, v0;
	v8 =	vld [tilespmem:s9+$0xC0];
	(pc) =	sbr.rel @p1 .LBB2_3-.Ltmp0, $4  }
0x68: {  	[tilespmem:s9+$0x60] =	vst v9;
	v13 =	vadd.f32 v11, v2;
	v9 =	vld [tilespmem:s9+$0xD0]  }
0x69: {  	[tilespmem:s9+$0x70] =	vst v12;
	v16 =	vadd.f32 v10, v4;
	v11 =	vld [tilespmem:s9+$0xE0]  }
0x6a: {  	[tilespmem:s9+$0x80] =	vst v13;
	v13 =	vadd.f32 v14, v6;
	v10 =	vld [tilespmem:s9+$0xF0]  }
0x6b: {  	s9 =	sadd.s32 $0x200, s9;
	v12 =	vld [tilespmem:s7+$0xFFFFFFF0];
	[tilespmem:s7+$0x90] =	vst v16;
	v14 =	vadd.f32 v15, v7  }
0x6c: {  	[tilespmem:s7+$0xA0] =	vst v13;
	v2 =	vadd.f32 v8, v5  }
0x6d: {  	[tilespmem:s7+$0xB0] =	vst v14;
	v3 =	vadd.f32 v9, v3  }
0x6e: {  	s4 =	sshll.u32 s6, $0x4;
	[tilespmem:s7+$0xC0] =	vst v2;
	v1 =	vadd.f32 v11, v1  }
0x6f: {  	s11 =	sshll.u32 s28, $0x16;
	s9 =	sand.u32 $0x80, s4;
	[tilespmem:s7+$0xD0] =	vst v3;
	v2 =	vadd.f32 v10, v0  }
0x70: {  	s11 =	sand.u32 $0x400000, s11;
	s6 =	sand.u32 $0x70, s4;
	s30 =	sor.u32 s5, s9;
	v0 =	vadd.f32 v12, v0;
	[tilespmem:s7+$0xE0] =	vst v1  }
0x71: {  	s31 =	sadd.s32 s3, s6;
	s9 =	sor.u32 s30, s11;
	[tilespmem:s7+$0xF0] =	vst v2  }
0x72: {  	s4 =	sadd.s32 s9, s31;
	[tilespmem:s7+$0xFFFFFFF0] =	vst v0  }
0x73: {  	[hbm4b:s4+s12] =	stream.strided.scatter [tilespmem:s13], [sflag:$0x5], $0x4000, s17, s12, $0x38;
	[tilespmem:$0x14800] =	vst v63  }
0x74: {  	_ =	swait.ge [sflag:s18], $0x4000  }
0x75: {  	[sflag:s18] =	ssyncset.done $0x0  }
0x76: {  	s4 =	simm.s32 @!p0 $0x8;
	[sflag:s18] =	ssyncadd.s32 $0xFFFFC000  }
0x77: {  	s2 =	sor.u32 $0x3, s2;
	_ =	swait.ge @!p0 [sflag:s4], $0x4000  }
0x78: {  	s9 =	sshll.u32 s2, $0x7;
	[sflag:s4] =	ssyncset.done @!p0 $0x0  }
0x79: {  	s9 =	sand.u32 $0x3FFFFF80, s9;
	[sflag:s4] =	ssyncadd.s32 @!p0 $0xFFFFC000  }
0x7a: {  	[tilespmem:s19], [sflag:$0x4] =	stream.indirect.gather [hbm4b:s1+s12], $0x80, s9, s12, $0xb8;
	[tilespmem:$0x14800] =	vst v63  }
0x7b: {  	v2 =	vld [tilespmem:s29+$0x4000]  }
0x7c: {  	v4 =	vld [tilespmem:s29+$0x4010]  }
0x7d: {  	v6 =	vld [tilespmem:s29+$0x4020]  }
0x7e: {  	v7 =	vld [tilespmem:s29+$0x4030]  }
0x7f: {  	v5 =	vld [tilespmem:s29+$0x4040]  }
0x80: {  	v3 =	vld [tilespmem:s29+$0x4050]  }
0x81: {  	v1 =	vld [tilespmem:s29+$0x4060]  }
0x82: {  	s7 =	simm.s32 $0x8900;
	v0 =	vld [tilespmem:s29+$0x4070]  }
0x83: {  	v8 =	vld [tilespmem:s7+$0xFFFFFF00]  }
0x84: {  	v9 =	vld [tilespmem:s7+$0xFFFFFF10]  }
0x85: {  	v10 =	vld [tilespmem:s7+$0xFFFFFF20]  }
0x86: {  	v11 =	vld [tilespmem:s7+$0xFFFFFF30]  }
0x87: {  	v12 =	vld [tilespmem:s7+$0xFFFFFF40]  }
0x88: {  	v13 =	vld [tilespmem:s7+$0xFFFFFF50];
	v8 =	vadd.f32 v8, v2  }
0x89: {  	v14 =	vld [tilespmem:s7+$0xFFFFFF60];
	v9 =	vadd.f32 v9, v4  }
0x8a: {  	[tilespmem:s7+$0xFFFFFF00] =	vst v8;
	v8 =	vadd.f32 v10, v6;
	v10 =	vld [tilespmem:s7+$0xFFFFFF70]  }
0x8b: {  	[tilespmem:s7+$0xFFFFFF10] =	vst v9;
	v9 =	vadd.f32 v11, v7;
	v11 =	vld [tilespmem:s7+$0xFFFFFF80]  }
0x8c: {  	[tilespmem:s7+$0xFFFFFF20] =	vst v8;
	v8 =	vadd.f32 v12, v5;
	v12 =	vld [tilespmem:s7+$0xFFFFFF90]  }
0x8d: {  	[tilespmem:s7+$0xFFFFFF30] =	vst v9;
	v9 =	vadd.f32 v13, v3;
	v13 =	vld [tilespmem:s7+$0xFFFFFFA0]  }
0x8e: {  	[tilespmem:s7+$0xFFFFFF40] =	vst v8;
	v8 =	vadd.f32 v14, v1;
	v14 =	vld [tilespmem:s7+$0xFFFFFFB0]  }
0x8f: {  	[tilespmem:s7+$0xFFFFFF50] =	vst v9;
	v9 =	vadd.f32 v10, v0;
	v10 =	vld [tilespmem:s7+$0xFFFFFFC0]  }
0x90: {  	[tilespmem:s7+$0xFFFFFF60] =	vst v8;
	v8 =	vadd.f32 v11, v2;
	v11 =	vld [tilespmem:s7+$0xFFFFFFD0]  }
0x91: {  	[tilespmem:s7+$0xFFFFFF70] =	vst v9;
	v9 =	vadd.f32 v12, v4;
	v12 =	vld [tilespmem:s7+$0xFFFFFFE0]  }
0x92: {  	[tilespmem:s7+$0xFFFFFF80] =	vst v8;
	v8 =	vadd.f32 v13, v6;
	v13 =	vld [tilespmem:s7+$0x0]  }
0x93: {  	[tilespmem:s7+$0xFFFFFF90] =	vst v9;
	v9 =	vadd.f32 v14, v7;
	v14 =	vld [tilespmem:s7+$0x10]  }
0x94: {  	[tilespmem:s7+$0xFFFFFFA0] =	vst v8;
	v8 =	vadd.f32 v10, v5;
	v10 =	vld [tilespmem:s7+$0x20]  }
0x95: {  	[tilespmem:s7+$0xFFFFFFB0] =	vst v9;
	v9 =	vadd.f32 v11, v3;
	v11 =	vld [tilespmem:s7+$0x30]  }
0x96: {  	[tilespmem:s7+$0xFFFFFFC0] =	vst v8;
	v8 =	vadd.f32 v12, v1;
	v12 =	vld [tilespmem:s7+$0x40]  }
0x97: {  	[tilespmem:s7+$0xFFFFFFD0] =	vst v9;
	v9 =	vadd.f32 v13, v2;
	v13 =	vld [tilespmem:s7+$0x50]  }
0x98: {  	[tilespmem:s7+$0xFFFFFFE0] =	vst v8;
	v8 =	vadd.f32 v14, v4;
	v14 =	vld [tilespmem:s7+$0x60]  }
0x99: {  	[tilespmem:s7+$0x0] =	vst v9;
	v9 =	vadd.f32 v10, v6;
	v10 =	vld [tilespmem:s7+$0x70]  }
0x9a: {  	[tilespmem:s7+$0x10] =	vst v8;
	v8 =	vadd.f32 v11, v7;
	v11 =	vld [tilespmem:s7+$0x80]  }
0x9b: {  	[tilespmem:s7+$0x20] =	vst v9;
	v9 =	vadd.f32 v12, v5;
	v12 =	vld [tilespmem:s7+$0x90]  }
0x9c: {  	[tilespmem:s7+$0x30] =	vst v8;
	v8 =	vadd.f32 v13, v3;
	v13 =	vld [tilespmem:s7+$0xA0]  }
0x9d: {  	[tilespmem:s7+$0x40] =	vst v9;
	v9 =	vadd.f32 v14, v1;
	v14 =	vld [tilespmem:s7+$0xB0]  }
0x9e: {  	[tilespmem:s7+$0x50] =	vst v8;
	v10 =	vadd.f32 v10, v0;
	v8 =	vld [tilespmem:s7+$0xC0]  }
0x9f: {  	[tilespmem:s7+$0x60] =	vst v9;
	v11 =	vadd.f32 v11, v2;
	v9 =	vld [tilespmem:s7+$0xD0]  }
0xa0: {  	[tilespmem:s7+$0x70] =	vst v10;
	v15 =	vadd.f32 v12, v4;
	v10 =	vld [tilespmem:s7+$0xE0]  }
0xa1: {  	[tilespmem:s7+$0x80] =	vst v11;
	v11 =	vld [tilespmem:s7+$0xF0];
	v13 =	vadd.f32 v13, v6  }
0xa2: {  	s4 =	simm.s32 $0x8B00;
	s9 =	simm.s32 $0x0;
	v12 =	vld [tilespmem:s7+$0xFFFFFFF0];
	[tilespmem:s7+$0x90] =	vst v15;
	v14 =	vadd.f32 v14, v7  }
.LBB2_5:
0xa3: {  	v15 =	vld [tilespmem:s4+$0xFFFFFF00];
	[tilespmem:s7+$0xA0] =	vst v13;
	v8 =	vadd.f32 v8, v5  }
0xa4: {  	v13 =	vld [tilespmem:s4+$0xFFFFFF10];
	[tilespmem:s7+$0xB0] =	vst v14;
	v9 =	vadd.f32 v9, v3  }
0xa5: {  	v14 =	vld [tilespmem:s4+$0xFFFFFF20];
	[tilespmem:s7+$0xC0] =	vst v8;
	v8 =	vadd.f32 v10, v1  }
0xa6: {  	v10 =	vld [tilespmem:s4+$0xFFFFFF30];
	[tilespmem:s7+$0xD0] =	vst v9;
	v9 =	vadd.f32 v11, v0  }
0xa7: {  	v11 =	vld [tilespmem:s4+$0xFFFFFF40];
	v12 =	vadd.f32 v12, v0;
	[tilespmem:s7+$0xE0] =	vst v8  }
0xa8: {  	v8 =	vadd.f32 v15, v2;
	v15 =	vld [tilespmem:s4+$0xFFFFFF50];
	[tilespmem:s7+$0xF0] =	vst v9  }
0xa9: {  	v9 =	vadd.f32 v13, v4;
	v13 =	vld [tilespmem:s4+$0xFFFFFF60];
	[tilespmem:s7+$0xFFFFFFF0] =	vst v12;
	s7 =	smov.u32 s4  }
0xaa: {  	[tilespmem:s4+$0xFFFFFF00] =	vst v8;
	v8 =	vadd.f32 v14, v6;
	v12 =	vld [tilespmem:s4+$0xFFFFFF70]  }
0xab: {  	[tilespmem:s4+$0xFFFFFF10] =	vst v9;
	v9 =	vadd.f32 v10, v7;
	v10 =	vld [tilespmem:s4+$0xFFFFFF80]  }
0xac: {  	[tilespmem:s4+$0xFFFFFF20] =	vst v8;
	v8 =	vadd.f32 v11, v5;
	v11 =	vld [tilespmem:s4+$0xFFFFFF90]  }
0xad: {  	[tilespmem:s4+$0xFFFFFF30] =	vst v9;
	v9 =	vadd.f32 v15, v3;
	v14 =	vld [tilespmem:s4+$0xFFFFFFA0]  }
0xae: {  	[tilespmem:s4+$0xFFFFFF40] =	vst v8;
	v8 =	vadd.f32 v13, v1;
	v13 =	vld [tilespmem:s4+$0xFFFFFFB0]  }
0xaf: {  	[tilespmem:s4+$0xFFFFFF50] =	vst v9;
	v9 =	vadd.f32 v12, v0;
	v12 =	vld [tilespmem:s4+$0xFFFFFFC0]  }
0xb0: {  	[tilespmem:s4+$0xFFFFFF60] =	vst v8;
	v8 =	vadd.f32 v10, v2;
	v10 =	vld [tilespmem:s4+$0xFFFFFFD0]  }
0xb1: {  	[tilespmem:s4+$0xFFFFFF70] =	vst v9;
	v9 =	vadd.f32 v11, v4;
	v11 =	vld [tilespmem:s4+$0xFFFFFFE0]  }
0xb2: {  	[tilespmem:s4+$0xFFFFFF80] =	vst v8;
	v8 =	vadd.f32 v14, v6;
	v14 =	vld [tilespmem:s4+$0x0]  }
0xb3: {  	[tilespmem:s4+$0xFFFFFF90] =	vst v9;
	v9 =	vadd.f32 v13, v7;
	v13 =	vld [tilespmem:s4+$0x10]  }
0xb4: {  	[tilespmem:s4+$0xFFFFFFA0] =	vst v8;
	v8 =	vadd.f32 v12, v5;
	v12 =	vld [tilespmem:s4+$0x20]  }
0xb5: {  	[tilespmem:s4+$0xFFFFFFB0] =	vst v9;
	v9 =	vadd.f32 v10, v3;
	v10 =	vld [tilespmem:s4+$0x30]  }
0xb6: {  	[tilespmem:s4+$0xFFFFFFC0] =	vst v8;
	v8 =	vadd.f32 v11, v1;
	v11 =	vld [tilespmem:s4+$0x40]  }
0xb7: {  	[tilespmem:s4+$0xFFFFFFD0] =	vst v9;
	v9 =	vadd.f32 v14, v2;
	v14 =	vld [tilespmem:s4+$0x50]  }
0xb8: {  	[tilespmem:s4+$0xFFFFFFE0] =	vst v8;
	v8 =	vadd.f32 v13, v4;
	v13 =	vld [tilespmem:s4+$0x60]  }
0xb9: {  	[tilespmem:s4+$0x0] =	vst v9;
	v9 =	vadd.f32 v12, v6;
	v12 =	vld [tilespmem:s4+$0x70]  }
0xba: {  	[tilespmem:s4+$0x10] =	vst v8;
	v8 =	vadd.f32 v10, v7;
	v10 =	vld [tilespmem:s4+$0x80]  }
0xbb: {  	[tilespmem:s4+$0x20] =	vst v9;
	v9 =	vadd.f32 v11, v5;
	v11 =	vld [tilespmem:s4+$0x90]  }
0xbc: {  	s9 =	sadd.s32 $0x4, s9;
	[tilespmem:s4+$0x30] =	vst v8;
	v8 =	vadd.f32 v14, v3;
	v14 =	vld [tilespmem:s4+$0xA0]  }
0xbd: {  	p0 =	slt.u32 s9, $0x7C;
	[tilespmem:s4+$0x40] =	vst v9;
	v9 =	vadd.f32 v13, v1;
	v15 =	vld [tilespmem:s4+$0xB0]  }
.Ltmp1:
0xbe: {  	[tilespmem:s4+$0x50] =	vst v8;
	v12 =	vadd.f32 v12, v0;
	v8 =	vld [tilespmem:s4+$0xC0];
	(pc) =	sbr.rel @p0 .LBB2_5-.Ltmp1, $4  }
0xbf: {  	[tilespmem:s4+$0x60] =	vst v9;
	v13 =	vadd.f32 v10, v2;
	v9 =	vld [tilespmem:s4+$0xD0]  }
0xc0: {  	[tilespmem:s4+$0x70] =	vst v12;
	v16 =	vadd.f32 v11, v4;
	v10 =	vld [tilespmem:s4+$0xE0]  }
0xc1: {  	[tilespmem:s4+$0x80] =	vst v13;
	v13 =	vadd.f32 v14, v6;
	v11 =	vld [tilespmem:s4+$0xF0]  }
0xc2: {  	s4 =	sadd.s32 $0x200, s4;
	v12 =	vld [tilespmem:s7+$0xFFFFFFF0];
	[tilespmem:s7+$0x90] =	vst v16;
	v14 =	vadd.f32 v15, v7  }
0xc3: {  	[tilespmem:s7+$0xA0] =	vst v13;
	v2 =	vadd.f32 v8, v5  }
0xc4: {  	[tilespmem:s7+$0xB0] =	vst v14;
	v3 =	vadd.f32 v9, v3  }
0xc5: {  	[tilespmem:s7+$0xC0] =	vst v2;
	v1 =	vadd.f32 v10, v1  }
0xc6: {  	[tilespmem:s7+$0xD0] =	vst v3;
	v2 =	vadd.f32 v11, v0  }
0xc7: {  	s4 =	sadd.s32 s11, s8;
	v0 =	vadd.f32 v12, v0;
	[tilespmem:s7+$0xE0] =	vst v1  }
0xc8: {  	s4 =	sadd.s32 s6, s4;
	[tilespmem:s7+$0xF0] =	vst v2  }
0xc9: {  	s4 =	sadd.s32 s30, s4;
	[tilespmem:s7+$0xFFFFFFF0] =	vst v0  }
0xca: {  	[hbm4b:s4+s12] =	stream.strided.scatter [tilespmem:s14], [sflag:$0x6], $0x4000, s17, s12, $0x38;
	[tilespmem:$0x14800] =	vst v63  }
0xcb: {  	_ =	swait.ge [sflag:s20], $0x4000  }
0xcc: {  	p0 =	seq.s32 s28, $0x1F;
	[sflag:s20] =	ssyncset.done $0x0  }
0xcd: {  	s4 =	simm.s32 @!p0 $0x5;
	[sflag:s20] =	ssyncadd.s32 $0xFFFFC000  }
0xce: {  	s6 =	sshll.u32 @!p0 s28, $0x9;
	_ =	swait.ge @!p0 [sflag:s4], $0x4000  }
0xcf: {  	s9 =	simm.s32 @!p0 $0x4800;
	s6 =	sand.u32 @!p0 $0x3FFFFE00, s6;
	[sflag:s4] =	ssyncset.done @!p0 $0x0  }
0xd0: {  	s7 =	simm.s32 @!p0 $0x80;
	[sflag:s4] =	ssyncadd.s32 @!p0 $0xFFFFC000;
	s4 =	sadd.s32 @!p0 $0x200, s6  }
0xd1: {  	[tilespmem:s9], [sflag:$0x1] =	stream.indirect.gather @!p0 [hbm4b:s1+s7], $0x80, s4, s7, $0xb8;
	[tilespmem:$0x14800] =	vst v63  }
0xd2: {  	v2 =	vld [tilespmem:s29+$0x4000]  }
0xd3: {  	v4 =	vld [tilespmem:s29+$0x4010]  }
0xd4: {  	v6 =	vld [tilespmem:s29+$0x4020]  }
0xd5: {  	v7 =	vld [tilespmem:s29+$0x4030]  }
0xd6: {  	v5 =	vld [tilespmem:s29+$0x4040]  }
0xd7: {  	v3 =	vld [tilespmem:s29+$0x4050]  }
0xd8: {  	v1 =	vld [tilespmem:s29+$0x4060]  }
0xd9: {  	s7 =	simm.s32 $0xC900;
	v0 =	vld [tilespmem:s29+$0x4070]  }
0xda: {  	v8 =	vld [tilespmem:s7+$0xFFFFFF00]  }
0xdb: {  	v9 =	vld [tilespmem:s7+$0xFFFFFF10]  }
0xdc: {  	v10 =	vld [tilespmem:s7+$0xFFFFFF20]  }
0xdd: {  	v11 =	vld [tilespmem:s7+$0xFFFFFF30]  }
0xde: {  	v12 =	vld [tilespmem:s7+$0xFFFFFF40]  }
0xdf: {  	v13 =	vld [tilespmem:s7+$0xFFFFFF50];
	v8 =	vadd.f32 v8, v2  }
0xe0: {  	v14 =	vld [tilespmem:s7+$0xFFFFFF60];
	v9 =	vadd.f32 v9, v4  }
0xe1: {  	[tilespmem:s7+$0xFFFFFF00] =	vst v8;
	v8 =	vadd.f32 v10, v6;
	v10 =	vld [tilespmem:s7+$0xFFFFFF70]  }
0xe2: {  	[tilespmem:s7+$0xFFFFFF10] =	vst v9;
	v9 =	vadd.f32 v11, v7;
	v11 =	vld [tilespmem:s7+$0xFFFFFF80]  }
0xe3: {  	[tilespmem:s7+$0xFFFFFF20] =	vst v8;
	v8 =	vadd.f32 v12, v5;
	v12 =	vld [tilespmem:s7+$0xFFFFFF90]  }
0xe4: {  	[tilespmem:s7+$0xFFFFFF30] =	vst v9;
	v9 =	vadd.f32 v13, v3;
	v13 =	vld [tilespmem:s7+$0xFFFFFFA0]  }
0xe5: {  	[tilespmem:s7+$0xFFFFFF40] =	vst v8;
	v8 =	vadd.f32 v14, v1;
	v14 =	vld [tilespmem:s7+$0xFFFFFFB0]  }
0xe6: {  	[tilespmem:s7+$0xFFFFFF50] =	vst v9;
	v9 =	vadd.f32 v10, v0;
	v10 =	vld [tilespmem:s7+$0xFFFFFFC0]  }
0xe7: {  	[tilespmem:s7+$0xFFFFFF60] =	vst v8;
	v8 =	vadd.f32 v11, v2;
	v11 =	vld [tilespmem:s7+$0xFFFFFFD0]  }
0xe8: {  	[tilespmem:s7+$0xFFFFFF70] =	vst v9;
	v9 =	vadd.f32 v12, v4;
	v12 =	vld [tilespmem:s7+$0xFFFFFFE0]  }
0xe9: {  	[tilespmem:s7+$0xFFFFFF80] =	vst v8;
	v8 =	vadd.f32 v13, v6;
	v13 =	vld [tilespmem:s7+$0x0]  }
0xea: {  	[tilespmem:s7+$0xFFFFFF90] =	vst v9;
	v9 =	vadd.f32 v14, v7;
	v14 =	vld [tilespmem:s7+$0x10]  }
0xeb: {  	[tilespmem:s7+$0xFFFFFFA0] =	vst v8;
	v8 =	vadd.f32 v10, v5;
	v10 =	vld [tilespmem:s7+$0x20]  }
0xec: {  	[tilespmem:s7+$0xFFFFFFB0] =	vst v9;
	v9 =	vadd.f32 v11, v3;
	v11 =	vld [tilespmem:s7+$0x30]  }
0xed: {  	[tilespmem:s7+$0xFFFFFFC0] =	vst v8;
	v8 =	vadd.f32 v12, v1;
	v12 =	vld [tilespmem:s7+$0x40]  }
0xee: {  	[tilespmem:s7+$0xFFFFFFD0] =	vst v9;
	v9 =	vadd.f32 v13, v2;
	v13 =	vld [tilespmem:s7+$0x50]  }
0xef: {  	[tilespmem:s7+$0xFFFFFFE0] =	vst v8;
	v8 =	vadd.f32 v14, v4;
	v14 =	vld [tilespmem:s7+$0x60]  }
0xf0: {  	[tilespmem:s7+$0x0] =	vst v9;
	v9 =	vadd.f32 v10, v6;
	v10 =	vld [tilespmem:s7+$0x70]  }
0xf1: {  	[tilespmem:s7+$0x10] =	vst v8;
	v8 =	vadd.f32 v11, v7;
	v11 =	vld [tilespmem:s7+$0x80]  }
0xf2: {  	[tilespmem:s7+$0x20] =	vst v9;
	v9 =	vadd.f32 v12, v5;
	v12 =	vld [tilespmem:s7+$0x90]  }
0xf3: {  	[tilespmem:s7+$0x30] =	vst v8;
	v8 =	vadd.f32 v13, v3;
	v13 =	vld [tilespmem:s7+$0xA0]  }
0xf4: {  	[tilespmem:s7+$0x40] =	vst v9;
	v9 =	vadd.f32 v14, v1;
	v14 =	vld [tilespmem:s7+$0xB0]  }
0xf5: {  	[tilespmem:s7+$0x50] =	vst v8;
	v10 =	vadd.f32 v10, v0;
	v8 =	vld [tilespmem:s7+$0xC0]  }
0xf6: {  	[tilespmem:s7+$0x60] =	vst v9;
	v11 =	vadd.f32 v11, v2;
	v9 =	vld [tilespmem:s7+$0xD0]  }
0xf7: {  	[tilespmem:s7+$0x70] =	vst v10;
	v15 =	vadd.f32 v12, v4;
	v10 =	vld [tilespmem:s7+$0xE0]  }
0xf8: {  	[tilespmem:s7+$0x80] =	vst v11;
	v11 =	vld [tilespmem:s7+$0xF0];
	v13 =	vadd.f32 v13, v6  }
0xf9: {  	s9 =	simm.s32 $0x0;
	s4 =	simm.s32 $0xCB00;
	v12 =	vld [tilespmem:s7+$0xFFFFFFF0];
	[tilespmem:s7+$0x90] =	vst v15;
	v14 =	vadd.f32 v14, v7  }
.LBB2_7:
0xfa: {  	v15 =	vld [tilespmem:s4+$0xFFFFFF00];
	[tilespmem:s7+$0xA0] =	vst v13;
	v8 =	vadd.f32 v8, v5  }
0xfb: {  	v13 =	vld [tilespmem:s4+$0xFFFFFF10];
	[tilespmem:s7+$0xB0] =	vst v14;
	v9 =	vadd.f32 v9, v3  }
0xfc: {  	v14 =	vld [tilespmem:s4+$0xFFFFFF20];
	[tilespmem:s7+$0xC0] =	vst v8;
	v8 =	vadd.f32 v10, v1  }
0xfd: {  	v10 =	vld [tilespmem:s4+$0xFFFFFF30];
	[tilespmem:s7+$0xD0] =	vst v9;
	v9 =	vadd.f32 v11, v0  }
0xfe: {  	v11 =	vld [tilespmem:s4+$0xFFFFFF40];
	v12 =	vadd.f32 v12, v0;
	[tilespmem:s7+$0xE0] =	vst v8  }
0xff: {  	v8 =	vadd.f32 v15, v2;
	v15 =	vld [tilespmem:s4+$0xFFFFFF50];
	[tilespmem:s7+$0xF0] =	vst v9  }
0x100: {  	v9 =	vadd.f32 v13, v4;
	v13 =	vld [tilespmem:s4+$0xFFFFFF60];
	[tilespmem:s7+$0xFFFFFFF0] =	vst v12;
	s7 =	smov.u32 s4  }
0x101: {  	[tilespmem:s4+$0xFFFFFF00] =	vst v8;
	v8 =	vadd.f32 v14, v6;
	v12 =	vld [tilespmem:s4+$0xFFFFFF70]  }
0x102: {  	[tilespmem:s4+$0xFFFFFF10] =	vst v9;
	v9 =	vadd.f32 v10, v7;
	v10 =	vld [tilespmem:s4+$0xFFFFFF80]  }
0x103: {  	[tilespmem:s4+$0xFFFFFF20] =	vst v8;
	v8 =	vadd.f32 v11, v5;
	v11 =	vld [tilespmem:s4+$0xFFFFFF90]  }
0x104: {  	[tilespmem:s4+$0xFFFFFF30] =	vst v9;
	v9 =	vadd.f32 v15, v3;
	v14 =	vld [tilespmem:s4+$0xFFFFFFA0]  }
0x105: {  	[tilespmem:s4+$0xFFFFFF40] =	vst v8;
	v8 =	vadd.f32 v13, v1;
	v13 =	vld [tilespmem:s4+$0xFFFFFFB0]  }
0x106: {  	[tilespmem:s4+$0xFFFFFF50] =	vst v9;
	v9 =	vadd.f32 v12, v0;
	v12 =	vld [tilespmem:s4+$0xFFFFFFC0]  }
0x107: {  	[tilespmem:s4+$0xFFFFFF60] =	vst v8;
	v8 =	vadd.f32 v10, v2;
	v10 =	vld [tilespmem:s4+$0xFFFFFFD0]  }
0x108: {  	[tilespmem:s4+$0xFFFFFF70] =	vst v9;
	v9 =	vadd.f32 v11, v4;
	v11 =	vld [tilespmem:s4+$0xFFFFFFE0]  }
0x109: {  	[tilespmem:s4+$0xFFFFFF80] =	vst v8;
	v8 =	vadd.f32 v14, v6;
	v14 =	vld [tilespmem:s4+$0x0]  }
0x10a: {  	[tilespmem:s4+$0xFFFFFF90] =	vst v9;
	v9 =	vadd.f32 v13, v7;
	v13 =	vld [tilespmem:s4+$0x10]  }
0x10b: {  	[tilespmem:s4+$0xFFFFFFA0] =	vst v8;
	v8 =	vadd.f32 v12, v5;
	v12 =	vld [tilespmem:s4+$0x20]  }
0x10c: {  	[tilespmem:s4+$0xFFFFFFB0] =	vst v9;
	v9 =	vadd.f32 v10, v3;
	v10 =	vld [tilespmem:s4+$0x30]  }
0x10d: {  	[tilespmem:s4+$0xFFFFFFC0] =	vst v8;
	v8 =	vadd.f32 v11, v1;
	v11 =	vld [tilespmem:s4+$0x40]  }
0x10e: {  	[tilespmem:s4+$0xFFFFFFD0] =	vst v9;
	v9 =	vadd.f32 v14, v2;
	v14 =	vld [tilespmem:s4+$0x50]  }
0x10f: {  	[tilespmem:s4+$0xFFFFFFE0] =	vst v8;
	v8 =	vadd.f32 v13, v4;
	v13 =	vld [tilespmem:s4+$0x60]  }
0x110: {  	[tilespmem:s4+$0x0] =	vst v9;
	v9 =	vadd.f32 v12, v6;
	v12 =	vld [tilespmem:s4+$0x70]  }
0x111: {  	[tilespmem:s4+$0x10] =	vst v8;
	v8 =	vadd.f32 v10, v7;
	v10 =	vld [tilespmem:s4+$0x80]  }
0x112: {  	[tilespmem:s4+$0x20] =	vst v9;
	v9 =	vadd.f32 v11, v5;
	v11 =	vld [tilespmem:s4+$0x90]  }
0x113: {  	s9 =	sadd.s32 $0x4, s9;
	[tilespmem:s4+$0x30] =	vst v8;
	v8 =	vadd.f32 v14, v3;
	v14 =	vld [tilespmem:s4+$0xA0]  }
0x114: {  	p1 =	slt.u32 s9, $0x7C;
	[tilespmem:s4+$0x40] =	vst v9;
	v9 =	vadd.f32 v13, v1;
	v15 =	vld [tilespmem:s4+$0xB0]  }
.Ltmp2:
0x115: {  	[tilespmem:s4+$0x50] =	vst v8;
	v12 =	vadd.f32 v12, v0;
	v8 =	vld [tilespmem:s4+$0xC0];
	(pc) =	sbr.rel @p1 .LBB2_7-.Ltmp2, $4  }
0x116: {  	[tilespmem:s4+$0x60] =	vst v9;
	v13 =	vadd.f32 v10, v2;
	v9 =	vld [tilespmem:s4+$0xD0]  }
0x117: {  	[tilespmem:s4+$0x70] =	vst v12;
	v16 =	vadd.f32 v11, v4;
	v10 =	vld [tilespmem:s4+$0xE0]  }
0x118: {  	[tilespmem:s4+$0x80] =	vst v13;
	v13 =	vadd.f32 v14, v6;
	v11 =	vld [tilespmem:s4+$0xF0]  }
0x119: {  	s4 =	sadd.s32 $0x200, s4;
	v12 =	vld [tilespmem:s7+$0xFFFFFFF0];
	[tilespmem:s7+$0x90] =	vst v16;
	v14 =	vadd.f32 v15, v7  }
0x11a: {  	[tilespmem:s7+$0xA0] =	vst v13;
	v2 =	vadd.f32 v8, v5  }
0x11b: {  	[tilespmem:s7+$0xB0] =	vst v14;
	v3 =	vadd.f32 v9, v3  }
0x11c: {  	[tilespmem:s7+$0xC0] =	vst v2;
	v1 =	vadd.f32 v10, v1  }
0x11d: {  	s0 =	sshll.u32 s0, $0x14;
	[tilespmem:s7+$0xD0] =	vst v3;
	v2 =	vadd.f32 v11, v0  }
0x11e: {  	s0 =	sand.u32 $0x600000, s0;
	v0 =	vadd.f32 v12, v0;
	[tilespmem:s7+$0xE0] =	vst v1  }
0x11f: {  	s0 =	sor.u32 s30, s0;
	[tilespmem:s7+$0xF0] =	vst v2  }
0x120: {  	s0 =	sadd.s32 s0, s31;
	[tilespmem:s7+$0xFFFFFFF0] =	vst v0  }
0x121: {  	[hbm4b:s0+s12] =	stream.strided.scatter [tilespmem:s16], [sflag:$0x7], $0x4000, s17, s12, $0x38;
	[tilespmem:$0x14800] =	vst v63  }
0x122: {  	_ =	swait.ge [sflag:s21], $0x4000  }
0x123: {  	[sflag:s21] =	ssyncset.done $0x0  }
0x124: {  	s0 =	simm.s32 @!p0 $0x6;
	[sflag:s21] =	ssyncadd.s32 $0xFFFFC000  }
0x125: {  	_ =	swait.ge @!p0 [sflag:s0], $0x4000  }
0x126: {  	s4 =	simm.s32 @!p0 $0x80;
	[sflag:s0] =	ssyncset.done @!p0 $0x0  }
0x127: {  	[sflag:s0] =	ssyncadd.s32 @!p0 $0xFFFFC000;
	s0 =	sadd.s32 @!p0 $0x280, s6;
	s6 =	simm.s32 @!p0 $0x8800  }
0x128: {  	[tilespmem:s6], [sflag:$0x2] =	stream.indirect.gather @!p0 [hbm4b:s1+s4], $0x80, s0, s4, $0xb8;
	[tilespmem:$0x14800] =	vst v63  }
0x129: {  	v2 =	vld [tilespmem:s29+$0x4000]  }
0x12a: {  	v4 =	vld [tilespmem:s29+$0x4010]  }
0x12b: {  	v6 =	vld [tilespmem:s29+$0x4020]  }
0x12c: {  	v7 =	vld [tilespmem:s29+$0x4030]  }
0x12d: {  	v5 =	vld [tilespmem:s29+$0x4040]  }
0x12e: {  	v3 =	vld [tilespmem:s29+$0x4050]  }
0x12f: {  	v1 =	vld [tilespmem:s29+$0x4060]  }
0x130: {  	s0 =	simm.s32 $0x10900;
	v0 =	vld [tilespmem:s29+$0x4070]  }
0x131: {  	v8 =	vld [tilespmem:s0+$0xFFFFFF00]  }
0x132: {  	v9 =	vld [tilespmem:s0+$0xFFFFFF10]  }
0x133: {  	v10 =	vld [tilespmem:s0+$0xFFFFFF20]  }
0x134: {  	v11 =	vld [tilespmem:s0+$0xFFFFFF30]  }
0x135: {  	v12 =	vld [tilespmem:s0+$0xFFFFFF40]  }
0x136: {  	v13 =	vld [tilespmem:s0+$0xFFFFFF50];
	v8 =	vadd.f32 v8, v2  }
0x137: {  	v14 =	vld [tilespmem:s0+$0xFFFFFF60];
	v9 =	vadd.f32 v9, v4  }
0x138: {  	[tilespmem:s0+$0xFFFFFF00] =	vst v8;
	v8 =	vadd.f32 v10, v6;
	v10 =	vld [tilespmem:s0+$0xFFFFFF70]  }
0x139: {  	[tilespmem:s0+$0xFFFFFF10] =	vst v9;
	v9 =	vadd.f32 v11, v7;
	v11 =	vld [tilespmem:s0+$0xFFFFFF80]  }
0x13a: {  	[tilespmem:s0+$0xFFFFFF20] =	vst v8;
	v8 =	vadd.f32 v12, v5;
	v12 =	vld [tilespmem:s0+$0xFFFFFF90]  }
0x13b: {  	[tilespmem:s0+$0xFFFFFF30] =	vst v9;
	v9 =	vadd.f32 v13, v3;
	v13 =	vld [tilespmem:s0+$0xFFFFFFA0]  }
0x13c: {  	[tilespmem:s0+$0xFFFFFF40] =	vst v8;
	v8 =	vadd.f32 v14, v1;
	v14 =	vld [tilespmem:s0+$0xFFFFFFB0]  }
0x13d: {  	[tilespmem:s0+$0xFFFFFF50] =	vst v9;
	v9 =	vadd.f32 v10, v0;
	v10 =	vld [tilespmem:s0+$0xFFFFFFC0]  }
0x13e: {  	[tilespmem:s0+$0xFFFFFF60] =	vst v8;
	v8 =	vadd.f32 v11, v2;
	v11 =	vld [tilespmem:s0+$0xFFFFFFD0]  }
0x13f: {  	[tilespmem:s0+$0xFFFFFF70] =	vst v9;
	v9 =	vadd.f32 v12, v4;
	v12 =	vld [tilespmem:s0+$0xFFFFFFE0]  }
0x140: {  	[tilespmem:s0+$0xFFFFFF80] =	vst v8;
	v8 =	vadd.f32 v13, v6;
	v13 =	vld [tilespmem:s0+$0x0]  }
0x141: {  	[tilespmem:s0+$0xFFFFFF90] =	vst v9;
	v9 =	vadd.f32 v14, v7;
	v14 =	vld [tilespmem:s0+$0x10]  }
0x142: {  	[tilespmem:s0+$0xFFFFFFA0] =	vst v8;
	v8 =	vadd.f32 v10, v5;
	v10 =	vld [tilespmem:s0+$0x20]  }
0x143: {  	[tilespmem:s0+$0xFFFFFFB0] =	vst v9;
	v9 =	vadd.f32 v11, v3;
	v11 =	vld [tilespmem:s0+$0x30]  }
0x144: {  	[tilespmem:s0+$0xFFFFFFC0] =	vst v8;
	v8 =	vadd.f32 v12, v1;
	v12 =	vld [tilespmem:s0+$0x40]  }
0x145: {  	[tilespmem:s0+$0xFFFFFFD0] =	vst v9;
	v9 =	vadd.f32 v13, v2;
	v13 =	vld [tilespmem:s0+$0x50]  }
0x146: {  	[tilespmem:s0+$0xFFFFFFE0] =	vst v8;
	v8 =	vadd.f32 v14, v4;
	v14 =	vld [tilespmem:s0+$0x60]  }
0x147: {  	[tilespmem:s0+$0x0] =	vst v9;
	v9 =	vadd.f32 v10, v6;
	v10 =	vld [tilespmem:s0+$0x70]  }
0x148: {  	[tilespmem:s0+$0x10] =	vst v8;
	v8 =	vadd.f32 v11, v7;
	v11 =	vld [tilespmem:s0+$0x80]  }
0x149: {  	[tilespmem:s0+$0x20] =	vst v9;
	v9 =	vadd.f32 v12, v5;
	v12 =	vld [tilespmem:s0+$0x90]  }
0x14a: {  	[tilespmem:s0+$0x30] =	vst v8;
	v8 =	vadd.f32 v13, v3;
	v13 =	vld [tilespmem:s0+$0xA0]  }
0x14b: {  	[tilespmem:s0+$0x40] =	vst v9;
	v9 =	vadd.f32 v14, v1;
	v14 =	vld [tilespmem:s0+$0xB0]  }
0x14c: {  	[tilespmem:s0+$0x50] =	vst v8;
	v10 =	vadd.f32 v10, v0;
	v8 =	vld [tilespmem:s0+$0xC0]  }
0x14d: {  	[tilespmem:s0+$0x60] =	vst v9;
	v11 =	vadd.f32 v11, v2;
	v9 =	vld [tilespmem:s0+$0xD0]  }
0x14e: {  	[tilespmem:s0+$0x70] =	vst v10;
	v15 =	vadd.f32 v12, v4;
	v10 =	vld [tilespmem:s0+$0xE0]  }
0x14f: {  	[tilespmem:s0+$0x80] =	vst v11;
	v11 =	vld [tilespmem:s0+$0xF0];
	v13 =	vadd.f32 v13, v6  }
0x150: {  	s6 =	simm.s32 $0x0;
	s4 =	simm.s32 $0x10B00;
	v12 =	vld [tilespmem:s0+$0xFFFFFFF0];
	[tilespmem:s0+$0x90] =	vst v15;
	v14 =	vadd.f32 v14, v7  }
.LBB2_9:
0x151: {  	v15 =	vld [tilespmem:s4+$0xFFFFFF00];
	[tilespmem:s0+$0xA0] =	vst v13;
	v8 =	vadd.f32 v8, v5  }
0x152: {  	v13 =	vld [tilespmem:s4+$0xFFFFFF10];
	[tilespmem:s0+$0xB0] =	vst v14;
	v9 =	vadd.f32 v9, v3  }
0x153: {  	v14 =	vld [tilespmem:s4+$0xFFFFFF20];
	[tilespmem:s0+$0xC0] =	vst v8;
	v8 =	vadd.f32 v10, v1  }
0x154: {  	v10 =	vld [tilespmem:s4+$0xFFFFFF30];
	[tilespmem:s0+$0xD0] =	vst v9;
	v9 =	vadd.f32 v11, v0  }
0x155: {  	v11 =	vld [tilespmem:s4+$0xFFFFFF40];
	v12 =	vadd.f32 v12, v0;
	[tilespmem:s0+$0xE0] =	vst v8  }
0x156: {  	v8 =	vadd.f32 v15, v2;
	v15 =	vld [tilespmem:s4+$0xFFFFFF50];
	[tilespmem:s0+$0xF0] =	vst v9  }
0x157: {  	v9 =	vadd.f32 v13, v4;
	v13 =	vld [tilespmem:s4+$0xFFFFFF60];
	[tilespmem:s0+$0xFFFFFFF0] =	vst v12;
	s0 =	smov.u32 s4  }
0x158: {  	[tilespmem:s4+$0xFFFFFF00] =	vst v8;
	v8 =	vadd.f32 v14, v6;
	v12 =	vld [tilespmem:s4+$0xFFFFFF70]  }
0x159: {  	[tilespmem:s4+$0xFFFFFF10] =	vst v9;
	v9 =	vadd.f32 v10, v7;
	v10 =	vld [tilespmem:s4+$0xFFFFFF80]  }
0x15a: {  	[tilespmem:s4+$0xFFFFFF20] =	vst v8;
	v8 =	vadd.f32 v11, v5;
	v11 =	vld [tilespmem:s4+$0xFFFFFF90]  }
0x15b: {  	[tilespmem:s4+$0xFFFFFF30] =	vst v9;
	v9 =	vadd.f32 v15, v3;
	v14 =	vld [tilespmem:s4+$0xFFFFFFA0]  }
0x15c: {  	[tilespmem:s4+$0xFFFFFF40] =	vst v8;
	v8 =	vadd.f32 v13, v1;
	v13 =	vld [tilespmem:s4+$0xFFFFFFB0]  }
0x15d: {  	[tilespmem:s4+$0xFFFFFF50] =	vst v9;
	v9 =	vadd.f32 v12, v0;
	v12 =	vld [tilespmem:s4+$0xFFFFFFC0]  }
0x15e: {  	[tilespmem:s4+$0xFFFFFF60] =	vst v8;
	v8 =	vadd.f32 v10, v2;
	v10 =	vld [tilespmem:s4+$0xFFFFFFD0]  }
0x15f: {  	[tilespmem:s4+$0xFFFFFF70] =	vst v9;
	v9 =	vadd.f32 v11, v4;
	v11 =	vld [tilespmem:s4+$0xFFFFFFE0]  }
0x160: {  	[tilespmem:s4+$0xFFFFFF80] =	vst v8;
	v8 =	vadd.f32 v14, v6;
	v14 =	vld [tilespmem:s4+$0x0]  }
0x161: {  	[tilespmem:s4+$0xFFFFFF90] =	vst v9;
	v9 =	vadd.f32 v13, v7;
	v13 =	vld [tilespmem:s4+$0x10]  }
0x162: {  	[tilespmem:s4+$0xFFFFFFA0] =	vst v8;
	v8 =	vadd.f32 v12, v5;
	v12 =	vld [tilespmem:s4+$0x20]  }
0x163: {  	[tilespmem:s4+$0xFFFFFFB0] =	vst v9;
	v9 =	vadd.f32 v10, v3;
	v10 =	vld [tilespmem:s4+$0x30]  }
0x164: {  	[tilespmem:s4+$0xFFFFFFC0] =	vst v8;
	v8 =	vadd.f32 v11, v1;
	v11 =	vld [tilespmem:s4+$0x40]  }
0x165: {  	[tilespmem:s4+$0xFFFFFFD0] =	vst v9;
	v9 =	vadd.f32 v14, v2;
	v14 =	vld [tilespmem:s4+$0x50]  }
0x166: {  	[tilespmem:s4+$0xFFFFFFE0] =	vst v8;
	v8 =	vadd.f32 v13, v4;
	v13 =	vld [tilespmem:s4+$0x60]  }
0x167: {  	[tilespmem:s4+$0x0] =	vst v9;
	v9 =	vadd.f32 v12, v6;
	v12 =	vld [tilespmem:s4+$0x70]  }
0x168: {  	[tilespmem:s4+$0x10] =	vst v8;
	v8 =	vadd.f32 v10, v7;
	v10 =	vld [tilespmem:s4+$0x80]  }
0x169: {  	[tilespmem:s4+$0x20] =	vst v9;
	v9 =	vadd.f32 v11, v5;
	v11 =	vld [tilespmem:s4+$0x90]  }
0x16a: {  	s6 =	sadd.s32 $0x4, s6;
	[tilespmem:s4+$0x30] =	vst v8;
	v8 =	vadd.f32 v14, v3;
	v14 =	vld [tilespmem:s4+$0xA0]  }
0x16b: {  	p0 =	slt.u32 s6, $0x7C;
	[tilespmem:s4+$0x40] =	vst v9;
	v9 =	vadd.f32 v13, v1;
	v15 =	vld [tilespmem:s4+$0xB0]  }
.Ltmp3:
0x16c: {  	[tilespmem:s4+$0x50] =	vst v8;
	v12 =	vadd.f32 v12, v0;
	v8 =	vld [tilespmem:s4+$0xC0];
	(pc) =	sbr.rel @p0 .LBB2_9-.Ltmp3, $4  }
0x16d: {  	[tilespmem:s4+$0x60] =	vst v9;
	v13 =	vadd.f32 v10, v2;
	v9 =	vld [tilespmem:s4+$0xD0]  }
0x16e: {  	[tilespmem:s4+$0x70] =	vst v12;
	v16 =	vadd.f32 v11, v4;
	v10 =	vld [tilespmem:s4+$0xE0]  }
0x16f: {  	[tilespmem:s4+$0x80] =	vst v13;
	v13 =	vadd.f32 v14, v6;
	v11 =	vld [tilespmem:s4+$0xF0]  }
0x170: {  	s4 =	sadd.s32 $0x200, s4;
	v12 =	vld [tilespmem:s0+$0xFFFFFFF0];
	[tilespmem:s0+$0x90] =	vst v16;
	v14 =	vadd.f32 v15, v7  }
0x171: {  	[tilespmem:s0+$0xA0] =	vst v13;
	v2 =	vadd.f32 v8, v5  }
0x172: {  	s28 =	sadd.s32 $0x1, s28;
	[tilespmem:s0+$0xB0] =	vst v14;
	v3 =	vadd.f32 v9, v3  }
0x173: {  	p0 =	sne.s32 s28, $0x20;
	[tilespmem:s0+$0xC0] =	vst v2;
	v1 =	vadd.f32 v10, v1  }
.Ltmp4:
0x174: {  	s2 =	sshll.u32 s2, $0x14;
	[tilespmem:s0+$0xD0] =	vst v3;
	v62 =	vadd.f32 v11, v0;
	(pc) =	sbr.rel @p0 .LBB2_2-.Ltmp4, $4  }
0x175: {  	s2 =	sand.u32 $0x700000, s2;
	v63 =	vadd.f32 v12, v0;
	[tilespmem:s0+$0xE0] =	vst v1  }
0x176: {  	s2 =	sor.u32 s30, s2;
	[tilespmem:s0+$0xF0] =	vst v62  }
0x177: {  	s31 =	sadd.s32 s2, s31;
	[tilespmem:s0+$0xFFFFFFF0] =	vst v63  }
0x178: {  	[hbm4b:s31+s12] =	stream.strided.scatter [tilespmem:s19], [sflag:$0x8], $0x4000, s17, s12, $0x38;
	[tilespmem:$0x14800] =	vst v63  }
0x179: {  	_ =	swait.ge [sflag:s22], $0x4000  }
0x17a: {  	[sflag:s22] =	ssyncset.done $0x0  }
0x17b: {  	[sflag:s22] =	ssyncadd.s32 $0xFFFFC000  }
0x17c: {  	_ =	swait.ge [sflag:s23], $0x4000  }
0x17d: {  	[sflag:s23] =	ssyncset.done $0x0  }
0x17e: {  	[sflag:s23] =	ssyncadd.s32 $0xFFFFC000  }
0x17f: {  	_ =	swait.ge [sflag:s24], $0x4000  }
0x180: {  	[sflag:s24] =	ssyncset.done $0x0  }
0x181: {  	[sflag:s24] =	ssyncadd.s32 $0xFFFFC000  }
0x182: {  	_ =	swait.ge [sflag:s25], $0x4000  }
0x183: {  	s26 =	sadd.s32 $0x1, s26;
	s0 =	rddreg [dreg:$0x7]  }
0x184: {  	p0 =	sne.s32 s26, s0  }
.Ltmp5:
0x185: {  	_ = 	snop;
	(pc) =	sbr.rel @p0 .LBB2_1-.Ltmp5, $3  }
0x186: {  	_ =	sdelay $0x1  }
0x187: {  	[sflag:s25] =	ssyncset.done $0x0  }
0x188: {  	[sflag:s25] =	ssyncadd.s32 $0xFFFFC000  }
0x189: {  	_ =	sfence.sel $0x180000  }
0x18a: {  	[bflag:$0x0] =	sbarrier.arrive $0xFFFF  }
0x18b: {  	_ =	strace $0x90000047  }
0x18c: {  	s0 =	stileid.u32;
	[bflag:$0x2] =	sbarrier.arrive $0xFFFF  }
0x18d: {  	p0 =	sne.s32 s0, $0x0;
	s0 =	rddreg [dreg:$0x4]  }
0x18e: {  	s0 =	sadd.s32 @!p0 $0x100000, s0  }
0x18f: {  	[sflag:s0] =	ssyncadd.tile.s32 @!p0 $0x1;
	_ =	shalt  }
.Lfunc_end2:
_tile_overlayer_lowered:
.L_overlay_start_2:
0x190: {  	(tag) =	ssettag $0x2  }
0x191: {  	s0 =	rddreg [dreg:$0x0];
	s2 =	stileid.u32  }
0x192: {  	s1 =	rddreg [dreg:$0x1];
	p0 =	sne.s32 s2, $0x0  }
0x193: {  	s3 =	rddreg [dreg:$0x2];
	[bflag:$0x3] =	sbarrier.arrive $0xFFFF;
	s2 =	simm.s32 @!p0 $0x1C09  }
0x194: {  	[timem:s3], [sflag:s2] =	dma.local @!p0 [hbm:s0], s1  }
0x195: {  	s0 =	simm.s32 @!p0 $0x9  }
0x196: {  	_ =	swait.ge @!p0 [sflag:s0], s1  }
0x197: {  	s1 =	ssub.s32 @!p0 $0x0, s1;
	[sflag:s0] =	ssyncset.done @!p0 $0x0  }
0x198: {  	[sflag:s0] =	ssyncadd.s32 @!p0 s1  }
0x199: {  	[bflag:$0x3] =	sbarrier.arrive $0xFFFF  }
0x19a: {  	_ =	shalt  }

</sc_bundles>
